<compile_context>
chip_gen: v7x
topology: tpu7x:2x2x1
jax: 0.10.2.dev20260603
libtpu: 0.0.44.dev20260713+nightly
codegen_flags: <defaults>
</compile_context>

<pallas_src>
import functools

import jax
import jax.numpy as jnp
from jax import lax
from jax.experimental import pallas as pl
from jax.experimental.pallas import tpu as pltpu
from jax.experimental.pallas import tpu_sc as plsc

N = 10000
E = 320000
D = 128
F = 16
B = 64

NC = 2
NS = 16
NW = NC * NS
N_PAD = 10240
RPT = N_PAD // NS
EPT = E // NW
CHUNK = 2000
NCHUNK = EPT // CHUNK

PK = 128 // F
NPR = N // PK
NPR_PAD = N_PAD // PK


def _mesh():
    return plsc.VectorSubcoreMesh(
        core_axis_name="c", subcore_axis_name="s", num_cores=NC, num_subcores=NS
    )


@functools.cache
def _build_sc_degree():
    return pl.kernel(
        _sc_degree_body,
        out_type=jax.ShapeDtypeStruct((NC, N_PAD, F), jnp.float32),
        mesh=_mesh(),
        compiler_params=pltpu.CompilerParams(use_tc_tiling_on_sc=False),
        scratch_types=[
            pltpu.VMEM((EPT,), jnp.int32),
            pltpu.VMEM((EPT,), jnp.float32),
            pltpu.VMEM((RPT,), jnp.float32),
            pltpu.VMEM((RPT, F), jnp.float32),
            pltpu.VMEM_SHARED((N_PAD,), jnp.float32),
            pltpu.SemaphoreType.DMA,
        ],
    )


def _sc_degree_body(ei_hbm, zeros1_hbm, ones1_hbm, out_hbm, didx,
                    ones, dloc, zbuf, acc, sem):
    c = lax.axis_index("c")
    s = lax.axis_index("s")
    base = (s * NC + c) * EPT
    idxcp = pltpu.async_copy(ei_hbm.at[1, pl.ds(base, EPT)], didx, sem)
    pltpu.sync_copy(zeros1_hbm, dloc)
    pltpu.sync_copy(ones1_hbm, ones)
    pltpu.sync_copy(dloc, acc.at[pl.ds(s * RPT, RPT)])
    plsc.subcore_barrier()

    idxcp.wait()
    pltpu.sync_copy(ones, acc.at[didx], add=True)

    plsc.subcore_barrier()
    pltpu.sync_copy(acc.at[pl.ds(s * RPT, RPT)], dloc)

    def expand(g, carry):
        v = dloc[pl.ds(g * 16, 16)]
        for u in range(16):
            zbuf[g * 16 + u, :] = jnp.full((F,), v[u], jnp.float32)
        return carry

    lax.fori_loop(0, RPT // 16, expand, 0)
    pltpu.sync_copy(zbuf, out_hbm.at[c, pl.ds(s * RPT, RPT)])


@functools.cache
def _build_sc_aggregate():
    return pl.kernel(
        _sc_aggregate_body,
        out_type=jax.ShapeDtypeStruct((NC, N_PAD, F), jnp.float32),
        mesh=_mesh(),
        compiler_params=pltpu.CompilerParams(use_tc_tiling_on_sc=False),
        scratch_types=(
            [pltpu.VMEM((CHUNK,), jnp.int32)] * 4 +
            [pltpu.VMEM((CHUNK,), jnp.int32)] * 4 +
            [pltpu.VMEM((CHUNK, F), jnp.float32)] * 2 +
            [pltpu.VMEM((RPT, F), jnp.float32),
             pltpu.VMEM_SHARED((N_PAD, F), jnp.float32)] +
            [pltpu.SemaphoreType.DMA] * 8
        ),
    )


def _sc_aggregate_body(y_hbm, ei_hbm, zeros_hbm, out_hbm,
                       si0, si1, si2, si3, di0, di1, di2, di3, rows0, rows1,
                       zbuf, acc, gsem0, gsem1, isem0, isem1, isem2, isem3,
                       ssem0, ssem1):
    c = lax.axis_index("c")
    s = lax.axis_index("s")
    base = (s * NC + c) * EPT
    sbuf = (si0, si1, si2, si3)
    dbuf = (di0, di1, di2, di3)
    rbuf = (rows0, rows1)
    gsems = (gsem0, gsem1)
    isems = (isem0, isem1, isem2, isem3)
    ssems = (ssem0, ssem1)

    def idx_start(k):
        j = k % 4
        e0 = base + k * CHUNK
        cs = pltpu.async_copy(ei_hbm.at[0, pl.ds(e0, CHUNK)], sbuf[j],
                              isems[j])
        cd = pltpu.async_copy(ei_hbm.at[1, pl.ds(e0, CHUNK)], dbuf[j],
                              isems[j])
        return (cs, cd)

    idx = [None] * 4
    gathers = [None, None]
    scats = [None] * NCHUNK
    idx[0] = idx_start(0)
    if NCHUNK > 1:
        idx[1] = idx_start(1)
    idx[0][0].wait()
    idx[0][1].wait()
    gathers[0] = pltpu.async_copy(y_hbm.at[sbuf[0]], rows0, gsem0)

    pltpu.sync_copy(zeros_hbm, zbuf)
    pltpu.sync_copy(zbuf, acc.at[pl.ds(s * RPT, RPT)])
    plsc.subcore_barrier()

    for k in range(NCHUNK):
        b = k % 2
        nb = (k + 1) % 2
        if k + 1 < NCHUNK:
            idx[(k + 1) % 4][0].wait()
            idx[(k + 1) % 4][1].wait()
            if k >= 1:
                scats[k - 1].wait()
            gathers[nb] = pltpu.async_copy(y_hbm.at[sbuf[(k + 1) % 4]],
                                           rbuf[nb], gsems[nb])
        gathers[b].wait()
        scats[k] = pltpu.async_copy(rbuf[b], acc.at[dbuf[k % 4]], ssems[b],
                                    add=True)
        if k + 2 < NCHUNK:
            idx[(k + 2) % 4] = idx_start(k + 2)

    if NCHUNK >= 2:
        scats[NCHUNK - 2].wait()
    scats[NCHUNK - 1].wait()
    plsc.subcore_barrier()
    pltpu.sync_copy(acc.at[pl.ds(s * RPT, RPT)], out_hbm.at[c, pl.ds(s * RPT, RPT)])


def _tc_mm1_body(x_ref, w_ref, xw_ref):
    xw_ref[...] = jnp.dot(x_ref[...], w_ref[...],
                          preferred_element_type=jnp.float32)


def _dinv_packed(deg_ref):
    return lax.rsqrt(deg_ref[0, :NPR] + deg_ref[1, :NPR] + 1.0)


def _tc_scale_body(xw_ref, deg_ref, y_ref):
    y_ref[...] = xw_ref[...] * _dinv_packed(deg_ref)


def _tc_mid_body(acc_ref, y_ref, deg_ref, b_ref, wbd_ref, out_ref):
    dinv = _dinv_packed(deg_ref)
    h = dinv * (acc_ref[0, :NPR] + acc_ref[1, :NPR] + y_ref[...]) + b_ref[...]
    h = jnp.maximum(h, 0.0)
    out_ref[...] = jnp.dot(h, wbd_ref[...],
                           preferred_element_type=jnp.float32) * dinv


def _tc_final_body(acc_ref, y_ref, deg_ref, b_ref, batcht_ref, out_ref):
    dinv = _dinv_packed(deg_ref)
    z = dinv * (acc_ref[0, :NPR] + acc_ref[1, :NPR] + y_ref[...]) + b_ref[...]
    z = jnp.maximum(z, 0.0)
    gid = lax.broadcasted_iota(jnp.int32, (B, 1), 0)
    psum = jnp.zeros((B, F), jnp.float32)
    cnt = jnp.zeros((B, 1), jnp.float32)
    for u in range(PK):
        oh = (batcht_ref[u:u + 1, :] == gid).astype(jnp.float32)
        psum = psum + jnp.dot(oh, z[:, u * F:(u + 1) * F],
                              preferred_element_type=jnp.float32)
        cnt = cnt + jnp.sum(oh, axis=1, keepdims=True)
    pooled = psum / jnp.maximum(cnt, 1.0)
    m = jnp.max(pooled, axis=1, keepdims=True)
    ex = jnp.exp(pooled - m)
    lse = jnp.log(jnp.sum(ex, axis=1, keepdims=True))
    out_ref[...] = pooled - m - lse


_tc_mm1 = pl.pallas_call(
    _tc_mm1_body, out_shape=jax.ShapeDtypeStruct((NPR, 128), jnp.float32))
_tc_scale = pl.pallas_call(
    _tc_scale_body, out_shape=jax.ShapeDtypeStruct((NPR, 128), jnp.float32))
_tc_mid = pl.pallas_call(
    _tc_mid_body, out_shape=jax.ShapeDtypeStruct((NPR, 128), jnp.float32))
_tc_final = pl.pallas_call(
    _tc_final_body, out_shape=jax.ShapeDtypeStruct((B, F), jnp.float32))


def kernel(x, edge_index, batch, W1, b1, W2, b2):
    zeros_rp = jnp.zeros((RPT, F), jnp.float32)
    zeros1 = jnp.zeros((RPT,), jnp.float32)
    ones1 = jnp.ones((EPT,), jnp.float32)
    w1bd = jnp.kron(jnp.eye(PK, dtype=jnp.float32), W1)
    w2bd = jnp.kron(jnp.eye(PK, dtype=jnp.float32), W2)
    b1t = jnp.tile(b1, PK).reshape(1, 128)
    b2t = jnp.tile(b2, PK).reshape(1, 128)
    batch_t = batch.reshape(NPR, PK).T

    sc_degree = _build_sc_degree()
    sc_aggregate = _build_sc_aggregate()

    deg16 = sc_degree(edge_index, zeros1, ones1)
    degp = deg16.reshape(NC, NPR_PAD, 128)
    xwp = _tc_mm1(x.reshape(NPR, PK * D), w1bd)
    y1p = _tc_scale(xwp, degp)
    acc1 = sc_aggregate(y1p.reshape(N, F), edge_index, zeros_rp)
    y2p = _tc_mid(acc1.reshape(NC, NPR_PAD, 128), y1p, degp, b1t, w2bd)
    acc2 = sc_aggregate(y2p.reshape(N, F), edge_index, zeros_rp)
    out = _tc_final(acc2.reshape(NC, NPR_PAD, 128), y2p, degp, b2t, batch_t)
    return out

# --- scband reference (transcript-rebuilt; emitter-appended) ---
"""Pipeline reference for scband-gnn-77850577207790 (READ-ONLY COPY).

The authoritative reference and input builder live on the scoring server;
editing this copy changes nothing except your own understanding.
"""

import jax, jax.numpy as jnp
import numpy as np

N = 10000
E = 320000
D = 128
H = 16
C = 16
B = 64


def gcn_conv(x, edge_index, W, b):
    # PyG GCNConv: linear transform, add self-loops, symmetric normalization, scatter-add aggregate
    xw = x @ W
    n = x.shape[0]
    loop = jnp.arange(n, dtype=edge_index.dtype)
    src = jnp.concatenate([edge_index[0], loop])
    dst = jnp.concatenate([edge_index[1], loop])
    deg = jnp.zeros((n,), dtype=xw.dtype).at[dst].add(1.0)
    dinv = jnp.where(deg > 0, 1.0 / jnp.sqrt(deg), 0.0)
    norm = dinv[src] * dinv[dst]
    msgs = xw[src] * norm[:, None]
    out = jnp.zeros((n, xw.shape[1]), dtype=xw.dtype).at[dst].add(msgs)
    return out + b


def setup_inputs(seed: int = 0) -> dict:
    key = jax.random.key(seed)
    k1, k2, k3, k4, k5, k6, k7 = jax.random.split(key, 7)
    x = jax.random.normal(k1, (N, D), dtype=jnp.float32)
    edge_index = jax.random.randint(k2, (2, E), 0, N, dtype=jnp.int32)
    batch = jnp.sort(jax.random.randint(k3, (N,), 0, B, dtype=jnp.int32))
    W1 = jax.random.normal(k4, (D, H), dtype=jnp.float32) * (1.0 / np.sqrt(D))
    b1 = jnp.zeros((H,), dtype=jnp.float32)
    W2 = jax.random.normal(k5, (H, C), dtype=jnp.float32) * (1.0 / np.sqrt(H))
    b2 = jnp.zeros((C,), dtype=jnp.float32)
    return {"x": x, "edge_index": edge_index, "batch": batch, "W1": W1, "b1": b1, "W2": W2, "b2": b2}


def reference(x, edge_index, batch, W1, b1, W2, b2):
    h = jax.nn.relu(gcn_conv(x, edge_index, W1, b1))
    h = jax.nn.relu(gcn_conv(h, edge_index, W2, b2))
    sums = jax.ops.segment_sum(h, batch, num_segments=B)
    cnts = jax.ops.segment_sum(jnp.ones((N,), dtype=h.dtype), batch, num_segments=B)
    pooled = sums / jnp.maximum(cnts, 1.0)[:, None]
    return jax.nn.log_softmax(pooled, axis=1)

if __name__ == "__main__":
    import jax
    _d = setup_inputs()
    print(jax.jit(kernel)(*tuple(_d.values())))

</pallas_src>

<mosaic_0001>
#map = affine_map<(d0, d1) -> (0, 0)>
#map1 = affine_map<(d0, d1) -> (0, 0, 0)>
module attributes {stable_mosaic.version = 14 : i64} {
  func.func @_sc_aggregate_body(%arg0: i32, %arg1: i32, %arg2: memref<10000x16xf32, #tpu.memory_space<hbm>>, %arg3: memref<2x320000xi32, #tpu.memory_space<hbm>>, %arg4: memref<640x16xf32, #tpu.memory_space<hbm>>, %arg5: memref<2x10240x16xf32, #tpu.memory_space<hbm>>, %arg6: memref<2000xi32, #tpu.memory_space<vmem>>, %arg7: memref<2000xi32, #tpu.memory_space<vmem>>, %arg8: memref<2000xi32, #tpu.memory_space<vmem>>, %arg9: memref<2000xi32, #tpu.memory_space<vmem>>, %arg10: memref<2000xi32, #tpu.memory_space<vmem>>, %arg11: memref<2000xi32, #tpu.memory_space<vmem>>, %arg12: memref<2000xi32, #tpu.memory_space<vmem>>, %arg13: memref<2000xi32, #tpu.memory_space<vmem>>, %arg14: memref<2000x16xf32, #tpu.memory_space<vmem>>, %arg15: memref<2000x16xf32, #tpu.memory_space<vmem>>, %arg16: memref<640x16xf32, #tpu.memory_space<vmem>>, %arg17: memref<10240x16xf32, #tpu.memory_space<vmem_shared>>, %arg18: memref<!tpu.dma_semaphore, #tpu.memory_space<semaphore_mem>>, %arg19: memref<!tpu.dma_semaphore, #tpu.memory_space<semaphore_mem>>, %arg20: memref<!tpu.dma_semaphore, #tpu.memory_space<semaphore_mem>>, %arg21: memref<!tpu.dma_semaphore, #tpu.memory_space<semaphore_mem>>, %arg22: memref<!tpu.dma_semaphore, #tpu.memory_space<semaphore_mem>>, %arg23: memref<!tpu.dma_semaphore, #tpu.memory_space<semaphore_mem>>, %arg24: memref<!tpu.dma_semaphore, #tpu.memory_space<semaphore_mem>>, %arg25: memref<!tpu.dma_semaphore, #tpu.memory_space<semaphore_mem>>) attributes {dimension_semantics = [#tpu.dimension_semantics<core_parallel>, #tpu.dimension_semantics<subcore_parallel>], iteration_bounds = array<i64: 2, 16>, scalar_prefetch = 0 : i64, scratch_operands = 20 : i64, tpu.core_type = #tpu.core_type<sc_vector_subcore>, window_params = [{transform_indices = #map}, {transform_indices = #map}, {transform_indices = #map}, {transform_indices = #map1}]} {
    %mul3A = arith.constant 2 : i32
    %mul3A_0 = arith.muli %arg1, %mul3A : i32
    %add3A = arith.addi %mul3A_0, %arg0 : i32
    %mul3A_1 = arith.constant 10000 : i32
    %mul3A_2 = arith.muli %add3A, %mul3A_1 : i32
    %add3A_3 = arith.constant 0 : i32
    %add3A_4 = arith.addi %mul3A_2, %add3A_3 : i32
    %dma_start3A = arith.constant 0 : i32
    %dma_start3A_5 = tpu.memref_slice %arg3[%dma_start3A, %add3A_4] : memref<2x320000xi32, #tpu.memory_space<hbm>> -> memref<1x2000xi32, #tpu.memory_space<hbm>>
    %dma_start3A_6 = tpu.memref_squeeze %dma_start3A_5 : memref<1x2000xi32, #tpu.memory_space<hbm>> -> memref<2000xi32, #tpu.memory_space<hbm>>
    %dma_start3A_7 = tpu.memref_slice %arg3[%dma_start3A, %add3A_4] : memref<2x320000xi32, #tpu.memory_space<hbm>> -> memref<1x2000xi32, #tpu.memory_space<hbm>>
    %dma_start3A_8 = tpu.memref_squeeze %dma_start3A_7 : memref<1x2000xi32, #tpu.memory_space<hbm>> -> memref<2000xi32, #tpu.memory_space<hbm>>
    tpu.enqueue_dma source(%dma_start3A_8 : memref<2000xi32, #tpu.memory_space<hbm>>) target(%arg6 : memref<2000xi32, #tpu.memory_space<vmem>>) target_semaphore(%arg20 : memref<!tpu.dma_semaphore, #tpu.memory_space<semaphore_mem>>)
    %dma_start3A_9 = arith.constant 1 : i32
    %dma_start3A_10 = tpu.memref_slice %arg3[%dma_start3A_9, %add3A_4] : memref<2x320000xi32, #tpu.memory_space<hbm>> -> memref<1x2000xi32, #tpu.memory_space<hbm>>
    %dma_start3A_11 = tpu.memref_squeeze %dma_start3A_10 : memref<1x2000xi32, #tpu.memory_space<hbm>> -> memref<2000xi32, #tpu.memory_space<hbm>>
    %dma_start3A_12 = tpu.memref_slice %arg3[%dma_start3A_9, %add3A_4] : memref<2x320000xi32, #tpu.memory_space<hbm>> -> memref<1x2000xi32, #tpu.memory_space<hbm>>
    %dma_start3A_13 = tpu.memref_squeeze %dma_start3A_12 : memref<1x2000xi32, #tpu.memory_space<hbm>> -> memref<2000xi32, #tpu.memory_space<hbm>>
    tpu.enqueue_dma source(%dma_start3A_13 : memref<2000xi32, #tpu.memory_space<hbm>>) target(%arg10 : memref<2000xi32, #tpu.memory_space<vmem>>) target_semaphore(%arg20 : memref<!tpu.dma_semaphore, #tpu.memory_space<semaphore_mem>>)
    %add3A_14 = arith.constant 2000 : i32
    %add3A_15 = arith.addi %mul3A_2, %add3A_14 : i32
    %dma_start3A_16 = arith.constant 0 : i32
    %dma_start3A_17 = tpu.memref_slice %arg3[%dma_start3A_16, %add3A_15] : memref<2x320000xi32, #tpu.memory_space<hbm>> -> memref<1x2000xi32, #tpu.memory_space<hbm>>
    %dma_start3A_18 = tpu.memref_squeeze %dma_start3A_17 : memref<1x2000xi32, #tpu.memory_space<hbm>> -> memref<2000xi32, #tpu.memory_space<hbm>>
    %dma_start3A_19 = tpu.memref_slice %arg3[%dma_start3A_16, %add3A_15] : memref<2x320000xi32, #tpu.memory_space<hbm>> -> memref<1x2000xi32, #tpu.memory_space<hbm>>
    %dma_start3A_20 = tpu.memref_squeeze %dma_start3A_19 : memref<1x2000xi32, #tpu.memory_space<hbm>> -> memref<2000xi32, #tpu.memory_space<hbm>>
    tpu.enqueue_dma source(%dma_start3A_20 : memref<2000xi32, #tpu.memory_space<hbm>>) target(%arg7 : memref<2000xi32, #tpu.memory_space<vmem>>) target_semaphore(%arg21 : memref<!tpu.dma_semaphore, #tpu.memory_space<semaphore_mem>>)
    %dma_start3A_21 = arith.constant 1 : i32
    %dma_start3A_22 = tpu.memref_slice %arg3[%dma_start3A_21, %add3A_15] : memref<2x320000xi32, #tpu.memory_space<hbm>> -> memref<1x2000xi32, #tpu.memory_space<hbm>>
    %dma_start3A_23 = tpu.memref_squeeze %dma_start3A_22 : memref<1x2000xi32, #tpu.memory_space<hbm>> -> memref<2000xi32, #tpu.memory_space<hbm>>
    %dma_start3A_24 = tpu.memref_slice %arg3[%dma_start3A_21, %add3A_15] : memref<2x320000xi32, #tpu.memory_space<hbm>> -> memref<1x2000xi32, #tpu.memory_space<hbm>>
    %dma_start3A_25 = tpu.memref_squeeze %dma_start3A_24 : memref<1x2000xi32, #tpu.memory_space<hbm>> -> memref<2000xi32, #tpu.memory_space<hbm>>
    tpu.enqueue_dma source(%dma_start3A_25 : memref<2000xi32, #tpu.memory_space<hbm>>) target(%arg11 : memref<2000xi32, #tpu.memory_space<vmem>>) target_semaphore(%arg21 : memref<!tpu.dma_semaphore, #tpu.memory_space<semaphore_mem>>)
    %dma_wait3A = arith.constant 0 : i32
    %dma_wait3A_26 = tpu.memref_slice %arg3[%dma_wait3A, %add3A_4] : memref<2x320000xi32, #tpu.memory_space<hbm>> -> memref<1x2000xi32, #tpu.memory_space<hbm>>
    %dma_wait3A_27 = tpu.memref_squeeze %dma_wait3A_26 : memref<1x2000xi32, #tpu.memory_space<hbm>> -> memref<2000xi32, #tpu.memory_space<hbm>>
    %dma_wait3A_28 = tpu.memref_slice %arg3[%dma_wait3A, %add3A_4] : memref<2x320000xi32, #tpu.memory_space<hbm>> -> memref<1x2000xi32, #tpu.memory_space<hbm>>
    %dma_wait3A_29 = tpu.memref_squeeze %dma_wait3A_28 : memref<1x2000xi32, #tpu.memory_space<hbm>> -> memref<2000xi32, #tpu.memory_space<hbm>>
    tpu.wait_dma2 semaphore(%arg20 : memref<!tpu.dma_semaphore, #tpu.memory_space<semaphore_mem>>) src(%dma_wait3A_29 : memref<2000xi32, #tpu.memory_space<hbm>>) dst(%arg6 : memref<2000xi32, #tpu.memory_space<vmem>>)
    %dma_wait3A_30 = arith.constant 1 : i32
    %dma_wait3A_31 = tpu.memref_slice %arg3[%dma_wait3A_30, %add3A_4] : memref<2x320000xi32, #tpu.memory_space<hbm>> -> memref<1x2000xi32, #tpu.memory_space<hbm>>
    %dma_wait3A_32 = tpu.memref_squeeze %dma_wait3A_31 : memref<1x2000xi32, #tpu.memory_space<hbm>> -> memref<2000xi32, #tpu.memory_space<hbm>>
    %dma_wait3A_33 = tpu.memref_slice %arg3[%dma_wait3A_30, %add3A_4] : memref<2x320000xi32, #tpu.memory_space<hbm>> -> memref<1x2000xi32, #tpu.memory_space<hbm>>
    %dma_wait3A_34 = tpu.memref_squeeze %dma_wait3A_33 : memref<1x2000xi32, #tpu.memory_space<hbm>> -> memref<2000xi32, #tpu.memory_space<hbm>>
    tpu.wait_dma2 semaphore(%arg20 : memref<!tpu.dma_semaphore, #tpu.memory_space<semaphore_mem>>) src(%dma_wait3A_34 : memref<2000xi32, #tpu.memory_space<hbm>>) dst(%arg10 : memref<2000xi32, #tpu.memory_space<vmem>>)
    %dma_start3A_35 = arith.constant 0 : i32
    %dma_start3A_36 = arith.constant 0 : i32
    %dma_start3A_37 = tpu.memref_slice %arg2[%dma_start3A_35, %dma_start3A_36] : memref<10000x16xf32, #tpu.memory_space<hbm>> -> memref<10000x16xf32, #tpu.memory_space<hbm>>
    tpu.enqueue_indirect_dma source(%dma_start3A_37 : memref<10000x16xf32, #tpu.memory_space<hbm>>) target(%arg14 : memref<2000x16xf32, #tpu.memory_space<vmem>>) offsets(%arg6 : memref<2000xi32, #tpu.memory_space<vmem>>) semaphore(%arg18 : memref<!tpu.dma_semaphore, #tpu.memory_space<semaphore_mem>>)
    "tpu.region"() ({
      %run_scoped3A = tpu.sem_alloc : memref<!tpu.dma_semaphore, #tpu.memory_space<semaphore_mem>>
      tpu.enqueue_dma source(%arg4 : memref<640x16xf32, #tpu.memory_space<hbm>>) target(%arg16 : memref<640x16xf32, #tpu.memory_space<vmem>>) target_semaphore(%run_scoped3A : memref<!tpu.dma_semaphore, #tpu.memory_space<semaphore_mem>>)
      tpu.wait_dma2 semaphore(%run_scoped3A : memref<!tpu.dma_semaphore, #tpu.memory_space<semaphore_mem>>) src(%arg4 : memref<640x16xf32, #tpu.memory_space<hbm>>) dst(%arg16 : memref<640x16xf32, #tpu.memory_space<vmem>>)
      tpu.yield
    }) : () -> ()
    %mul3A_38 = arith.constant 640 : i32
    %mul3A_39 = arith.muli %arg1, %mul3A_38 : i32
    "tpu.region"() ({
      %run_scoped3A = tpu.sem_alloc : memref<!tpu.dma_semaphore, #tpu.memory_space<semaphore_mem>>
      %dma_start3A_178 = arith.constant 0 : i32
      %dma_start3A_179 = tpu.memref_slice %arg17[%mul3A_39, %dma_start3A_178] : memref<10240x16xf32, #tpu.memory_space<vmem_shared>> -> memref<640x16xf32, #tpu.memory_space<vmem_shared>>
      %dma_start3A_180 = arith.constant 0 : i32
      %dma_start3A_181 = tpu.memref_slice %arg17[%mul3A_39, %dma_start3A_180] : memref<10240x16xf32, #tpu.memory_space<vmem_shared>> -> memref<640x16xf32, #tpu.memory_space<vmem_shared>>
      tpu.enqueue_dma source(%arg16 : memref<640x16xf32, #tpu.memory_space<vmem>>) target(%dma_start3A_181 : memref<640x16xf32, #tpu.memory_space<vmem_shared>>) target_semaphore(%run_scoped3A : memref<!tpu.dma_semaphore, #tpu.memory_space<semaphore_mem>>)
      %dma_wait3A_182 = arith.constant 0 : i32
      %dma_wait3A_183 = tpu.memref_slice %arg17[%mul3A_39, %dma_wait3A_182] : memref<10240x16xf32, #tpu.memory_space<vmem_shared>> -> memref<640x16xf32, #tpu.memory_space<vmem_shared>>
      %dma_wait3A_184 = arith.constant 0 : i32
      %dma_wait3A_185 = tpu.memref_slice %arg17[%mul3A_39, %dma_wait3A_184] : memref<10240x16xf32, #tpu.memory_space<vmem_shared>> -> memref<640x16xf32, #tpu.memory_space<vmem_shared>>
      tpu.wait_dma2 semaphore(%run_scoped3A : memref<!tpu.dma_semaphore, #tpu.memory_space<semaphore_mem>>) src(%arg16 : memref<640x16xf32, #tpu.memory_space<vmem>>) dst(%dma_wait3A_185 : memref<640x16xf32, #tpu.memory_space<vmem_shared>>)
      tpu.yield
    }) : () -> ()
    %barrier3A = arith.constant 0 : index
    tpu.barrier barrier_id(%barrier3A)
    %dma_wait3A_40 = arith.constant 0 : i32
    %dma_wait3A_41 = tpu.memref_slice %arg3[%dma_wait3A_40, %add3A_15] : memref<2x320000xi32, #tpu.memory_space<hbm>> -> memref<1x2000xi32, #tpu.memory_space<hbm>>
    %dma_wait3A_42 = tpu.memref_squeeze %dma_wait3A_41 : memref<1x2000xi32, #tpu.memory_space<hbm>> -> memref<2000xi32, #tpu.memory_space<hbm>>
    %dma_wait3A_43 = tpu.memref_slice %arg3[%dma_wait3A_40, %add3A_15] : memref<2x320000xi32, #tpu.memory_space<hbm>> -> memref<1x2000xi32, #tpu.memory_space<hbm>>
    %dma_wait3A_44 = tpu.memref_squeeze %dma_wait3A_43 : memref<1x2000xi32, #tpu.memory_space<hbm>> -> memref<2000xi32, #tpu.memory_space<hbm>>
    tpu.wait_dma2 semaphore(%arg21 : memref<!tpu.dma_semaphore, #tpu.memory_space<semaphore_mem>>) src(%dma_wait3A_44 : memref<2000xi32, #tpu.memory_space<hbm>>) dst(%arg7 : memref<2000xi32, #tpu.memory_space<vmem>>)
    %dma_wait3A_45 = arith.constant 1 : i32
    %dma_wait3A_46 = tpu.memref_slice %arg3[%dma_wait3A_45, %add3A_15] : memref<2x320000xi32, #tpu.memory_space<hbm>> -> memref<1x2000xi32, #tpu.memory_space<hbm>>
    %dma_wait3A_47 = tpu.memref_squeeze %dma_wait3A_46 : memref<1x2000xi32, #tpu.memory_space<hbm>> -> memref<2000xi32, #tpu.memory_space<hbm>>
    %dma_wait3A_48 = tpu.memref_slice %arg3[%dma_wait3A_45, %add3A_15] : memref<2x320000xi32, #tpu.memory_space<hbm>> -> memref<1x2000xi32, #tpu.memory_space<hbm>>
    %dma_wait3A_49 = tpu.memref_squeeze %dma_wait3A_48 : memref<1x2000xi32, #tpu.memory_space<hbm>> -> memref<2000xi32, #tpu.memory_space<hbm>>
    tpu.wait_dma2 semaphore(%arg21 : memref<!tpu.dma_semaphore, #tpu.memory_space<semaphore_mem>>) src(%dma_wait3A_49 : memref<2000xi32, #tpu.memory_space<hbm>>) dst(%arg11 : memref<2000xi32, #tpu.memory_space<vmem>>)
    %dma_start3A_50 = arith.constant 0 : i32
    %dma_start3A_51 = arith.constant 0 : i32
    %dma_start3A_52 = tpu.memref_slice %arg2[%dma_start3A_50, %dma_start3A_51] : memref<10000x16xf32, #tpu.memory_space<hbm>> -> memref<10000x16xf32, #tpu.memory_space<hbm>>
    tpu.enqueue_indirect_dma source(%dma_start3A_52 : memref<10000x16xf32, #tpu.memory_space<hbm>>) target(%arg15 : memref<2000x16xf32, #tpu.memory_space<vmem>>) offsets(%arg7 : memref<2000xi32, #tpu.memory_space<vmem>>) semaphore(%arg19 : memref<!tpu.dma_semaphore, #tpu.memory_space<semaphore_mem>>)
    %dma_wait3A_53 = arith.constant 0 : i32
    %dma_wait3A_54 = arith.constant 0 : i32
    %dma_wait3A_55 = tpu.memref_slice %arg2[%dma_wait3A_53, %dma_wait3A_54] : memref<10000x16xf32, #tpu.memory_space<hbm>> -> memref<10000x16xf32, #tpu.memory_space<hbm>>
    tpu.wait_indirect_dma semaphore(%arg18 : memref<!tpu.dma_semaphore, #tpu.memory_space<semaphore_mem>>) src(%dma_wait3A_55 : memref<10000x16xf32, #tpu.memory_space<hbm>>) dst(%arg14 : memref<2000x16xf32, #tpu.memory_space<vmem>>)
    %dma_start3A_56 = arith.constant 0 : i32
    %dma_start3A_57 = arith.constant 0 : i32
    %dma_start3A_58 = tpu.memref_slice %arg17[%dma_start3A_56, %dma_start3A_57] : memref<10240x16xf32, #tpu.memory_space<vmem_shared>> -> memref<10240x16xf32, #tpu.memory_space<vmem_shared>>
    tpu.enqueue_indirect_dma source(%arg14 : memref<2000x16xf32, #tpu.memory_space<vmem>>) target(%dma_start3A_58 : memref<10240x16xf32, #tpu.memory_space<vmem_shared>>) offsets(%arg10 : memref<2000xi32, #tpu.memory_space<vmem>>) semaphore(%arg24 : memref<!tpu.dma_semaphore, #tpu.memory_space<semaphore_mem>>) {add = true}
    %add3A_59 = arith.constant 4000 : i32
    %add3A_60 = arith.addi %mul3A_2, %add3A_59 : i32
    %dma_start3A_61 = arith.constant 0 : i32
    %dma_start3A_62 = tpu.memref_slice %arg3[%dma_start3A_61, %add3A_60] : memref<2x320000xi32, #tpu.memory_space<hbm>> -> memref<1x2000xi32, #tpu.memory_space<hbm>>
    %dma_start3A_63 = tpu.memref_squeeze %dma_start3A_62 : memref<1x2000xi32, #tpu.memory_space<hbm>> -> memref<2000xi32, #tpu.memory_space<hbm>>
    %dma_start3A_64 = tpu.memref_slice %arg3[%dma_start3A_61, %add3A_60] : memref<2x320000xi32, #tpu.memory_space<hbm>> -> memref<1x2000xi32, #tpu.memory_space<hbm>>
    %dma_start3A_65 = tpu.memref_squeeze %dma_start3A_64 : memref<1x2000xi32, #tpu.memory_space<hbm>> -> memref<2000xi32, #tpu.memory_space<hbm>>
    tpu.enqueue_dma source(%dma_start3A_65 : memref<2000xi32, #tpu.memory_space<hbm>>) target(%arg8 : memref<2000xi32, #tpu.memory_space<vmem>>) target_semaphore(%arg22 : memref<!tpu.dma_semaphore, #tpu.memory_space<semaphore_mem>>)
    %dma_start3A_66 = arith.constant 1 : i32
    %dma_start3A_67 = tpu.memref_slice %arg3[%dma_start3A_66, %add3A_60] : memref<2x320000xi32, #tpu.memory_space<hbm>> -> memref<1x2000xi32, #tpu.memory_space<hbm>>
    %dma_start3A_68 = tpu.memref_squeeze %dma_start3A_67 : memref<1x2000xi32, #tpu.memory_space<hbm>> -> memref<2000xi32, #tpu.memory_space<hbm>>
    %dma_start3A_69 = tpu.memref_slice %arg3[%dma_start3A_66, %add3A_60] : memref<2x320000xi32, #tpu.memory_space<hbm>> -> memref<1x2000xi32, #tpu.memory_space<hbm>>
    %dma_start3A_70 = tpu.memref_squeeze %dma_start3A_69 : memref<1x2000xi32, #tpu.memory_space<hbm>> -> memref<2000xi32, #tpu.memory_space<hbm>>
    tpu.enqueue_dma source(%dma_start3A_70 : memref<2000xi32, #tpu.memory_space<hbm>>) target(%arg12 : memref<2000xi32, #tpu.memory_space<vmem>>) target_semaphore(%arg22 : memref<!tpu.dma_semaphore, #tpu.memory_space<semaphore_mem>>)
    %dma_wait3A_71 = arith.constant 0 : i32
    %dma_wait3A_72 = tpu.memref_slice %arg3[%dma_wait3A_71, %add3A_60] : memref<2x320000xi32, #tpu.memory_space<hbm>> -> memref<1x2000xi32, #tpu.memory_space<hbm>>
    %dma_wait3A_73 = tpu.memref_squeeze %dma_wait3A_72 : memref<1x2000xi32, #tpu.memory_space<hbm>> -> memref<2000xi32, #tpu.memory_space<hbm>>
    %dma_wait3A_74 = tpu.memref_slice %arg3[%dma_wait3A_71, %add3A_60] : memref<2x320000xi32, #tpu.memory_space<hbm>> -> memref<1x2000xi32, #tpu.memory_space<hbm>>
    %dma_wait3A_75 = tpu.memref_squeeze %dma_wait3A_74 : memref<1x2000xi32, #tpu.memory_space<hbm>> -> memref<2000xi32, #tpu.memory_space<hbm>>
    tpu.wait_dma2 semaphore(%arg22 : memref<!tpu.dma_semaphore, #tpu.memory_space<semaphore_mem>>) src(%dma_wait3A_75 : memref<2000xi32, #tpu.memory_space<hbm>>) dst(%arg8 : memref<2000xi32, #tpu.memory_space<vmem>>)
    %dma_wait3A_76 = arith.constant 1 : i32
    %dma_wait3A_77 = tpu.memref_slice %arg3[%dma_wait3A_76, %add3A_60] : memref<2x320000xi32, #tpu.memory_space<hbm>> -> memref<1x2000xi32, #tpu.memory_space<hbm>>
    %dma_wait3A_78 = tpu.memref_squeeze %dma_wait3A_77 : memref<1x2000xi32, #tpu.memory_space<hbm>> -> memref<2000xi32, #tpu.memory_space<hbm>>
    %dma_wait3A_79 = tpu.memref_slice %arg3[%dma_wait3A_76, %add3A_60] : memref<2x320000xi32, #tpu.memory_space<hbm>> -> memref<1x2000xi32, #tpu.memory_space<hbm>>
    %dma_wait3A_80 = tpu.memref_squeeze %dma_wait3A_79 : memref<1x2000xi32, #tpu.memory_space<hbm>> -> memref<2000xi32, #tpu.memory_space<hbm>>
    tpu.wait_dma2 semaphore(%arg22 : memref<!tpu.dma_semaphore, #tpu.memory_space<semaphore_mem>>) src(%dma_wait3A_80 : memref<2000xi32, #tpu.memory_space<hbm>>) dst(%arg12 : memref<2000xi32, #tpu.memory_space<vmem>>)
    %dma_wait3A_81 = arith.constant 0 : i32
    %dma_wait3A_82 = arith.constant 0 : i32
    %dma_wait3A_83 = tpu.memref_slice %arg17[%dma_wait3A_81, %dma_wait3A_82] : memref<10240x16xf32, #tpu.memory_space<vmem_shared>> -> memref<10240x16xf32, #tpu.memory_space<vmem_shared>>
    tpu.wait_indirect_dma semaphore(%arg24 : memref<!tpu.dma_semaphore, #tpu.memory_space<semaphore_mem>>) src(%arg14 : memref<2000x16xf32, #tpu.memory_space<vmem>>) dst(%dma_wait3A_83 : memref<10240x16xf32, #tpu.memory_space<vmem_shared>>)
    %dma_start3A_84 = arith.constant 0 : i32
    %dma_start3A_85 = arith.constant 0 : i32
    %dma_start3A_86 = tpu.memref_slice %arg2[%dma_start3A_84, %dma_start3A_85] : memref<10000x16xf32, #tpu.memory_space<hbm>> -> memref<10000x16xf32, #tpu.memory_space<hbm>>
    tpu.enqueue_indirect_dma source(%dma_start3A_86 : memref<10000x16xf32, #tpu.memory_space<hbm>>) target(%arg14 : memref<2000x16xf32, #tpu.memory_space<vmem>>) offsets(%arg8 : memref<2000xi32, #tpu.memory_space<vmem>>) semaphore(%arg18 : memref<!tpu.dma_semaphore, #tpu.memory_space<semaphore_mem>>)
    %dma_wait3A_87 = arith.constant 0 : i32
    %dma_wait3A_88 = arith.constant 0 : i32
    %dma_wait3A_89 = tpu.memref_slice %arg2[%dma_wait3A_87, %dma_wait3A_88] : memref<10000x16xf32, #tpu.memory_space<hbm>> -> memref<10000x16xf32, #tpu.memory_space<hbm>>
    tpu.wait_indirect_dma semaphore(%arg19 : memref<!tpu.dma_semaphore, #tpu.memory_space<semaphore_mem>>) src(%dma_wait3A_89 : memref<10000x16xf32, #tpu.memory_space<hbm>>) dst(%arg15 : memref<2000x16xf32, #tpu.memory_space<vmem>>)
    %dma_start3A_90 = arith.constant 0 : i32
    %dma_start3A_91 = arith.constant 0 : i32
    %dma_start3A_92 = tpu.memref_slice %arg17[%dma_start3A_90, %dma_start3A_91] : memref<10240x16xf32, #tpu.memory_space<vmem_shared>> -> memref<10240x16xf32, #tpu.memory_space<vmem_shared>>
    tpu.enqueue_indirect_dma source(%arg15 : memref<2000x16xf32, #tpu.memory_space<vmem>>) target(%dma_start3A_92 : memref<10240x16xf32, #tpu.memory_space<vmem_shared>>) offsets(%arg11 : memref<2000xi32, #tpu.memory_space<vmem>>) semaphore(%arg25 : memref<!tpu.dma_semaphore, #tpu.memory_space<semaphore_mem>>) {add = true}
    %add3A_93 = arith.constant 6000 : i32
    %add3A_94 = arith.addi %mul3A_2, %add3A_93 : i32
    %dma_start3A_95 = arith.constant 0 : i32
    %dma_start3A_96 = tpu.memref_slice %arg3[%dma_start3A_95, %add3A_94] : memref<2x320000xi32, #tpu.memory_space<hbm>> -> memref<1x2000xi32, #tpu.memory_space<hbm>>
    %dma_start3A_97 = tpu.memref_squeeze %dma_start3A_96 : memref<1x2000xi32, #tpu.memory_space<hbm>> -> memref<2000xi32, #tpu.memory_space<hbm>>
    %dma_start3A_98 = tpu.memref_slice %arg3[%dma_start3A_95, %add3A_94] : memref<2x320000xi32, #tpu.memory_space<hbm>> -> memref<1x2000xi32, #tpu.memory_space<hbm>>
    %dma_start3A_99 = tpu.memref_squeeze %dma_start3A_98 : memref<1x2000xi32, #tpu.memory_space<hbm>> -> memref<2000xi32, #tpu.memory_space<hbm>>
    tpu.enqueue_dma source(%dma_start3A_99 : memref<2000xi32, #tpu.memory_space<hbm>>) target(%arg9 : memref<2000xi32, #tpu.memory_space<vmem>>) target_semaphore(%arg23 : memref<!tpu.dma_semaphore, #tpu.memory_space<semaphore_mem>>)
    %dma_start3A_100 = arith.constant 1 : i32
    %dma_start3A_101 = tpu.memref_slice %arg3[%dma_start3A_100, %add3A_94] : memref<2x320000xi32, #tpu.memory_space<hbm>> -> memref<1x2000xi32, #tpu.memory_space<hbm>>
    %dma_start3A_102 = tpu.memref_squeeze %dma_start3A_101 : memref<1x2000xi32, #tpu.memory_space<hbm>> -> memref<2000xi32, #tpu.memory_space<hbm>>
    %dma_start3A_103 = tpu.memref_slice %arg3[%dma_start3A_100, %add3A_94] : memref<2x320000xi32, #tpu.memory_space<hbm>> -> memref<1x2000xi32, #tpu.memory_space<hbm>>
    %dma_start3A_104 = tpu.memref_squeeze %dma_start3A_103 : memref<1x2000xi32, #tpu.memory_space<hbm>> -> memref<2000xi32, #tpu.memory_space<hbm>>
    tpu.enqueue_dma source(%dma_start3A_104 : memref<2000xi32, #tpu.memory_space<hbm>>) target(%arg13 : memref<2000xi32, #tpu.memory_space<vmem>>) target_semaphore(%arg23 : memref<!tpu.dma_semaphore, #tpu.memory_space<semaphore_mem>>)
    %dma_wait3A_105 = arith.constant 0 : i32
    %dma_wait3A_106 = tpu.memref_slice %arg3[%dma_wait3A_105, %add3A_94] : memref<2x320000xi32, #tpu.memory_space<hbm>> -> memref<1x2000xi32, #tpu.memory_space<hbm>>
    %dma_wait3A_107 = tpu.memref_squeeze %dma_wait3A_106 : memref<1x2000xi32, #tpu.memory_space<hbm>> -> memref<2000xi32, #tpu.memory_space<hbm>>
    %dma_wait3A_108 = tpu.memref_slice %arg3[%dma_wait3A_105, %add3A_94] : memref<2x320000xi32, #tpu.memory_space<hbm>> -> memref<1x2000xi32, #tpu.memory_space<hbm>>
    %dma_wait3A_109 = tpu.memref_squeeze %dma_wait3A_108 : memref<1x2000xi32, #tpu.memory_space<hbm>> -> memref<2000xi32, #tpu.memory_space<hbm>>
    tpu.wait_dma2 semaphore(%arg23 : memref<!tpu.dma_semaphore, #tpu.memory_space<semaphore_mem>>) src(%dma_wait3A_109 : memref<2000xi32, #tpu.memory_space<hbm>>) dst(%arg9 : memref<2000xi32, #tpu.memory_space<vmem>>)
    %dma_wait3A_110 = arith.constant 1 : i32
    %dma_wait3A_111 = tpu.memref_slice %arg3[%dma_wait3A_110, %add3A_94] : memref<2x320000xi32, #tpu.memory_space<hbm>> -> memref<1x2000xi32, #tpu.memory_space<hbm>>
    %dma_wait3A_112 = tpu.memref_squeeze %dma_wait3A_111 : memref<1x2000xi32, #tpu.memory_space<hbm>> -> memref<2000xi32, #tpu.memory_space<hbm>>
    %dma_wait3A_113 = tpu.memref_slice %arg3[%dma_wait3A_110, %add3A_94] : memref<2x320000xi32, #tpu.memory_space<hbm>> -> memref<1x2000xi32, #tpu.memory_space<hbm>>
    %dma_wait3A_114 = tpu.memref_squeeze %dma_wait3A_113 : memref<1x2000xi32, #tpu.memory_space<hbm>> -> memref<2000xi32, #tpu.memory_space<hbm>>
    tpu.wait_dma2 semaphore(%arg23 : memref<!tpu.dma_semaphore, #tpu.memory_space<semaphore_mem>>) src(%dma_wait3A_114 : memref<2000xi32, #tpu.memory_space<hbm>>) dst(%arg13 : memref<2000xi32, #tpu.memory_space<vmem>>)
    %dma_wait3A_115 = arith.constant 0 : i32
    %dma_wait3A_116 = arith.constant 0 : i32
    %dma_wait3A_117 = tpu.memref_slice %arg17[%dma_wait3A_115, %dma_wait3A_116] : memref<10240x16xf32, #tpu.memory_space<vmem_shared>> -> memref<10240x16xf32, #tpu.memory_space<vmem_shared>>
    tpu.wait_indirect_dma semaphore(%arg25 : memref<!tpu.dma_semaphore, #tpu.memory_space<semaphore_mem>>) src(%arg15 : memref<2000x16xf32, #tpu.memory_space<vmem>>) dst(%dma_wait3A_117 : memref<10240x16xf32, #tpu.memory_space<vmem_shared>>)
    %dma_start3A_118 = arith.constant 0 : i32
    %dma_start3A_119 = arith.constant 0 : i32
    %dma_start3A_120 = tpu.memref_slice %arg2[%dma_start3A_118, %dma_start3A_119] : memref<10000x16xf32, #tpu.memory_space<hbm>> -> memref<10000x16xf32, #tpu.memory_space<hbm>>
    tpu.enqueue_indirect_dma source(%dma_start3A_120 : memref<10000x16xf32, #tpu.memory_space<hbm>>) target(%arg15 : memref<2000x16xf32, #tpu.memory_space<vmem>>) offsets(%arg9 : memref<2000xi32, #tpu.memory_space<vmem>>) semaphore(%arg19 : memref<!tpu.dma_semaphore, #tpu.memory_space<semaphore_mem>>)
    %dma_wait3A_121 = arith.constant 0 : i32
    %dma_wait3A_122 = arith.constant 0 : i32
    %dma_wait3A_123 = tpu.memref_slice %arg2[%dma_wait3A_121, %dma_wait3A_122] : memref<10000x16xf32, #tpu.memory_space<hbm>> -> memref<10000x16xf32, #tpu.memory_space<hbm>>
    tpu.wait_indirect_dma semaphore(%arg18 : memref<!tpu.dma_semaphore, #tpu.memory_space<semaphore_mem>>) src(%dma_wait3A_123 : memref<10000x16xf32, #tpu.memory_space<hbm>>) dst(%arg14 : memref<2000x16xf32, #tpu.memory_space<vmem>>)
    %dma_start3A_124 = arith.constant 0 : i32
    %dma_start3A_125 = arith.constant 0 : i32
    %dma_start3A_126 = tpu.memref_slice %arg17[%dma_start3A_124, %dma_start3A_125] : memref<10240x16xf32, #tpu.memory_space<vmem_shared>> -> memref<10240x16xf32, #tpu.memory_space<vmem_shared>>
    tpu.enqueue_indirect_dma source(%arg14 : memref<2000x16xf32, #tpu.memory_space<vmem>>) target(%dma_start3A_126 : memref<10240x16xf32, #tpu.memory_space<vmem_shared>>) offsets(%arg12 : memref<2000xi32, #tpu.memory_space<vmem>>) semaphore(%arg24 : memref<!tpu.dma_semaphore, #tpu.memory_space<semaphore_mem>>) {add = true}
    %add3A_127 = arith.constant 8000 : i32
    %add3A_128 = arith.addi %mul3A_2, %add3A_127 : i32
    %dma_start3A_129 = arith.constant 0 : i32
    %dma_start3A_130 = tpu.memref_slice %arg3[%dma_start3A_129, %add3A_128] : memref<2x320000xi32, #tpu.memory_space<hbm>> -> memref<1x2000xi32, #tpu.memory_space<hbm>>
    %dma_start3A_131 = tpu.memref_squeeze %dma_start3A_130 : memref<1x2000xi32, #tpu.memory_space<hbm>> -> memref<2000xi32, #tpu.memory_space<hbm>>
    %dma_start3A_132 = tpu.memref_slice %arg3[%dma_start3A_129, %add3A_128] : memref<2x320000xi32, #tpu.memory_space<hbm>> -> memref<1x2000xi32, #tpu.memory_space<hbm>>
    %dma_start3A_133 = tpu.memref_squeeze %dma_start3A_132 : memref<1x2000xi32, #tpu.memory_space<hbm>> -> memref<2000xi32, #tpu.memory_space<hbm>>
    tpu.enqueue_dma source(%dma_start3A_133 : memref<2000xi32, #tpu.memory_space<hbm>>) target(%arg6 : memref<2000xi32, #tpu.memory_space<vmem>>) target_semaphore(%arg20 : memref<!tpu.dma_semaphore, #tpu.memory_space<semaphore_mem>>)
    %dma_start3A_134 = arith.constant 1 : i32
    %dma_start3A_135 = tpu.memref_slice %arg3[%dma_start3A_134, %add3A_128] : memref<2x320000xi32, #tpu.memory_space<hbm>> -> memref<1x2000xi32, #tpu.memory_space<hbm>>
    %dma_start3A_136 = tpu.memref_squeeze %dma_start3A_135 : memref<1x2000xi32, #tpu.memory_space<hbm>> -> memref<2000xi32, #tpu.memory_space<hbm>>
    %dma_start3A_137 = tpu.memref_slice %arg3[%dma_start3A_134, %add3A_128] : memref<2x320000xi32, #tpu.memory_space<hbm>> -> memref<1x2000xi32, #tpu.memory_space<hbm>>
    %dma_start3A_138 = tpu.memref_squeeze %dma_start3A_137 : memref<1x2000xi32, #tpu.memory_space<hbm>> -> memref<2000xi32, #tpu.memory_space<hbm>>
    tpu.enqueue_dma source(%dma_start3A_138 : memref<2000xi32, #tpu.memory_space<hbm>>) target(%arg10 : memref<2000xi32, #tpu.memory_space<vmem>>) target_semaphore(%arg20 : memref<!tpu.dma_semaphore, #tpu.memory_space<semaphore_mem>>)
    %dma_wait3A_139 = arith.constant 0 : i32
    %dma_wait3A_140 = tpu.memref_slice %arg3[%dma_wait3A_139, %add3A_128] : memref<2x320000xi32, #tpu.memory_space<hbm>> -> memref<1x2000xi32, #tpu.memory_space<hbm>>
    %dma_wait3A_141 = tpu.memref_squeeze %dma_wait3A_140 : memref<1x2000xi32, #tpu.memory_space<hbm>> -> memref<2000xi32, #tpu.memory_space<hbm>>
    %dma_wait3A_142 = tpu.memref_slice %arg3[%dma_wait3A_139, %add3A_128] : memref<2x320000xi32, #tpu.memory_space<hbm>> -> memref<1x2000xi32, #tpu.memory_space<hbm>>
    %dma_wait3A_143 = tpu.memref_squeeze %dma_wait3A_142 : memref<1x2000xi32, #tpu.memory_space<hbm>> -> memref<2000xi32, #tpu.memory_space<hbm>>
    tpu.wait_dma2 semaphore(%arg20 : memref<!tpu.dma_semaphore, #tpu.memory_space<semaphore_mem>>) src(%dma_wait3A_143 : memref<2000xi32, #tpu.memory_space<hbm>>) dst(%arg6 : memref<2000xi32, #tpu.memory_space<vmem>>)
    %dma_wait3A_144 = arith.constant 1 : i32
    %dma_wait3A_145 = tpu.memref_slice %arg3[%dma_wait3A_144, %add3A_128] : memref<2x320000xi32, #tpu.memory_space<hbm>> -> memref<1x2000xi32, #tpu.memory_space<hbm>>
    %dma_wait3A_146 = tpu.memref_squeeze %dma_wait3A_145 : memref<1x2000xi32, #tpu.memory_space<hbm>> -> memref<2000xi32, #tpu.memory_space<hbm>>
    %dma_wait3A_147 = tpu.memref_slice %arg3[%dma_wait3A_144, %add3A_128] : memref<2x320000xi32, #tpu.memory_space<hbm>> -> memref<1x2000xi32, #tpu.memory_space<hbm>>
    %dma_wait3A_148 = tpu.memref_squeeze %dma_wait3A_147 : memref<1x2000xi32, #tpu.memory_space<hbm>> -> memref<2000xi32, #tpu.memory_space<hbm>>
    tpu.wait_dma2 semaphore(%arg20 : memref<!tpu.dma_semaphore, #tpu.memory_space<semaphore_mem>>) src(%dma_wait3A_148 : memref<2000xi32, #tpu.memory_space<hbm>>) dst(%arg10 : memref<2000xi32, #tpu.memory_space<vmem>>)
    %dma_wait3A_149 = arith.constant 0 : i32
    %dma_wait3A_150 = arith.constant 0 : i32
    %dma_wait3A_151 = tpu.memref_slice %arg17[%dma_wait3A_149, %dma_wait3A_150] : memref<10240x16xf32, #tpu.memory_space<vmem_shared>> -> memref<10240x16xf32, #tpu.memory_space<vmem_shared>>
    tpu.wait_indirect_dma semaphore(%arg24 : memref<!tpu.dma_semaphore, #tpu.memory_space<semaphore_mem>>) src(%arg14 : memref<2000x16xf32, #tpu.memory_space<vmem>>) dst(%dma_wait3A_151 : memref<10240x16xf32, #tpu.memory_space<vmem_shared>>)
    %dma_start3A_152 = arith.constant 0 : i32
    %dma_start3A_153 = arith.constant 0 : i32
    %dma_start3A_154 = tpu.memref_slice %arg2[%dma_start3A_152, %dma_start3A_153] : memref<10000x16xf32, #tpu.memory_space<hbm>> -> memref<10000x16xf32, #tpu.memory_space<hbm>>
    tpu.enqueue_indirect_dma source(%dma_start3A_154 : memref<10000x16xf32, #tpu.memory_space<hbm>>) target(%arg14 : memref<2000x16xf32, #tpu.memory_space<vmem>>) offsets(%arg6 : memref<2000xi32, #tpu.memory_space<vmem>>) semaphore(%arg18 : memref<!tpu.dma_semaphore, #tpu.memory_space<semaphore_mem>>)
    %dma_wait3A_155 = arith.constant 0 : i32
    %dma_wait3A_156 = arith.constant 0 : i32
    %dma_wait3A_157 = tpu.memref_slice %arg2[%dma_wait3A_155, %dma_wait3A_156] : memref<10000x16xf32, #tpu.memory_space<hbm>> -> memref<10000x16xf32, #tpu.memory_space<hbm>>
    tpu.wait_indirect_dma semaphore(%arg19 : memref<!tpu.dma_semaphore, #tpu.memory_space<semaphore_mem>>) src(%dma_wait3A_157 : memref<10000x16xf32, #tpu.memory_space<hbm>>) dst(%arg15 : memref<2000x16xf32, #tpu.memory_space<vmem>>)
    %dma_start3A_158 = arith.constant 0 : i32
    %dma_start3A_159 = arith.constant 0 : i32
    %dma_start3A_160 = tpu.memref_slice %arg17[%dma_start3A_158, %dma_start3A_159] : memref<10240x16xf32, #tpu.memory_space<vmem_shared>> -> memref<10240x16xf32, #tpu.memory_space<vmem_shared>>
    tpu.enqueue_indirect_dma source(%arg15 : memref<2000x16xf32, #tpu.memory_space<vmem>>) target(%dma_start3A_160 : memref<10240x16xf32, #tpu.memory_space<vmem_shared>>) offsets(%arg13 : memref<2000xi32, #tpu.memory_space<vmem>>) semaphore(%arg25 : memref<!tpu.dma_semaphore, #tpu.memory_space<semaphore_mem>>) {add = true}
    %dma_wait3A_161 = arith.constant 0 : i32
    %dma_wait3A_162 = arith.constant 0 : i32
    %dma_wait3A_163 = tpu.memref_slice %arg2[%dma_wait3A_161, %dma_wait3A_162] : memref<10000x16xf32, #tpu.memory_space<hbm>> -> memref<10000x16xf32, #tpu.memory_space<hbm>>
    tpu.wait_indirect_dma semaphore(%arg18 : memref<!tpu.dma_semaphore, #tpu.memory_space<semaphore_mem>>) src(%dma_wait3A_163 : memref<10000x16xf32, #tpu.memory_space<hbm>>) dst(%arg14 : memref<2000x16xf32, #tpu.memory_space<vmem>>)
    %dma_start3A_164 = arith.constant 0 : i32
    %dma_start3A_165 = arith.constant 0 : i32
    %dma_start3A_166 = tpu.memref_slice %arg17[%dma_start3A_164, %dma_start3A_165] : memref<10240x16xf32, #tpu.memory_space<vmem_shared>> -> memref<10240x16xf32, #tpu.memory_space<vmem_shared>>
    tpu.enqueue_indirect_dma source(%arg14 : memref<2000x16xf32, #tpu.memory_space<vmem>>) target(%dma_start3A_166 : memref<10240x16xf32, #tpu.memory_space<vmem_shared>>) offsets(%arg10 : memref<2000xi32, #tpu.memory_space<vmem>>) semaphore(%arg24 : memref<!tpu.dma_semaphore, #tpu.memory_space<semaphore_mem>>) {add = true}
    %dma_wait3A_167 = arith.constant 0 : i32
    %dma_wait3A_168 = arith.constant 0 : i32
    %dma_wait3A_169 = tpu.memref_slice %arg17[%dma_wait3A_167, %dma_wait3A_168] : memref<10240x16xf32, #tpu.memory_space<vmem_shared>> -> memref<10240x16xf32, #tpu.memory_space<vmem_shared>>
    tpu.wait_indirect_dma semaphore(%arg25 : memref<!tpu.dma_semaphore, #tpu.memory_space<semaphore_mem>>) src(%arg15 : memref<2000x16xf32, #tpu.memory_space<vmem>>) dst(%dma_wait3A_169 : memref<10240x16xf32, #tpu.memory_space<vmem_shared>>)
    %dma_wait3A_170 = arith.constant 0 : i32
    %dma_wait3A_171 = arith.constant 0 : i32
    %dma_wait3A_172 = tpu.memref_slice %arg17[%dma_wait3A_170, %dma_wait3A_171] : memref<10240x16xf32, #tpu.memory_space<vmem_shared>> -> memref<10240x16xf32, #tpu.memory_space<vmem_shared>>
    tpu.wait_indirect_dma semaphore(%arg24 : memref<!tpu.dma_semaphore, #tpu.memory_space<semaphore_mem>>) src(%arg14 : memref<2000x16xf32, #tpu.memory_space<vmem>>) dst(%dma_wait3A_172 : memref<10240x16xf32, #tpu.memory_space<vmem_shared>>)
    %barrier3A_173 = arith.constant 0 : index
    tpu.barrier barrier_id(%barrier3A_173)
    %mul3A_174 = arith.constant 640 : i32
    %mul3A_175 = arith.muli %arg1, %mul3A_174 : i32
    %mul3A_176 = arith.constant 640 : i32
    %mul3A_177 = arith.muli %arg1, %mul3A_176 : i32
    "tpu.region"() ({
      %run_scoped3A = tpu.sem_alloc : memref<!tpu.dma_semaphore, #tpu.memory_space<semaphore_mem>>
      %dma_start3A_178 = arith.constant 0 : i32
      %dma_start3A_179 = tpu.memref_slice %arg5[%arg0, %mul3A_177, %dma_start3A_178] : memref<2x10240x16xf32, #tpu.memory_space<hbm>> -> memref<1x640x16xf32, #tpu.memory_space<hbm>>
      %dma_start3A_180 = tpu.memref_squeeze %dma_start3A_179 : memref<1x640x16xf32, #tpu.memory_space<hbm>> -> memref<640x16xf32, #tpu.memory_space<hbm>>
      %dma_start3A_181 = arith.constant 0 : i32
      %dma_start3A_182 = tpu.memref_slice %arg17[%mul3A_175, %dma_start3A_181] : memref<10240x16xf32, #tpu.memory_space<vmem_shared>> -> memref<640x16xf32, #tpu.memory_space<vmem_shared>>
      tpu.enqueue_dma source(%dma_start3A_182 : memref<640x16xf32, #tpu.memory_space<vmem_shared>>) target(%dma_start3A_180 : memref<640x16xf32, #tpu.memory_space<hbm>>) target_semaphore(%run_scoped3A : memref<!tpu.dma_semaphore, #tpu.memory_space<semaphore_mem>>)
      %dma_wait3A_183 = arith.constant 0 : i32
      %dma_wait3A_184 = tpu.memref_slice %arg5[%arg0, %mul3A_177, %dma_wait3A_183] : memref<2x10240x16xf32, #tpu.memory_space<hbm>> -> memref<1x640x16xf32, #tpu.memory_space<hbm>>
      %dma_wait3A_185 = tpu.memref_squeeze %dma_wait3A_184 : memref<1x640x16xf32, #tpu.memory_space<hbm>> -> memref<640x16xf32, #tpu.memory_space<hbm>>
      %dma_wait3A_186 = arith.constant 0 : i32
      %dma_wait3A_187 = tpu.memref_slice %arg17[%mul3A_175, %dma_wait3A_186] : memref<10240x16xf32, #tpu.memory_space<vmem_shared>> -> memref<640x16xf32, #tpu.memory_space<vmem_shared>>
      tpu.wait_dma2 semaphore(%run_scoped3A : memref<!tpu.dma_semaphore, #tpu.memory_space<semaphore_mem>>) src(%dma_wait3A_187 : memref<640x16xf32, #tpu.memory_space<vmem_shared>>) dst(%dma_wait3A_185 : memref<640x16xf32, #tpu.memory_space<hbm>>)
      tpu.yield
    }) : () -> ()
    return
  }
}

#map = affine_map<(d0, d1) -> (0, 0)>
#map1 = affine_map<(d0, d1) -> (0)>
#map2 = affine_map<(d0, d1) -> (0, 0, 0)>
module attributes {stable_mosaic.version = 14 : i64} {
  func.func @_sc_degree_body(%arg0: i32, %arg1: i32, %arg2: memref<2x320000xi32, #tpu.memory_space<hbm>>, %arg3: memref<640xf32, #tpu.memory_space<hbm>>, %arg4: memref<10000xf32, #tpu.memory_space<hbm>>, %arg5: memref<2x10240x16xf32, #tpu.memory_space<hbm>>, %arg6: memref<10000xi32, #tpu.memory_space<vmem>>, %arg7: memref<10000xf32, #tpu.memory_space<vmem>>, %arg8: memref<640xf32, #tpu.memory_space<vmem>>, %arg9: memref<640x16xf32, #tpu.memory_space<vmem>>, %arg10: memref<10240xf32, #tpu.memory_space<vmem_shared>>, %arg11: memref<!tpu.dma_semaphore, #tpu.memory_space<semaphore_mem>>) attributes {dimension_semantics = [#tpu.dimension_semantics<core_parallel>, #tpu.dimension_semantics<subcore_parallel>], iteration_bounds = array<i64: 2, 16>, scalar_prefetch = 0 : i64, scratch_operands = 6 : i64, tpu.core_type = #tpu.core_type<sc_vector_subcore>, window_params = [{transform_indices = #map}, {transform_indices = #map1}, {transform_indices = #map1}, {transform_indices = #map2}]} {
    %mul3A = arith.constant 2 : i32
    %mul3A_0 = arith.muli %arg1, %mul3A : i32
    %add3A = arith.addi %mul3A_0, %arg0 : i32
    %mul3A_1 = arith.constant 10000 : i32
    %mul3A_2 = arith.muli %add3A, %mul3A_1 : i32
    %dma_start3A = arith.constant 1 : i32
    %dma_start3A_3 = tpu.memref_slice %arg2[%dma_start3A, %mul3A_2] : memref<2x320000xi32, #tpu.memory_space<hbm>> -> memref<1x10000xi32, #tpu.memory_space<hbm>>
    %dma_start3A_4 = tpu.memref_squeeze %dma_start3A_3 : memref<1x10000xi32, #tpu.memory_space<hbm>> -> memref<10000xi32, #tpu.memory_space<hbm>>
    %dma_start3A_5 = tpu.memref_slice %arg2[%dma_start3A, %mul3A_2] : memref<2x320000xi32, #tpu.memory_space<hbm>> -> memref<1x10000xi32, #tpu.memory_space<hbm>>
    %dma_start3A_6 = tpu.memref_squeeze %dma_start3A_5 : memref<1x10000xi32, #tpu.memory_space<hbm>> -> memref<10000xi32, #tpu.memory_space<hbm>>
    tpu.enqueue_dma source(%dma_start3A_6 : memref<10000xi32, #tpu.memory_space<hbm>>) target(%arg6 : memref<10000xi32, #tpu.memory_space<vmem>>) target_semaphore(%arg11 : memref<!tpu.dma_semaphore, #tpu.memory_space<semaphore_mem>>)
    "tpu.region"() ({
      %run_scoped3A = tpu.sem_alloc : memref<!tpu.dma_semaphore, #tpu.memory_space<semaphore_mem>>
      tpu.enqueue_dma source(%arg3 : memref<640xf32, #tpu.memory_space<hbm>>) target(%arg8 : memref<640xf32, #tpu.memory_space<vmem>>) target_semaphore(%run_scoped3A : memref<!tpu.dma_semaphore, #tpu.memory_space<semaphore_mem>>)
      tpu.wait_dma2 semaphore(%run_scoped3A : memref<!tpu.dma_semaphore, #tpu.memory_space<semaphore_mem>>) src(%arg3 : memref<640xf32, #tpu.memory_space<hbm>>) dst(%arg8 : memref<640xf32, #tpu.memory_space<vmem>>)
      tpu.yield
    }) : () -> ()
    "tpu.region"() ({
      %run_scoped3A = tpu.sem_alloc : memref<!tpu.dma_semaphore, #tpu.memory_space<semaphore_mem>>
      tpu.enqueue_dma source(%arg4 : memref<10000xf32, #tpu.memory_space<hbm>>) target(%arg7 : memref<10000xf32, #tpu.memory_space<vmem>>) target_semaphore(%run_scoped3A : memref<!tpu.dma_semaphore, #tpu.memory_space<semaphore_mem>>)
      tpu.wait_dma2 semaphore(%run_scoped3A : memref<!tpu.dma_semaphore, #tpu.memory_space<semaphore_mem>>) src(%arg4 : memref<10000xf32, #tpu.memory_space<hbm>>) dst(%arg7 : memref<10000xf32, #tpu.memory_space<vmem>>)
      tpu.yield
    }) : () -> ()
    %mul3A_7 = arith.constant 640 : i32
    %mul3A_8 = arith.muli %arg1, %mul3A_7 : i32
    "tpu.region"() ({
      %run_scoped3A = tpu.sem_alloc : memref<!tpu.dma_semaphore, #tpu.memory_space<semaphore_mem>>
      %dma_start3A_23 = tpu.memref_slice %arg10[%mul3A_8] : memref<10240xf32, #tpu.memory_space<vmem_shared>> -> memref<640xf32, #tpu.memory_space<vmem_shared>>
      %dma_start3A_24 = tpu.memref_slice %arg10[%mul3A_8] : memref<10240xf32, #tpu.memory_space<vmem_shared>> -> memref<640xf32, #tpu.memory_space<vmem_shared>>
      tpu.enqueue_dma source(%arg8 : memref<640xf32, #tpu.memory_space<vmem>>) target(%dma_start3A_24 : memref<640xf32, #tpu.memory_space<vmem_shared>>) target_semaphore(%run_scoped3A : memref<!tpu.dma_semaphore, #tpu.memory_space<semaphore_mem>>)
      %dma_wait3A_25 = tpu.memref_slice %arg10[%mul3A_8] : memref<10240xf32, #tpu.memory_space<vmem_shared>> -> memref<640xf32, #tpu.memory_space<vmem_shared>>
      %dma_wait3A_26 = tpu.memref_slice %arg10[%mul3A_8] : memref<10240xf32, #tpu.memory_space<vmem_shared>> -> memref<640xf32, #tpu.memory_space<vmem_shared>>
      tpu.wait_dma2 semaphore(%run_scoped3A : memref<!tpu.dma_semaphore, #tpu.memory_space<semaphore_mem>>) src(%arg8 : memref<640xf32, #tpu.memory_space<vmem>>) dst(%dma_wait3A_26 : memref<640xf32, #tpu.memory_space<vmem_shared>>)
      tpu.yield
    }) : () -> ()
    %barrier3A = arith.constant 0 : index
    tpu.barrier barrier_id(%barrier3A)
    %dma_wait3A = arith.constant 1 : i32
    %dma_wait3A_9 = tpu.memref_slice %arg2[%dma_wait3A, %mul3A_2] : memref<2x320000xi32, #tpu.memory_space<hbm>> -> memref<1x10000xi32, #tpu.memory_space<hbm>>
    %dma_wait3A_10 = tpu.memref_squeeze %dma_wait3A_9 : memref<1x10000xi32, #tpu.memory_space<hbm>> -> memref<10000xi32, #tpu.memory_space<hbm>>
    %dma_wait3A_11 = tpu.memref_slice %arg2[%dma_wait3A, %mul3A_2] : memref<2x320000xi32, #tpu.memory_space<hbm>> -> memref<1x10000xi32, #tpu.memory_space<hbm>>
    %dma_wait3A_12 = tpu.memref_squeeze %dma_wait3A_11 : memref<1x10000xi32, #tpu.memory_space<hbm>> -> memref<10000xi32, #tpu.memory_space<hbm>>
    tpu.wait_dma2 semaphore(%arg11 : memref<!tpu.dma_semaphore, #tpu.memory_space<semaphore_mem>>) src(%dma_wait3A_12 : memref<10000xi32, #tpu.memory_space<hbm>>) dst(%arg6 : memref<10000xi32, #tpu.memory_space<vmem>>)
    "tpu.region"() ({
      %run_scoped3A = tpu.sem_alloc : memref<!tpu.dma_semaphore, #tpu.memory_space<semaphore_mem>>
      %dma_start3A_23 = arith.constant 0 : i32
      %dma_start3A_24 = tpu.memref_slice %arg10[%dma_start3A_23] : memref<10240xf32, #tpu.memory_space<vmem_shared>> -> memref<10240xf32, #tpu.memory_space<vmem_shared>>
      tpu.enqueue_indirect_dma source(%arg7 : memref<10000xf32, #tpu.memory_space<vmem>>) target(%dma_start3A_24 : memref<10240xf32, #tpu.memory_space<vmem_shared>>) offsets(%arg6 : memref<10000xi32, #tpu.memory_space<vmem>>) semaphore(%run_scoped3A : memref<!tpu.dma_semaphore, #tpu.memory_space<semaphore_mem>>) {add = true}
      %dma_wait3A_25 = arith.constant 0 : i32
      %dma_wait3A_26 = tpu.memref_slice %arg10[%dma_wait3A_25] : memref<10240xf32, #tpu.memory_space<vmem_shared>> -> memref<10240xf32, #tpu.memory_space<vmem_shared>>
      tpu.wait_indirect_dma semaphore(%run_scoped3A : memref<!tpu.dma_semaphore, #tpu.memory_space<semaphore_mem>>) src(%arg7 : memref<10000xf32, #tpu.memory_space<vmem>>) dst(%dma_wait3A_26 : memref<10240xf32, #tpu.memory_space<vmem_shared>>)
      tpu.yield
    }) : () -> ()
    %barrier3A_13 = arith.constant 0 : index
    tpu.barrier barrier_id(%barrier3A_13)
    %mul3A_14 = arith.constant 640 : i32
    %mul3A_15 = arith.muli %arg1, %mul3A_14 : i32
    "tpu.region"() ({
      %run_scoped3A = tpu.sem_alloc : memref<!tpu.dma_semaphore, #tpu.memory_space<semaphore_mem>>
      %dma_start3A_23 = tpu.memref_slice %arg10[%mul3A_15] : memref<10240xf32, #tpu.memory_space<vmem_shared>> -> memref<640xf32, #tpu.memory_space<vmem_shared>>
      %dma_start3A_24 = tpu.memref_slice %arg10[%mul3A_15] : memref<10240xf32, #tpu.memory_space<vmem_shared>> -> memref<640xf32, #tpu.memory_space<vmem_shared>>
      tpu.enqueue_dma source(%dma_start3A_24 : memref<640xf32, #tpu.memory_space<vmem_shared>>) target(%arg8 : memref<640xf32, #tpu.memory_space<vmem>>) target_semaphore(%run_scoped3A : memref<!tpu.dma_semaphore, #tpu.memory_space<semaphore_mem>>)
      %dma_wait3A_25 = tpu.memref_slice %arg10[%mul3A_15] : memref<10240xf32, #tpu.memory_space<vmem_shared>> -> memref<640xf32, #tpu.memory_space<vmem_shared>>
      %dma_wait3A_26 = tpu.memref_slice %arg10[%mul3A_15] : memref<10240xf32, #tpu.memory_space<vmem_shared>> -> memref<640xf32, #tpu.memory_space<vmem_shared>>
      tpu.wait_dma2 semaphore(%run_scoped3A : memref<!tpu.dma_semaphore, #tpu.memory_space<semaphore_mem>>) src(%dma_wait3A_26 : memref<640xf32, #tpu.memory_space<vmem_shared>>) dst(%arg8 : memref<640xf32, #tpu.memory_space<vmem>>)
      tpu.yield
    }) : () -> ()
    %scan3A = arith.constant 0 : i32
    %scan3A_16 = arith.constant 0 : i32
    %scan3A_17 = arith.constant 40 : i32
    %scan3A_18 = arith.addi %scan3A_16, %scan3A_17 : i32
    %scan3A_19 = arith.constant 1 : i32
    scf.for %scan3A_23 = %scan3A_16 to %scan3A_18 step %scan3A_19  : i32 {
      %mul3A_24 = arith.constant 16 : i32
      %mul3A_25 = arith.muli %scan3A_23, %mul3A_24 : i32
      %get3A = arith.index_cast %mul3A_25 : i32 to index
      %get3A_26 = tpu.vector_load %arg8[%get3A] {strides = array<i32>} : memref<640xf32, #tpu.memory_space<vmem>>, vector<16xf32>,
      %get3A_27 = vector.shape_cast %get3A_26 : vector<16xf32> to vector<16xf32>
      %slice3A = vector.extract_strided_slice %get3A_27 {offsets = [0], sizes = [1], strides = [1]} : vector<16xf32> to vector<1xf32>
      %squeeze3A = vector.extract %slice3A[0] : f32 from vector<1xf32>
      %broadcast_in_dim3A = vector.broadcast %squeeze3A : f32 to vector<16xf32>
      %mul3A_28 = arith.constant 16 : i32
      %mul3A_29 = arith.muli %scan3A_23, %mul3A_28 : i32
      %add3A_30 = arith.constant 0 : i32
      %add3A_31 = arith.addi %mul3A_29, %add3A_30 : i32
      %swap3A = arith.index_cast %add3A_31 : i32 to index
      %swap3A_32 = arith.constant 0 : index
      %swap3A_33 = tpu.vector_load %arg9[%swap3A, %swap3A_32] {strides = array<i32>} : memref<640x16xf32, #tpu.memory_space<vmem>>, vector<1x16xf32>,
      %swap3A_34 = vector.shape_cast %swap3A_33 : vector<1x16xf32> to vector<16xf32>
      %swap3A_35 = vector.shape_cast %broadcast_in_dim3A : vector<16xf32> to vector<1x16xf32>
      tpu.vector_store %arg9[%swap3A, %swap3A_32], %swap3A_35 {strides = array<i32>} : memref<640x16xf32, #tpu.memory_space<vmem>>, vector<1x16xf32>,
      %slice3A_36 = vector.extract_strided_slice %get3A_27 {offsets = [1], sizes = [1], strides = [1]} : vector<16xf32> to vector<1xf32>
      %squeeze3A_37 = vector.extract %slice3A_36[0] : f32 from vector<1xf32>
      %broadcast_in_dim3A_38 = vector.broadcast %squeeze3A_37 : f32 to vector<16xf32>
      %mul3A_39 = arith.constant 16 : i32
      %mul3A_40 = arith.muli %scan3A_23, %mul3A_39 : i32
      %add3A_41 = arith.constant 1 : i32
      %add3A_42 = arith.addi %mul3A_40, %add3A_41 : i32
      %swap3A_43 = arith.index_cast %add3A_42 : i32 to index
      %swap3A_44 = arith.constant 0 : index
      %swap3A_45 = tpu.vector_load %arg9[%swap3A_43, %swap3A_44] {strides = array<i32>} : memref<640x16xf32, #tpu.memory_space<vmem>>, vector<1x16xf32>,
      %swap3A_46 = vector.shape_cast %swap3A_45 : vector<1x16xf32> to vector<16xf32>
      %swap3A_47 = vector.shape_cast %broadcast_in_dim3A_38 : vector<16xf32> to vector<1x16xf32>
      tpu.vector_store %arg9[%swap3A_43, %swap3A_44], %swap3A_47 {strides = array<i32>} : memref<640x16xf32, #tpu.memory_space<vmem>>, vector<1x16xf32>,
      %slice3A_48 = vector.extract_strided_slice %get3A_27 {offsets = [2], sizes = [1], strides = [1]} : vector<16xf32> to vector<1xf32>
      %squeeze3A_49 = vector.extract %slice3A_48[0] : f32 from vector<1xf32>
      %broadcast_in_dim3A_50 = vector.broadcast %squeeze3A_49 : f32 to vector<16xf32>
      %mul3A_51 = arith.constant 16 : i32
      %mul3A_52 = arith.muli %scan3A_23, %mul3A_51 : i32
      %add3A_53 = arith.constant 2 : i32
      %add3A_54 = arith.addi %mul3A_52, %add3A_53 : i32
      %swap3A_55 = arith.index_cast %add3A_54 : i32 to index
      %swap3A_56 = arith.constant 0 : index
      %swap3A_57 = tpu.vector_load %arg9[%swap3A_55, %swap3A_56] {strides = array<i32>} : memref<640x16xf32, #tpu.memory_space<vmem>>, vector<1x16xf32>,
      %swap3A_58 = vector.shape_cast %swap3A_57 : vector<1x16xf32> to vector<16xf32>
      %swap3A_59 = vector.shape_cast %broadcast_in_dim3A_50 : vector<16xf32> to vector<1x16xf32>
      tpu.vector_store %arg9[%swap3A_55, %swap3A_56], %swap3A_59 {strides = array<i32>} : memref<640x16xf32, #tpu.memory_space<vmem>>, vector<1x16xf32>,
      %slice3A_60 = vector.extract_strided_slice %get3A_27 {offsets = [3], sizes = [1], strides = [1]} : vector<16xf32> to vector<1xf32>
      %squeeze3A_61 = vector.extract %slice3A_60[0] : f32 from vector<1xf32>
      %broadcast_in_dim3A_62 = vector.broadcast %squeeze3A_61 : f32 to vector<16xf32>
      %mul3A_63 = arith.constant 16 : i32
      %mul3A_64 = arith.muli %scan3A_23, %mul3A_63 : i32
      %add3A_65 = arith.constant 3 : i32
      %add3A_66 = arith.addi %mul3A_64, %add3A_65 : i32
      %swap3A_67 = arith.index_cast %add3A_66 : i32 to index
      %swap3A_68 = arith.constant 0 : index
      %swap3A_69 = tpu.vector_load %arg9[%swap3A_67, %swap3A_68] {strides = array<i32>} : memref<640x16xf32, #tpu.memory_space<vmem>>, vector<1x16xf32>,
      %swap3A_70 = vector.shape_cast %swap3A_69 : vector<1x16xf32> to vector<16xf32>
      %swap3A_71 = vector.shape_cast %broadcast_in_dim3A_62 : vector<16xf32> to vector<1x16xf32>
      tpu.vector_store %arg9[%swap3A_67, %swap3A_68], %swap3A_71 {strides = array<i32>} : memref<640x16xf32, #tpu.memory_space<vmem>>, vector<1x16xf32>,
      %slice3A_72 = vector.extract_strided_slice %get3A_27 {offsets = [4], sizes = [1], strides = [1]} : vector<16xf32> to vector<1xf32>
      %squeeze3A_73 = vector.extract %slice3A_72[0] : f32 from vector<1xf32>
      %broadcast_in_dim3A_74 = vector.broadcast %squeeze3A_73 : f32 to vector<16xf32>
      %mul3A_75 = arith.constant 16 : i32
      %mul3A_76 = arith.muli %scan3A_23, %mul3A_75 : i32
      %add3A_77 = arith.constant 4 : i32
      %add3A_78 = arith.addi %mul3A_76, %add3A_77 : i32
      %swap3A_79 = arith.index_cast %add3A_78 : i32 to index
      %swap3A_80 = arith.constant 0 : index
      %swap3A_81 = tpu.vector_load %arg9[%swap3A_79, %swap3A_80] {strides = array<i32>} : memref<640x16xf32, #tpu.memory_space<vmem>>, vector<1x16xf32>,
      %swap3A_82 = vector.shape_cast %swap3A_81 : vector<1x16xf32> to vector<16xf32>
      %swap3A_83 = vector.shape_cast %broadcast_in_dim3A_74 : vector<16xf32> to vector<1x16xf32>
      tpu.vector_store %arg9[%swap3A_79, %swap3A_80], %swap3A_83 {strides = array<i32>} : memref<640x16xf32, #tpu.memory_space<vmem>>, vector<1x16xf32>,
      %slice3A_84 = vector.extract_strided_slice %get3A_27 {offsets = [5], sizes = [1], strides = [1]} : vector<16xf32> to vector<1xf32>
      %squeeze3A_85 = vector.extract %slice3A_84[0] : f32 from vector<1xf32>
      %broadcast_in_dim3A_86 = vector.broadcast %squeeze3A_85 : f32 to vector<16xf32>
      %mul3A_87 = arith.constant 16 : i32
      %mul3A_88 = arith.muli %scan3A_23, %mul3A_87 : i32
      %add3A_89 = arith.constant 5 : i32
      %add3A_90 = arith.addi %mul3A_88, %add3A_89 : i32
      %swap3A_91 = arith.index_cast %add3A_90 : i32 to index
      %swap3A_92 = arith.constant 0 : index
      %swap3A_93 = tpu.vector_load %arg9[%swap3A_91, %swap3A_92] {strides = array<i32>} : memref<640x16xf32, #tpu.memory_space<vmem>>, vector<1x16xf32>,
      %swap3A_94 = vector.shape_cast %swap3A_93 : vector<1x16xf32> to vector<16xf32>
      %swap3A_95 = vector.shape_cast %broadcast_in_dim3A_86 : vector<16xf32> to vector<1x16xf32>
      tpu.vector_store %arg9[%swap3A_91, %swap3A_92], %swap3A_95 {strides = array<i32>} : memref<640x16xf32, #tpu.memory_space<vmem>>, vector<1x16xf32>,
      %slice3A_96 = vector.extract_strided_slice %get3A_27 {offsets = [6], sizes = [1], strides = [1]} : vector<16xf32> to vector<1xf32>
      %squeeze3A_97 = vector.extract %slice3A_96[0] : f32 from vector<1xf32>
      %broadcast_in_dim3A_98 = vector.broadcast %squeeze3A_97 : f32 to vector<16xf32>
      %mul3A_99 = arith.constant 16 : i32
      %mul3A_100 = arith.muli %scan3A_23, %mul3A_99 : i32
      %add3A_101 = arith.constant 6 : i32
      %add3A_102 = arith.addi %mul3A_100, %add3A_101 : i32
      %swap3A_103 = arith.index_cast %add3A_102 : i32 to index
      %swap3A_104 = arith.constant 0 : index
      %swap3A_105 = tpu.vector_load %arg9[%swap3A_103, %swap3A_104] {strides = array<i32>} : memref<640x16xf32, #tpu.memory_space<vmem>>, vector<1x16xf32>,
      %swap3A_106 = vector.shape_cast %swap3A_105 : vector<1x16xf32> to vector<16xf32>
      %swap3A_107 = vector.shape_cast %broadcast_in_dim3A_98 : vector<16xf32> to vector<1x16xf32>
      tpu.vector_store %arg9[%swap3A_103, %swap3A_104], %swap3A_107 {strides = array<i32>} : memref<640x16xf32, #tpu.memory_space<vmem>>, vector<1x16xf32>,
      %slice3A_108 = vector.extract_strided_slice %get3A_27 {offsets = [7], sizes = [1], strides = [1]} : vector<16xf32> to vector<1xf32>
      %squeeze3A_109 = vector.extract %slice3A_108[0] : f32 from vector<1xf32>
      %broadcast_in_dim3A_110 = vector.broadcast %squeeze3A_109 : f32 to vector<16xf32>
      %mul3A_111 = arith.constant 16 : i32
      %mul3A_112 = arith.muli %scan3A_23, %mul3A_111 : i32
      %add3A_113 = arith.constant 7 : i32
      %add3A_114 = arith.addi %mul3A_112, %add3A_113 : i32
      %swap3A_115 = arith.index_cast %add3A_114 : i32 to index
      %swap3A_116 = arith.constant 0 : index
      %swap3A_117 = tpu.vector_load %arg9[%swap3A_115, %swap3A_116] {strides = array<i32>} : memref<640x16xf32, #tpu.memory_space<vmem>>, vector<1x16xf32>,
      %swap3A_118 = vector.shape_cast %swap3A_117 : vector<1x16xf32> to vector<16xf32>
      %swap3A_119 = vector.shape_cast %broadcast_in_dim3A_110 : vector<16xf32> to vector<1x16xf32>
      tpu.vector_store %arg9[%swap3A_115, %swap3A_116], %swap3A_119 {strides = array<i32>} : memref<640x16xf32, #tpu.memory_space<vmem>>, vector<1x16xf32>,
      %slice3A_120 = vector.extract_strided_slice %get3A_27 {offsets = [8], sizes = [1], strides = [1]} : vector<16xf32> to vector<1xf32>
      %squeeze3A_121 = vector.extract %slice3A_120[0] : f32 from vector<1xf32>
      %broadcast_in_dim3A_122 = vector.broadcast %squeeze3A_121 : f32 to vector<16xf32>
      %mul3A_123 = arith.constant 16 : i32
      %mul3A_124 = arith.muli %scan3A_23, %mul3A_123 : i32
      %add3A_125 = arith.constant 8 : i32
      %add3A_126 = arith.addi %mul3A_124, %add3A_125 : i32
      %swap3A_127 = arith.index_cast %add3A_126 : i32 to index
      %swap3A_128 = arith.constant 0 : index
      %swap3A_129 = tpu.vector_load %arg9[%swap3A_127, %swap3A_128] {strides = array<i32>} : memref<640x16xf32, #tpu.memory_space<vmem>>, vector<1x16xf32>,
      %swap3A_130 = vector.shape_cast %swap3A_129 : vector<1x16xf32> to vector<16xf32>
      %swap3A_131 = vector.shape_cast %broadcast_in_dim3A_122 : vector<16xf32> to vector<1x16xf32>
      tpu.vector_store %arg9[%swap3A_127, %swap3A_128], %swap3A_131 {strides = array<i32>} : memref<640x16xf32, #tpu.memory_space<vmem>>, vector<1x16xf32>,
      %slice3A_132 = vector.extract_strided_slice %get3A_27 {offsets = [9], sizes = [1], strides = [1]} : vector<16xf32> to vector<1xf32>
      %squeeze3A_133 = vector.extract %slice3A_132[0] : f32 from vector<1xf32>
      %broadcast_in_dim3A_134 = vector.broadcast %squeeze3A_133 : f32 to vector<16xf32>
      %mul3A_135 = arith.constant 16 : i32
      %mul3A_136 = arith.muli %scan3A_23, %mul3A_135 : i32
      %add3A_137 = arith.constant 9 : i32
      %add3A_138 = arith.addi %mul3A_136, %add3A_137 : i32
      %swap3A_139 = arith.index_cast %add3A_138 : i32 to index
      %swap3A_140 = arith.constant 0 : index
      %swap3A_141 = tpu.vector_load %arg9[%swap3A_139, %swap3A_140] {strides = array<i32>} : memref<640x16xf32, #tpu.memory_space<vmem>>, vector<1x16xf32>,
      %swap3A_142 = vector.shape_cast %swap3A_141 : vector<1x16xf32> to vector<16xf32>
      %swap3A_143 = vector.shape_cast %broadcast_in_dim3A_134 : vector<16xf32> to vector<1x16xf32>
      tpu.vector_store %arg9[%swap3A_139, %swap3A_140], %swap3A_143 {strides = array<i32>} : memref<640x16xf32, #tpu.memory_space<vmem>>, vector<1x16xf32>,
      %slice3A_144 = vector.extract_strided_slice %get3A_27 {offsets = [10], sizes = [1], strides = [1]} : vector<16xf32> to vector<1xf32>
      %squeeze3A_145 = vector.extract %slice3A_144[0] : f32 from vector<1xf32>
      %broadcast_in_dim3A_146 = vector.broadcast %squeeze3A_145 : f32 to vector<16xf32>
      %mul3A_147 = arith.constant 16 : i32
      %mul3A_148 = arith.muli %scan3A_23, %mul3A_147 : i32
      %add3A_149 = arith.constant 10 : i32
      %add3A_150 = arith.addi %mul3A_148, %add3A_149 : i32
      %swap3A_151 = arith.index_cast %add3A_150 : i32 to index
      %swap3A_152 = arith.constant 0 : index
      %swap3A_153 = tpu.vector_load %arg9[%swap3A_151, %swap3A_152] {strides = array<i32>} : memref<640x16xf32, #tpu.memory_space<vmem>>, vector<1x16xf32>,
      %swap3A_154 = vector.shape_cast %swap3A_153 : vector<1x16xf32> to vector<16xf32>
      %swap3A_155 = vector.shape_cast %broadcast_in_dim3A_146 : vector<16xf32> to vector<1x16xf32>
      tpu.vector_store %arg9[%swap3A_151, %swap3A_152], %swap3A_155 {strides = array<i32>} : memref<640x16xf32, #tpu.memory_space<vmem>>, vector<1x16xf32>,
      %slice3A_156 = vector.extract_strided_slice %get3A_27 {offsets = [11], sizes = [1], strides = [1]} : vector<16xf32> to vector<1xf32>
      %squeeze3A_157 = vector.extract %slice3A_156[0] : f32 from vector<1xf32>
      %broadcast_in_dim3A_158 = vector.broadcast %squeeze3A_157 : f32 to vector<16xf32>
      %mul3A_159 = arith.constant 16 : i32
      %mul3A_160 = arith.muli %scan3A_23, %mul3A_159 : i32
      %add3A_161 = arith.constant 11 : i32
      %add3A_162 = arith.addi %mul3A_160, %add3A_161 : i32
      %swap3A_163 = arith.index_cast %add3A_162 : i32 to index
      %swap3A_164 = arith.constant 0 : index
      %swap3A_165 = tpu.vector_load %arg9[%swap3A_163, %swap3A_164] {strides = array<i32>} : memref<640x16xf32, #tpu.memory_space<vmem>>, vector<1x16xf32>,
      %swap3A_166 = vector.shape_cast %swap3A_165 : vector<1x16xf32> to vector<16xf32>
      %swap3A_167 = vector.shape_cast %broadcast_in_dim3A_158 : vector<16xf32> to vector<1x16xf32>
      tpu.vector_store %arg9[%swap3A_163, %swap3A_164], %swap3A_167 {strides = array<i32>} : memref<640x16xf32, #tpu.memory_space<vmem>>, vector<1x16xf32>,
      %slice3A_168 = vector.extract_strided_slice %get3A_27 {offsets = [12], sizes = [1], strides = [1]} : vector<16xf32> to vector<1xf32>
      %squeeze3A_169 = vector.extract %slice3A_168[0] : f32 from vector<1xf32>
      %broadcast_in_dim3A_170 = vector.broadcast %squeeze3A_169 : f32 to vector<16xf32>
      %mul3A_171 = arith.constant 16 : i32
      %mul3A_172 = arith.muli %scan3A_23, %mul3A_171 : i32
      %add3A_173 = arith.constant 12 : i32
      %add3A_174 = arith.addi %mul3A_172, %add3A_173 : i32
      %swap3A_175 = arith.index_cast %add3A_174 : i32 to index
      %swap3A_176 = arith.constant 0 : index
      %swap3A_177 = tpu.vector_load %arg9[%swap3A_175, %swap3A_176] {strides = array<i32>} : memref<640x16xf32, #tpu.memory_space<vmem>>, vector<1x16xf32>,
      %swap3A_178 = vector.shape_cast %swap3A_177 : vector<1x16xf32> to vector<16xf32>
      %swap3A_179 = vector.shape_cast %broadcast_in_dim3A_170 : vector<16xf32> to vector<1x16xf32>
      tpu.vector_store %arg9[%swap3A_175, %swap3A_176], %swap3A_179 {strides = array<i32>} : memref<640x16xf32, #tpu.memory_space<vmem>>, vector<1x16xf32>,
      %slice3A_180 = vector.extract_strided_slice %get3A_27 {offsets = [13], sizes = [1], strides = [1]} : vector<16xf32> to vector<1xf32>
      %squeeze3A_181 = vector.extract %slice3A_180[0] : f32 from vector<1xf32>
      %broadcast_in_dim3A_182 = vector.broadcast %squeeze3A_181 : f32 to vector<16xf32>
      %mul3A_183 = arith.constant 16 : i32
      %mul3A_184 = arith.muli %scan3A_23, %mul3A_183 : i32
      %add3A_185 = arith.constant 13 : i32
      %add3A_186 = arith.addi %mul3A_184, %add3A_185 : i32
      %swap3A_187 = arith.index_cast %add3A_186 : i32 to index
      %swap3A_188 = arith.constant 0 : index
      %swap3A_189 = tpu.vector_load %arg9[%swap3A_187, %swap3A_188] {strides = array<i32>} : memref<640x16xf32, #tpu.memory_space<vmem>>, vector<1x16xf32>,
      %swap3A_190 = vector.shape_cast %swap3A_189 : vector<1x16xf32> to vector<16xf32>
      %swap3A_191 = vector.shape_cast %broadcast_in_dim3A_182 : vector<16xf32> to vector<1x16xf32>
      tpu.vector_store %arg9[%swap3A_187, %swap3A_188], %swap3A_191 {strides = array<i32>} : memref<640x16xf32, #tpu.memory_space<vmem>>, vector<1x16xf32>,
      %slice3A_192 = vector.extract_strided_slice %get3A_27 {offsets = [14], sizes = [1], strides = [1]} : vector<16xf32> to vector<1xf32>
      %squeeze3A_193 = vector.extract %slice3A_192[0] : f32 from vector<1xf32>
      %broadcast_in_dim3A_194 = vector.broadcast %squeeze3A_193 : f32 to vector<16xf32>
      %mul3A_195 = arith.constant 16 : i32
      %mul3A_196 = arith.muli %scan3A_23, %mul3A_195 : i32
      %add3A_197 = arith.constant 14 : i32
      %add3A_198 = arith.addi %mul3A_196, %add3A_197 : i32
      %swap3A_199 = arith.index_cast %add3A_198 : i32 to index
      %swap3A_200 = arith.constant 0 : index
      %swap3A_201 = tpu.vector_load %arg9[%swap3A_199, %swap3A_200] {strides = array<i32>} : memref<640x16xf32, #tpu.memory_space<vmem>>, vector<1x16xf32>,
      %swap3A_202 = vector.shape_cast %swap3A_201 : vector<1x16xf32> to vector<16xf32>
      %swap3A_203 = vector.shape_cast %broadcast_in_dim3A_194 : vector<16xf32> to vector<1x16xf32>
      tpu.vector_store %arg9[%swap3A_199, %swap3A_200], %swap3A_203 {strides = array<i32>} : memref<640x16xf32, #tpu.memory_space<vmem>>, vector<1x16xf32>,
      %slice3A_204 = vector.extract_strided_slice %get3A_27 {offsets = [15], sizes = [1], strides = [1]} : vector<16xf32> to vector<1xf32>
      %squeeze3A_205 = vector.extract %slice3A_204[0] : f32 from vector<1xf32>
      %broadcast_in_dim3A_206 = vector.broadcast %squeeze3A_205 : f32 to vector<16xf32>
      %mul3A_207 = arith.constant 16 : i32
      %mul3A_208 = arith.muli %scan3A_23, %mul3A_207 : i32
      %add3A_209 = arith.constant 15 : i32
      %add3A_210 = arith.addi %mul3A_208, %add3A_209 : i32
      %swap3A_211 = arith.index_cast %add3A_210 : i32 to index
      %swap3A_212 = arith.constant 0 : index
      %swap3A_213 = tpu.vector_load %arg9[%swap3A_211, %swap3A_212] {strides = array<i32>} : memref<640x16xf32, #tpu.memory_space<vmem>>, vector<1x16xf32>,
      %swap3A_214 = vector.shape_cast %swap3A_213 : vector<1x16xf32> to vector<16xf32>
      %swap3A_215 = vector.shape_cast %broadcast_in_dim3A_206 : vector<16xf32> to vector<1x16xf32>
      tpu.vector_store %arg9[%swap3A_211, %swap3A_212], %swap3A_215 {strides = array<i32>} : memref<640x16xf32, #tpu.memory_space<vmem>>, vector<1x16xf32>,
    }
    %scan3A_20 = arith.constant 40 : i32
    %mul3A_21 = arith.constant 640 : i32
    %mul3A_22 = arith.muli %arg1, %mul3A_21 : i32
    "tpu.region"() ({
      %run_scoped3A = tpu.sem_alloc : memref<!tpu.dma_semaphore, #tpu.memory_space<semaphore_mem>>
      %dma_start3A_23 = arith.constant 0 : i32
      %dma_start3A_24 = tpu.memref_slice %arg5[%arg0, %mul3A_22, %dma_start3A_23] : memref<2x10240x16xf32, #tpu.memory_space<hbm>> -> memref<1x640x16xf32, #tpu.memory_space<hbm>>
      %dma_start3A_25 = tpu.memref_squeeze %dma_start3A_24 : memref<1x640x16xf32, #tpu.memory_space<hbm>> -> memref<640x16xf32, #tpu.memory_space<hbm>>
      %dma_start3A_26 = arith.constant 0 : i32
      %dma_start3A_27 = tpu.memref_slice %arg5[%arg0, %mul3A_22, %dma_start3A_26] : memref<2x10240x16xf32, #tpu.memory_space<hbm>> -> memref<1x640x16xf32, #tpu.memory_space<hbm>>
      %dma_start3A_28 = tpu.memref_squeeze %dma_start3A_27 : memref<1x640x16xf32, #tpu.memory_space<hbm>> -> memref<640x16xf32, #tpu.memory_space<hbm>>
      tpu.enqueue_dma source(%arg9 : memref<640x16xf32, #tpu.memory_space<vmem>>) target(%dma_start3A_28 : memref<640x16xf32, #tpu.memory_space<hbm>>) target_semaphore(%run_scoped3A : memref<!tpu.dma_semaphore, #tpu.memory_space<semaphore_mem>>)
      %dma_wait3A_29 = arith.constant 0 : i32
      %dma_wait3A_30 = tpu.memref_slice %arg5[%arg0, %mul3A_22, %dma_wait3A_29] : memref<2x10240x16xf32, #tpu.memory_space<hbm>> -> memref<1x640x16xf32, #tpu.memory_space<hbm>>
      %dma_wait3A_31 = tpu.memref_squeeze %dma_wait3A_30 : memref<1x640x16xf32, #tpu.memory_space<hbm>> -> memref<640x16xf32, #tpu.memory_space<hbm>>
      %dma_wait3A_32 = arith.constant 0 : i32
      %dma_wait3A_33 = tpu.memref_slice %arg5[%arg0, %mul3A_22, %dma_wait3A_32] : memref<2x10240x16xf32, #tpu.memory_space<hbm>> -> memref<1x640x16xf32, #tpu.memory_space<hbm>>
      %dma_wait3A_34 = tpu.memref_squeeze %dma_wait3A_33 : memref<1x640x16xf32, #tpu.memory_space<hbm>> -> memref<640x16xf32, #tpu.memory_space<hbm>>
      tpu.wait_dma2 semaphore(%run_scoped3A : memref<!tpu.dma_semaphore, #tpu.memory_space<semaphore_mem>>) src(%arg9 : memref<640x16xf32, #tpu.memory_space<vmem>>) dst(%dma_wait3A_34 : memref<640x16xf32, #tpu.memory_space<hbm>>)
      tpu.yield
    }) : () -> ()
    return
  }
}

#map = affine_map<(d0, d1) -> (0, 0)>
#map1 = affine_map<(d0, d1) -> (0, 0, 0)>
module attributes {stable_mosaic.version = 14 : i64} {
  func.func @_sc_aggregate_body(%arg0: i32, %arg1: i32, %arg2: memref<10000x16xf32, #tpu.memory_space<hbm>>, %arg3: memref<2x320000xi32, #tpu.memory_space<hbm>>, %arg4: memref<640x16xf32, #tpu.memory_space<hbm>>, %arg5: memref<2x10240x16xf32, #tpu.memory_space<hbm>>, %arg6: memref<2000xi32, #tpu.memory_space<vmem>>, %arg7: memref<2000xi32, #tpu.memory_space<vmem>>, %arg8: memref<2000xi32, #tpu.memory_space<vmem>>, %arg9: memref<2000xi32, #tpu.memory_space<vmem>>, %arg10: memref<2000xi32, #tpu.memory_space<vmem>>, %arg11: memref<2000xi32, #tpu.memory_space<vmem>>, %arg12: memref<2000xi32, #tpu.memory_space<vmem>>, %arg13: memref<2000xi32, #tpu.memory_space<vmem>>, %arg14: memref<2000x16xf32, #tpu.memory_space<vmem>>, %arg15: memref<2000x16xf32, #tpu.memory_space<vmem>>, %arg16: memref<640x16xf32, #tpu.memory_space<vmem>>, %arg17: memref<10240x16xf32, #tpu.memory_space<vmem_shared>>, %arg18: memref<!tpu.dma_semaphore, #tpu.memory_space<semaphore_mem>>, %arg19: memref<!tpu.dma_semaphore, #tpu.memory_space<semaphore_mem>>, %arg20: memref<!tpu.dma_semaphore, #tpu.memory_space<semaphore_mem>>, %arg21: memref<!tpu.dma_semaphore, #tpu.memory_space<semaphore_mem>>, %arg22: memref<!tpu.dma_semaphore, #tpu.memory_space<semaphore_mem>>, %arg23: memref<!tpu.dma_semaphore, #tpu.memory_space<semaphore_mem>>, %arg24: memref<!tpu.dma_semaphore, #tpu.memory_space<semaphore_mem>>, %arg25: memref<!tpu.dma_semaphore, #tpu.memory_space<semaphore_mem>>) attributes {dimension_semantics = [#tpu.dimension_semantics<core_parallel>, #tpu.dimension_semantics<subcore_parallel>], iteration_bounds = array<i64: 2, 16>, scalar_prefetch = 0 : i64, scratch_operands = 20 : i64, tpu.core_type = #tpu.core_type<sc_vector_subcore>, window_params = [{transform_indices = #map}, {transform_indices = #map}, {transform_indices = #map}, {transform_indices = #map1}]} {
    %mul3A = arith.constant 2 : i32
    %mul3A_0 = arith.muli %arg1, %mul3A : i32
    %add3A = arith.addi %mul3A_0, %arg0 : i32
    %mul3A_1 = arith.constant 10000 : i32
    %mul3A_2 = arith.muli %add3A, %mul3A_1 : i32
    %add3A_3 = arith.constant 0 : i32
    %add3A_4 = arith.addi %mul3A_2, %add3A_3 : i32
    %dma_start3A = arith.constant 0 : i32
    %dma_start3A_5 = tpu.memref_slice %arg3[%dma_start3A, %add3A_4] : memref<2x320000xi32, #tpu.memory_space<hbm>> -> memref<1x2000xi32, #tpu.memory_space<hbm>>
    %dma_start3A_6 = tpu.memref_squeeze %dma_start3A_5 : memref<1x2000xi32, #tpu.memory_space<hbm>> -> memref<2000xi32, #tpu.memory_space<hbm>>
    %dma_start3A_7 = tpu.memref_slice %arg3[%dma_start3A, %add3A_4] : memref<2x320000xi32, #tpu.memory_space<hbm>> -> memref<1x2000xi32, #tpu.memory_space<hbm>>
    %dma_start3A_8 = tpu.memref_squeeze %dma_start3A_7 : memref<1x2000xi32, #tpu.memory_space<hbm>> -> memref<2000xi32, #tpu.memory_space<hbm>>
    tpu.enqueue_dma source(%dma_start3A_8 : memref<2000xi32, #tpu.memory_space<hbm>>) target(%arg6 : memref<2000xi32, #tpu.memory_space<vmem>>) target_semaphore(%arg20 : memref<!tpu.dma_semaphore, #tpu.memory_space<semaphore_mem>>)
    %dma_start3A_9 = arith.constant 1 : i32
    %dma_start3A_10 = tpu.memref_slice %arg3[%dma_start3A_9, %add3A_4] : memref<2x320000xi32, #tpu.memory_space<hbm>> -> memref<1x2000xi32, #tpu.memory_space<hbm>>
    %dma_start3A_11 = tpu.memref_squeeze %dma_start3A_10 : memref<1x2000xi32, #tpu.memory_space<hbm>> -> memref<2000xi32, #tpu.memory_space<hbm>>
    %dma_start3A_12 = tpu.memref_slice %arg3[%dma_start3A_9, %add3A_4] : memref<2x320000xi32, #tpu.memory_space<hbm>> -> memref<1x2000xi32, #tpu.memory_space<hbm>>
    %dma_start3A_13 = tpu.memref_squeeze %dma_start3A_12 : memref<1x2000xi32, #tpu.memory_space<hbm>> -> memref<2000xi32, #tpu.memory_space<hbm>>
    tpu.enqueue_dma source(%dma_start3A_13 : memref<2000xi32, #tpu.memory_space<hbm>>) target(%arg10 : memref<2000xi32, #tpu.memory_space<vmem>>) target_semaphore(%arg20 : memref<!tpu.dma_semaphore, #tpu.memory_space<semaphore_mem>>)
    %add3A_14 = arith.constant 2000 : i32
    %add3A_15 = arith.addi %mul3A_2, %add3A_14 : i32
    %dma_start3A_16 = arith.constant 0 : i32
    %dma_start3A_17 = tpu.memref_slice %arg3[%dma_start3A_16, %add3A_15] : memref<2x320000xi32, #tpu.memory_space<hbm>> -> memref<1x2000xi32, #tpu.memory_space<hbm>>
    %dma_start3A_18 = tpu.memref_squeeze %dma_start3A_17 : memref<1x2000xi32, #tpu.memory_space<hbm>> -> memref<2000xi32, #tpu.memory_space<hbm>>
    %dma_start3A_19 = tpu.memref_slice %arg3[%dma_start3A_16, %add3A_15] : memref<2x320000xi32, #tpu.memory_space<hbm>> -> memref<1x2000xi32, #tpu.memory_space<hbm>>
    %dma_start3A_20 = tpu.memref_squeeze %dma_start3A_19 : memref<1x2000xi32, #tpu.memory_space<hbm>> -> memref<2000xi32, #tpu.memory_space<hbm>>
    tpu.enqueue_dma source(%dma_start3A_20 : memref<2000xi32, #tpu.memory_space<hbm>>) target(%arg7 : memref<2000xi32, #tpu.memory_space<vmem>>) target_semaphore(%arg21 : memref<!tpu.dma_semaphore, #tpu.memory_space<semaphore_mem>>)
    %dma_start3A_21 = arith.constant 1 : i32
    %dma_start3A_22 = tpu.memref_slice %arg3[%dma_start3A_21, %add3A_15] : memref<2x320000xi32, #tpu.memory_space<hbm>> -> memref<1x2000xi32, #tpu.memory_space<hbm>>
    %dma_start3A_23 = tpu.memref_squeeze %dma_start3A_22 : memref<1x2000xi32, #tpu.memory_space<hbm>> -> memref<2000xi32, #tpu.memory_space<hbm>>
    %dma_start3A_24 = tpu.memref_slice %arg3[%dma_start3A_21, %add3A_15] : memref<2x320000xi32, #tpu.memory_space<hbm>> -> memref<1x2000xi32, #tpu.memory_space<hbm>>
    %dma_start3A_25 = tpu.memref_squeeze %dma_start3A_24 : memref<1x2000xi32, #tpu.memory_space<hbm>> -> memref<2000xi32, #tpu.memory_space<hbm>>
    tpu.enqueue_dma source(%dma_start3A_25 : memref<2000xi32, #tpu.memory_space<hbm>>) target(%arg11 : memref<2000xi32, #tpu.memory_space<vmem>>) target_semaphore(%arg21 : memref<!tpu.dma_semaphore, #tpu.memory_space<semaphore_mem>>)
    %dma_wait3A = arith.constant 0 : i32
    %dma_wait3A_26 = tpu.memref_slice %arg3[%dma_wait3A, %add3A_4] : memref<2x320000xi32, #tpu.memory_space<hbm>> -> memref<1x2000xi32, #tpu.memory_space<hbm>>
    %dma_wait3A_27 = tpu.memref_squeeze %dma_wait3A_26 : memref<1x2000xi32, #tpu.memory_space<hbm>> -> memref<2000xi32, #tpu.memory_space<hbm>>
    %dma_wait3A_28 = tpu.memref_slice %arg3[%dma_wait3A, %add3A_4] : memref<2x320000xi32, #tpu.memory_space<hbm>> -> memref<1x2000xi32, #tpu.memory_space<hbm>>
    %dma_wait3A_29 = tpu.memref_squeeze %dma_wait3A_28 : memref<1x2000xi32, #tpu.memory_space<hbm>> -> memref<2000xi32, #tpu.memory_space<hbm>>
    tpu.wait_dma2 semaphore(%arg20 : memref<!tpu.dma_semaphore, #tpu.memory_space<semaphore_mem>>) src(%dma_wait3A_29 : memref<2000xi32, #tpu.memory_space<hbm>>) dst(%arg6 : memref<2000xi32, #tpu.memory_space<vmem>>)
    %dma_wait3A_30 = arith.constant 1 : i32
    %dma_wait3A_31 = tpu.memref_slice %arg3[%dma_wait3A_30, %add3A_4] : memref<2x320000xi32, #tpu.memory_space<hbm>> -> memref<1x2000xi32, #tpu.memory_space<hbm>>
    %dma_wait3A_32 = tpu.memref_squeeze %dma_wait3A_31 : memref<1x2000xi32, #tpu.memory_space<hbm>> -> memref<2000xi32, #tpu.memory_space<hbm>>
    %dma_wait3A_33 = tpu.memref_slice %arg3[%dma_wait3A_30, %add3A_4] : memref<2x320000xi32, #tpu.memory_space<hbm>> -> memref<1x2000xi32, #tpu.memory_space<hbm>>
    %dma_wait3A_34 = tpu.memref_squeeze %dma_wait3A_33 : memref<1x2000xi32, #tpu.memory_space<hbm>> -> memref<2000xi32, #tpu.memory_space<hbm>>
    tpu.wait_dma2 semaphore(%arg20 : memref<!tpu.dma_semaphore, #tpu.memory_space<semaphore_mem>>) src(%dma_wait3A_34 : memref<2000xi32, #tpu.memory_space<hbm>>) dst(%arg10 : memref<2000xi32, #tpu.memory_space<vmem>>)
    %dma_start3A_35 = arith.constant 0 : i32
    %dma_start3A_36 = arith.constant 0 : i32
    %dma_start3A_37 = tpu.memref_slice %arg2[%dma_start3A_35, %dma_start3A_36] : memref<10000x16xf32, #tpu.memory_space<hbm>> -> memref<10000x16xf32, #tpu.memory_space<hbm>>
    tpu.enqueue_indirect_dma source(%dma_start3A_37 : memref<10000x16xf32, #tpu.memory_space<hbm>>) target(%arg14 : memref<2000x16xf32, #tpu.memory_space<vmem>>) offsets(%arg6 : memref<2000xi32, #tpu.memory_space<vmem>>) semaphore(%arg18 : memref<!tpu.dma_semaphore, #tpu.memory_space<semaphore_mem>>)
    "tpu.region"() ({
      %run_scoped3A = tpu.sem_alloc : memref<!tpu.dma_semaphore, #tpu.memory_space<semaphore_mem>>
      tpu.enqueue_dma source(%arg4 : memref<640x16xf32, #tpu.memory_space<hbm>>) target(%arg16 : memref<640x16xf32, #tpu.memory_space<vmem>>) target_semaphore(%run_scoped3A : memref<!tpu.dma_semaphore, #tpu.memory_space<semaphore_mem>>)
      tpu.wait_dma2 semaphore(%run_scoped3A : memref<!tpu.dma_semaphore, #tpu.memory_space<semaphore_mem>>) src(%arg4 : memref<640x16xf32, #tpu.memory_space<hbm>>) dst(%arg16 : memref<640x16xf32, #tpu.memory_space<vmem>>)
      tpu.yield
    }) : () -> ()
    %mul3A_38 = arith.constant 640 : i32
    %mul3A_39 = arith.muli %arg1, %mul3A_38 : i32
    "tpu.region"() ({
      %run_scoped3A = tpu.sem_alloc : memref<!tpu.dma_semaphore, #tpu.memory_space<semaphore_mem>>
      %dma_start3A_178 = arith.constant 0 : i32
      %dma_start3A_179 = tpu.memref_slice %arg17[%mul3A_39, %dma_start3A_178] : memref<10240x16xf32, #tpu.memory_space<vmem_shared>> -> memref<640x16xf32, #tpu.memory_space<vmem_shared>>
      %dma_start3A_180 = arith.constant 0 : i32
      %dma_start3A_181 = tpu.memref_slice %arg17[%mul3A_39, %dma_start3A_180] : memref<10240x16xf32, #tpu.memory_space<vmem_shared>> -> memref<640x16xf32, #tpu.memory_space<vmem_shared>>
      tpu.enqueue_dma source(%arg16 : memref<640x16xf32, #tpu.memory_space<vmem>>) target(%dma_start3A_181 : memref<640x16xf32, #tpu.memory_space<vmem_shared>>) target_semaphore(%run_scoped3A : memref<!tpu.dma_semaphore, #tpu.memory_space<semaphore_mem>>)
      %dma_wait3A_182 = arith.constant 0 : i32
      %dma_wait3A_183 = tpu.memref_slice %arg17[%mul3A_39, %dma_wait3A_182] : memref<10240x16xf32, #tpu.memory_space<vmem_shared>> -> memref<640x16xf32, #tpu.memory_space<vmem_shared>>
      %dma_wait3A_184 = arith.constant 0 : i32
      %dma_wait3A_185 = tpu.memref_slice %arg17[%mul3A_39, %dma_wait3A_184] : memref<10240x16xf32, #tpu.memory_space<vmem_shared>> -> memref<640x16xf32, #tpu.memory_space<vmem_shared>>
      tpu.wait_dma2 semaphore(%run_scoped3A : memref<!tpu.dma_semaphore, #tpu.memory_space<semaphore_mem>>) src(%arg16 : memref<640x16xf32, #tpu.memory_space<vmem>>) dst(%dma_wait3A_185 : memref<640x16xf32, #tpu.memory_space<vmem_shared>>)
      tpu.yield
    }) : () -> ()
    %barrier3A = arith.constant 0 : index
    tpu.barrier barrier_id(%barrier3A)
    %dma_wait3A_40 = arith.constant 0 : i32
    %dma_wait3A_41 = tpu.memref_slice %arg3[%dma_wait3A_40, %add3A_15] : memref<2x320000xi32, #tpu.memory_space<hbm>> -> memref<1x2000xi32, #tpu.memory_space<hbm>>
    %dma_wait3A_42 = tpu.memref_squeeze %dma_wait3A_41 : memref<1x2000xi32, #tpu.memory_space<hbm>> -> memref<2000xi32, #tpu.memory_space<hbm>>
    %dma_wait3A_43 = tpu.memref_slice %arg3[%dma_wait3A_40, %add3A_15] : memref<2x320000xi32, #tpu.memory_space<hbm>> -> memref<1x2000xi32, #tpu.memory_space<hbm>>
    %dma_wait3A_44 = tpu.memref_squeeze %dma_wait3A_43 : memref<1x2000xi32, #tpu.memory_space<hbm>> -> memref<2000xi32, #tpu.memory_space<hbm>>
    tpu.wait_dma2 semaphore(%arg21 : memref<!tpu.dma_semaphore, #tpu.memory_space<semaphore_mem>>) src(%dma_wait3A_44 : memref<2000xi32, #tpu.memory_space<hbm>>) dst(%arg7 : memref<2000xi32, #tpu.memory_space<vmem>>)
    %dma_wait3A_45 = arith.constant 1 : i32
    %dma_wait3A_46 = tpu.memref_slice %arg3[%dma_wait3A_45, %add3A_15] : memref<2x320000xi32, #tpu.memory_space<hbm>> -> memref<1x2000xi32, #tpu.memory_space<hbm>>
    %dma_wait3A_47 = tpu.memref_squeeze %dma_wait3A_46 : memref<1x2000xi32, #tpu.memory_space<hbm>> -> memref<2000xi32, #tpu.memory_space<hbm>>
    %dma_wait3A_48 = tpu.memref_slice %arg3[%dma_wait3A_45, %add3A_15] : memref<2x320000xi32, #tpu.memory_space<hbm>> -> memref<1x2000xi32, #tpu.memory_space<hbm>>
    %dma_wait3A_49 = tpu.memref_squeeze %dma_wait3A_48 : memref<1x2000xi32, #tpu.memory_space<hbm>> -> memref<2000xi32, #tpu.memory_space<hbm>>
    tpu.wait_dma2 semaphore(%arg21 : memref<!tpu.dma_semaphore, #tpu.memory_space<semaphore_mem>>) src(%dma_wait3A_49 : memref<2000xi32, #tpu.memory_space<hbm>>) dst(%arg11 : memref<2000xi32, #tpu.memory_space<vmem>>)
    %dma_start3A_50 = arith.constant 0 : i32
    %dma_start3A_51 = arith.constant 0 : i32
    %dma_start3A_52 = tpu.memref_slice %arg2[%dma_start3A_50, %dma_start3A_51] : memref<10000x16xf32, #tpu.memory_space<hbm>> -> memref<10000x16xf32, #tpu.memory_space<hbm>>
    tpu.enqueue_indirect_dma source(%dma_start3A_52 : memref<10000x16xf32, #tpu.memory_space<hbm>>) target(%arg15 : memref<2000x16xf32, #tpu.memory_space<vmem>>) offsets(%arg7 : memref<2000xi32, #tpu.memory_space<vmem>>) semaphore(%arg19 : memref<!tpu.dma_semaphore, #tpu.memory_space<semaphore_mem>>)
    %dma_wait3A_53 = arith.constant 0 : i32
    %dma_wait3A_54 = arith.constant 0 : i32
    %dma_wait3A_55 = tpu.memref_slice %arg2[%dma_wait3A_53, %dma_wait3A_54] : memref<10000x16xf32, #tpu.memory_space<hbm>> -> memref<10000x16xf32, #tpu.memory_space<hbm>>
    tpu.wait_indirect_dma semaphore(%arg18 : memref<!tpu.dma_semaphore, #tpu.memory_space<semaphore_mem>>) src(%dma_wait3A_55 : memref<10000x16xf32, #tpu.memory_space<hbm>>) dst(%arg14 : memref<2000x16xf32, #tpu.memory_space<vmem>>)
    %dma_start3A_56 = arith.constant 0 : i32
    %dma_start3A_57 = arith.constant 0 : i32
    %dma_start3A_58 = tpu.memref_slice %arg17[%dma_start3A_56, %dma_start3A_57] : memref<10240x16xf32, #tpu.memory_space<vmem_shared>> -> memref<10240x16xf32, #tpu.memory_space<vmem_shared>>
    tpu.enqueue_indirect_dma source(%arg14 : memref<2000x16xf32, #tpu.memory_space<vmem>>) target(%dma_start3A_58 : memref<10240x16xf32, #tpu.memory_space<vmem_shared>>) offsets(%arg10 : memref<2000xi32, #tpu.memory_space<vmem>>) semaphore(%arg24 : memref<!tpu.dma_semaphore, #tpu.memory_space<semaphore_mem>>) {add = true}
    %add3A_59 = arith.constant 4000 : i32
    %add3A_60 = arith.addi %mul3A_2, %add3A_59 : i32
    %dma_start3A_61 = arith.constant 0 : i32
    %dma_start3A_62 = tpu.memref_slice %arg3[%dma_start3A_61, %add3A_60] : memref<2x320000xi32, #tpu.memory_space<hbm>> -> memref<1x2000xi32, #tpu.memory_space<hbm>>
    %dma_start3A_63 = tpu.memref_squeeze %dma_start3A_62 : memref<1x2000xi32, #tpu.memory_space<hbm>> -> memref<2000xi32, #tpu.memory_space<hbm>>
    %dma_start3A_64 = tpu.memref_slice %arg3[%dma_start3A_61, %add3A_60] : memref<2x320000xi32, #tpu.memory_space<hbm>> -> memref<1x2000xi32, #tpu.memory_space<hbm>>
    %dma_start3A_65 = tpu.memref_squeeze %dma_start3A_64 : memref<1x2000xi32, #tpu.memory_space<hbm>> -> memref<2000xi32, #tpu.memory_space<hbm>>
    tpu.enqueue_dma source(%dma_start3A_65 : memref<2000xi32, #tpu.memory_space<hbm>>) target(%arg8 : memref<2000xi32, #tpu.memory_space<vmem>>) target_semaphore(%arg22 : memref<!tpu.dma_semaphore, #tpu.memory_space<semaphore_mem>>)
    %dma_start3A_66 = arith.constant 1 : i32
    %dma_start3A_67 = tpu.memref_slice %arg3[%dma_start3A_66, %add3A_60] : memref<2x320000xi32, #tpu.memory_space<hbm>> -> memref<1x2000xi32, #tpu.memory_space<hbm>>
    %dma_start3A_68 = tpu.memref_squeeze %dma_start3A_67 : memref<1x2000xi32, #tpu.memory_space<hbm>> -> memref<2000xi32, #tpu.memory_space<hbm>>
    %dma_start3A_69 = tpu.memref_slice %arg3[%dma_start3A_66, %add3A_60] : memref<2x320000xi32, #tpu.memory_space<hbm>> -> memref<1x2000xi32, #tpu.memory_space<hbm>>
    %dma_start3A_70 = tpu.memref_squeeze %dma_start3A_69 : memref<1x2000xi32, #tpu.memory_space<hbm>> -> memref<2000xi32, #tpu.memory_space<hbm>>
    tpu.enqueue_dma source(%dma_start3A_70 : memref<2000xi32, #tpu.memory_space<hbm>>) target(%arg12 : memref<2000xi32, #tpu.memory_space<vmem>>) target_semaphore(%arg22 : memref<!tpu.dma_semaphore, #tpu.memory_space<semaphore_mem>>)
    %dma_wait3A_71 = arith.constant 0 : i32
    %dma_wait3A_72 = tpu.memref_slice %arg3[%dma_wait3A_71, %add3A_60] : memref<2x320000xi32, #tpu.memory_space<hbm>> -> memref<1x2000xi32, #tpu.memory_space<hbm>>
    %dma_wait3A_73 = tpu.memref_squeeze %dma_wait3A_72 : memref<1x2000xi32, #tpu.memory_space<hbm>> -> memref<2000xi32, #tpu.memory_space<hbm>>
    %dma_wait3A_74 = tpu.memref_slice %arg3[%dma_wait3A_71, %add3A_60] : memref<2x320000xi32, #tpu.memory_space<hbm>> -> memref<1x2000xi32, #tpu.memory_space<hbm>>
    %dma_wait3A_75 = tpu.memref_squeeze %dma_wait3A_74 : memref<1x2000xi32, #tpu.memory_space<hbm>> -> memref<2000xi32, #tpu.memory_space<hbm>>
    tpu.wait_dma2 semaphore(%arg22 : memref<!tpu.dma_semaphore, #tpu.memory_space<semaphore_mem>>) src(%dma_wait3A_75 : memref<2000xi32, #tpu.memory_space<hbm>>) dst(%arg8 : memref<2000xi32, #tpu.memory_space<vmem>>)
    %dma_wait3A_76 = arith.constant 1 : i32
    %dma_wait3A_77 = tpu.memref_slice %arg3[%dma_wait3A_76, %add3A_60] : memref<2x320000xi32, #tpu.memory_space<hbm>> -> memref<1x2000xi32, #tpu.memory_space<hbm>>
    %dma_wait3A_78 = tpu.memref_squeeze %dma_wait3A_77 : memref<1x2000xi32, #tpu.memory_space<hbm>> -> memref<2000xi32, #tpu.memory_space<hbm>>
    %dma_wait3A_79 = tpu.memref_slice %arg3[%dma_wait3A_76, %add3A_60] : memref<2x320000xi32, #tpu.memory_space<hbm>> -> memref<1x2000xi32, #tpu.memory_space<hbm>>
    %dma_wait3A_80 = tpu.memref_squeeze %dma_wait3A_79 : memref<1x2000xi32, #tpu.memory_space<hbm>> -> memref<2000xi32, #tpu.memory_space<hbm>>
    tpu.wait_dma2 semaphore(%arg22 : memref<!tpu.dma_semaphore, #tpu.memory_space<semaphore_mem>>) src(%dma_wait3A_80 : memref<2000xi32, #tpu.memory_space<hbm>>) dst(%arg12 : memref<2000xi32, #tpu.memory_space<vmem>>)
    %dma_wait3A_81 = arith.constant 0 : i32
    %dma_wait3A_82 = arith.constant 0 : i32
    %dma_wait3A_83 = tpu.memref_slice %arg17[%dma_wait3A_81, %dma_wait3A_82] : memref<10240x16xf32, #tpu.memory_space<vmem_shared>> -> memref<10240x16xf32, #tpu.memory_space<vmem_shared>>
    tpu.wait_indirect_dma semaphore(%arg24 : memref<!tpu.dma_semaphore, #tpu.memory_space<semaphore_mem>>) src(%arg14 : memref<2000x16xf32, #tpu.memory_space<vmem>>) dst(%dma_wait3A_83 : memref<10240x16xf32, #tpu.memory_space<vmem_shared>>)
    %dma_start3A_84 = arith.constant 0 : i32
    %dma_start3A_85 = arith.constant 0 : i32
    %dma_start3A_86 = tpu.memref_slice %arg2[%dma_start3A_84, %dma_start3A_85] : memref<10000x16xf32, #tpu.memory_space<hbm>> -> memref<10000x16xf32, #tpu.memory_space<hbm>>
    tpu.enqueue_indirect_dma source(%dma_start3A_86 : memref<10000x16xf32, #tpu.memory_space<hbm>>) target(%arg14 : memref<2000x16xf32, #tpu.memory_space<vmem>>) offsets(%arg8 : memref<2000xi32, #tpu.memory_space<vmem>>) semaphore(%arg18 : memref<!tpu.dma_semaphore, #tpu.memory_space<semaphore_mem>>)
    %dma_wait3A_87 = arith.constant 0 : i32
    %dma_wait3A_88 = arith.constant 0 : i32
    %dma_wait3A_89 = tpu.memref_slice %arg2[%dma_wait3A_87, %dma_wait3A_88] : memref<10000x16xf32, #tpu.memory_space<hbm>> -> memref<10000x16xf32, #tpu.memory_space<hbm>>
    tpu.wait_indirect_dma semaphore(%arg19 : memref<!tpu.dma_semaphore, #tpu.memory_space<semaphore_mem>>) src(%dma_wait3A_89 : memref<10000x16xf32, #tpu.memory_space<hbm>>) dst(%arg15 : memref<2000x16xf32, #tpu.memory_space<vmem>>)
    %dma_start3A_90 = arith.constant 0 : i32
    %dma_start3A_91 = arith.constant 0 : i32
    %dma_start3A_92 = tpu.memref_slice %arg17[%dma_start3A_90, %dma_start3A_91] : memref<10240x16xf32, #tpu.memory_space<vmem_shared>> -> memref<10240x16xf32, #tpu.memory_space<vmem_shared>>
    tpu.enqueue_indirect_dma source(%arg15 : memref<2000x16xf32, #tpu.memory_space<vmem>>) target(%dma_start3A_92 : memref<10240x16xf32, #tpu.memory_space<vmem_shared>>) offsets(%arg11 : memref<2000xi32, #tpu.memory_space<vmem>>) semaphore(%arg25 : memref<!tpu.dma_semaphore, #tpu.memory_space<semaphore_mem>>) {add = true}
    %add3A_93 = arith.constant 6000 : i32
    %add3A_94 = arith.addi %mul3A_2, %add3A_93 : i32
    %dma_start3A_95 = arith.constant 0 : i32
    %dma_start3A_96 = tpu.memref_slice %arg3[%dma_start3A_95, %add3A_94] : memref<2x320000xi32, #tpu.memory_space<hbm>> -> memref<1x2000xi32, #tpu.memory_space<hbm>>
    %dma_start3A_97 = tpu.memref_squeeze %dma_start3A_96 : memref<1x2000xi32, #tpu.memory_space<hbm>> -> memref<2000xi32, #tpu.memory_space<hbm>>
    %dma_start3A_98 = tpu.memref_slice %arg3[%dma_start3A_95, %add3A_94] : memref<2x320000xi32, #tpu.memory_space<hbm>> -> memref<1x2000xi32, #tpu.memory_space<hbm>>
    %dma_start3A_99 = tpu.memref_squeeze %dma_start3A_98 : memref<1x2000xi32, #tpu.memory_space<hbm>> -> memref<2000xi32, #tpu.memory_space<hbm>>
    tpu.enqueue_dma source(%dma_start3A_99 : memref<2000xi32, #tpu.memory_space<hbm>>) target(%arg9 : memref<2000xi32, #tpu.memory_space<vmem>>) target_semaphore(%arg23 : memref<!tpu.dma_semaphore, #tpu.memory_space<semaphore_mem>>)
    %dma_start3A_100 = arith.constant 1 : i32
    %dma_start3A_101 = tpu.memref_slice %arg3[%dma_start3A_100, %add3A_94] : memref<2x320000xi32, #tpu.memory_space<hbm>> -> memref<1x2000xi32, #tpu.memory_space<hbm>>
    %dma_start3A_102 = tpu.memref_squeeze %dma_start3A_101 : memref<1x2000xi32, #tpu.memory_space<hbm>> -> memref<2000xi32, #tpu.memory_space<hbm>>
    %dma_start3A_103 = tpu.memref_slice %arg3[%dma_start3A_100, %add3A_94] : memref<2x320000xi32, #tpu.memory_space<hbm>> -> memref<1x2000xi32, #tpu.memory_space<hbm>>
    %dma_start3A_104 = tpu.memref_squeeze %dma_start3A_103 : memref<1x2000xi32, #tpu.memory_space<hbm>> -> memref<2000xi32, #tpu.memory_space<hbm>>
    tpu.enqueue_dma source(%dma_start3A_104 : memref<2000xi32, #tpu.memory_space<hbm>>) target(%arg13 : memref<2000xi32, #tpu.memory_space<vmem>>) target_semaphore(%arg23 : memref<!tpu.dma_semaphore, #tpu.memory_space<semaphore_mem>>)
    %dma_wait3A_105 = arith.constant 0 : i32
    %dma_wait3A_106 = tpu.memref_slice %arg3[%dma_wait3A_105, %add3A_94] : memref<2x320000xi32, #tpu.memory_space<hbm>> -> memref<1x2000xi32, #tpu.memory_space<hbm>>
    %dma_wait3A_107 = tpu.memref_squeeze %dma_wait3A_106 : memref<1x2000xi32, #tpu.memory_space<hbm>> -> memref<2000xi32, #tpu.memory_space<hbm>>
    %dma_wait3A_108 = tpu.memref_slice %arg3[%dma_wait3A_105, %add3A_94] : memref<2x320000xi32, #tpu.memory_space<hbm>> -> memref<1x2000xi32, #tpu.memory_space<hbm>>
    %dma_wait3A_109 = tpu.memref_squeeze %dma_wait3A_108 : memref<1x2000xi32, #tpu.memory_space<hbm>> -> memref<2000xi32, #tpu.memory_space<hbm>>
    tpu.wait_dma2 semaphore(%arg23 : memref<!tpu.dma_semaphore, #tpu.memory_space<semaphore_mem>>) src(%dma_wait3A_109 : memref<2000xi32, #tpu.memory_space<hbm>>) dst(%arg9 : memref<2000xi32, #tpu.memory_space<vmem>>)
    %dma_wait3A_110 = arith.constant 1 : i32
    %dma_wait3A_111 = tpu.memref_slice %arg3[%dma_wait3A_110, %add3A_94] : memref<2x320000xi32, #tpu.memory_space<hbm>> -> memref<1x2000xi32, #tpu.memory_space<hbm>>
    %dma_wait3A_112 = tpu.memref_squeeze %dma_wait3A_111 : memref<1x2000xi32, #tpu.memory_space<hbm>> -> memref<2000xi32, #tpu.memory_space<hbm>>
    %dma_wait3A_113 = tpu.memref_slice %arg3[%dma_wait3A_110, %add3A_94] : memref<2x320000xi32, #tpu.memory_space<hbm>> -> memref<1x2000xi32, #tpu.memory_space<hbm>>
    %dma_wait3A_114 = tpu.memref_squeeze %dma_wait3A_113 : memref<1x2000xi32, #tpu.memory_space<hbm>> -> memref<2000xi32, #tpu.memory_space<hbm>>
    tpu.wait_dma2 semaphore(%arg23 : memref<!tpu.dma_semaphore, #tpu.memory_space<semaphore_mem>>) src(%dma_wait3A_114 : memref<2000xi32, #tpu.memory_space<hbm>>) dst(%arg13 : memref<2000xi32, #tpu.memory_space<vmem>>)
    %dma_wait3A_115 = arith.constant 0 : i32
    %dma_wait3A_116 = arith.constant 0 : i32
    %dma_wait3A_117 = tpu.memref_slice %arg17[%dma_wait3A_115, %dma_wait3A_116] : memref<10240x16xf32, #tpu.memory_space<vmem_shared>> -> memref<10240x16xf32, #tpu.memory_space<vmem_shared>>
    tpu.wait_indirect_dma semaphore(%arg25 : memref<!tpu.dma_semaphore, #tpu.memory_space<semaphore_mem>>) src(%arg15 : memref<2000x16xf32, #tpu.memory_space<vmem>>) dst(%dma_wait3A_117 : memref<10240x16xf32, #tpu.memory_space<vmem_shared>>)
    %dma_start3A_118 = arith.constant 0 : i32
    %dma_start3A_119 = arith.constant 0 : i32
    %dma_start3A_120 = tpu.memref_slice %arg2[%dma_start3A_118, %dma_start3A_119] : memref<10000x16xf32, #tpu.memory_space<hbm>> -> memref<10000x16xf32, #tpu.memory_space<hbm>>
    tpu.enqueue_indirect_dma source(%dma_start3A_120 : memref<10000x16xf32, #tpu.memory_space<hbm>>) target(%arg15 : memref<2000x16xf32, #tpu.memory_space<vmem>>) offsets(%arg9 : memref<2000xi32, #tpu.memory_space<vmem>>) semaphore(%arg19 : memref<!tpu.dma_semaphore, #tpu.memory_space<semaphore_mem>>)
    %dma_wait3A_121 = arith.constant 0 : i32
    %dma_wait3A_122 = arith.constant 0 : i32
    %dma_wait3A_123 = tpu.memref_slice %arg2[%dma_wait3A_121, %dma_wait3A_122] : memref<10000x16xf32, #tpu.memory_space<hbm>> -> memref<10000x16xf32, #tpu.memory_space<hbm>>
    tpu.wait_indirect_dma semaphore(%arg18 : memref<!tpu.dma_semaphore, #tpu.memory_space<semaphore_mem>>) src(%dma_wait3A_123 : memref<10000x16xf32, #tpu.memory_space<hbm>>) dst(%arg14 : memref<2000x16xf32, #tpu.memory_space<vmem>>)
    %dma_start3A_124 = arith.constant 0 : i32
    %dma_start3A_125 = arith.constant 0 : i32
    %dma_start3A_126 = tpu.memref_slice %arg17[%dma_start3A_124, %dma_start3A_125] : memref<10240x16xf32, #tpu.memory_space<vmem_shared>> -> memref<10240x16xf32, #tpu.memory_space<vmem_shared>>
    tpu.enqueue_indirect_dma source(%arg14 : memref<2000x16xf32, #tpu.memory_space<vmem>>) target(%dma_start3A_126 : memref<10240x16xf32, #tpu.memory_space<vmem_shared>>) offsets(%arg12 : memref<2000xi32, #tpu.memory_space<vmem>>) semaphore(%arg24 : memref<!tpu.dma_semaphore, #tpu.memory_space<semaphore_mem>>) {add = true}
    %add3A_127 = arith.constant 8000 : i32
    %add3A_128 = arith.addi %mul3A_2, %add3A_127 : i32
    %dma_start3A_129 = arith.constant 0 : i32
    %dma_start3A_130 = tpu.memref_slice %arg3[%dma_start3A_129, %add3A_128] : memref<2x320000xi32, #tpu.memory_space<hbm>> -> memref<1x2000xi32, #tpu.memory_space<hbm>>
    %dma_start3A_131 = tpu.memref_squeeze %dma_start3A_130 : memref<1x2000xi32, #tpu.memory_space<hbm>> -> memref<2000xi32, #tpu.memory_space<hbm>>
    %dma_start3A_132 = tpu.memref_slice %arg3[%dma_start3A_129, %add3A_128] : memref<2x320000xi32, #tpu.memory_space<hbm>> -> memref<1x2000xi32, #tpu.memory_space<hbm>>
    %dma_start3A_133 = tpu.memref_squeeze %dma_start3A_132 : memref<1x2000xi32, #tpu.memory_space<hbm>> -> memref<2000xi32, #tpu.memory_space<hbm>>
    tpu.enqueue_dma source(%dma_start3A_133 : memref<2000xi32, #tpu.memory_space<hbm>>) target(%arg6 : memref<2000xi32, #tpu.memory_space<vmem>>) target_semaphore(%arg20 : memref<!tpu.dma_semaphore, #tpu.memory_space<semaphore_mem>>)
    %dma_start3A_134 = arith.constant 1 : i32
    %dma_start3A_135 = tpu.memref_slice %arg3[%dma_start3A_134, %add3A_128] : memref<2x320000xi32, #tpu.memory_space<hbm>> -> memref<1x2000xi32, #tpu.memory_space<hbm>>
    %dma_start3A_136 = tpu.memref_squeeze %dma_start3A_135 : memref<1x2000xi32, #tpu.memory_space<hbm>> -> memref<2000xi32, #tpu.memory_space<hbm>>
    %dma_start3A_137 = tpu.memref_slice %arg3[%dma_start3A_134, %add3A_128] : memref<2x320000xi32, #tpu.memory_space<hbm>> -> memref<1x2000xi32, #tpu.memory_space<hbm>>
    %dma_start3A_138 = tpu.memref_squeeze %dma_start3A_137 : memref<1x2000xi32, #tpu.memory_space<hbm>> -> memref<2000xi32, #tpu.memory_space<hbm>>
    tpu.enqueue_dma source(%dma_start3A_138 : memref<2000xi32, #tpu.memory_space<hbm>>) target(%arg10 : memref<2000xi32, #tpu.memory_space<vmem>>) target_semaphore(%arg20 : memref<!tpu.dma_semaphore, #tpu.memory_space<semaphore_mem>>)
    %dma_wait3A_139 = arith.constant 0 : i32
    %dma_wait3A_140 = tpu.memref_slice %arg3[%dma_wait3A_139, %add3A_128] : memref<2x320000xi32, #tpu.memory_space<hbm>> -> memref<1x2000xi32, #tpu.memory_space<hbm>>
    %dma_wait3A_141 = tpu.memref_squeeze %dma_wait3A_140 : memref<1x2000xi32, #tpu.memory_space<hbm>> -> memref<2000xi32, #tpu.memory_space<hbm>>
    %dma_wait3A_142 = tpu.memref_slice %arg3[%dma_wait3A_139, %add3A_128] : memref<2x320000xi32, #tpu.memory_space<hbm>> -> memref<1x2000xi32, #tpu.memory_space<hbm>>
    %dma_wait3A_143 = tpu.memref_squeeze %dma_wait3A_142 : memref<1x2000xi32, #tpu.memory_space<hbm>> -> memref<2000xi32, #tpu.memory_space<hbm>>
    tpu.wait_dma2 semaphore(%arg20 : memref<!tpu.dma_semaphore, #tpu.memory_space<semaphore_mem>>) src(%dma_wait3A_143 : memref<2000xi32, #tpu.memory_space<hbm>>) dst(%arg6 : memref<2000xi32, #tpu.memory_space<vmem>>)
    %dma_wait3A_144 = arith.constant 1 : i32
    %dma_wait3A_145 = tpu.memref_slice %arg3[%dma_wait3A_144, %add3A_128] : memref<2x320000xi32, #tpu.memory_space<hbm>> -> memref<1x2000xi32, #tpu.memory_space<hbm>>
    %dma_wait3A_146 = tpu.memref_squeeze %dma_wait3A_145 : memref<1x2000xi32, #tpu.memory_space<hbm>> -> memref<2000xi32, #tpu.memory_space<hbm>>
    %dma_wait3A_147 = tpu.memref_slice %arg3[%dma_wait3A_144, %add3A_128] : memref<2x320000xi32, #tpu.memory_space<hbm>> -> memref<1x2000xi32, #tpu.memory_space<hbm>>
    %dma_wait3A_148 = tpu.memref_squeeze %dma_wait3A_147 : memref<1x2000xi32, #tpu.memory_space<hbm>> -> memref<2000xi32, #tpu.memory_space<hbm>>
    tpu.wait_dma2 semaphore(%arg20 : memref<!tpu.dma_semaphore, #tpu.memory_space<semaphore_mem>>) src(%dma_wait3A_148 : memref<2000xi32, #tpu.memory_space<hbm>>) dst(%arg10 : memref<2000xi32, #tpu.memory_space<vmem>>)
    %dma_wait3A_149 = arith.constant 0 : i32
    %dma_wait3A_150 = arith.constant 0 : i32
    %dma_wait3A_151 = tpu.memref_slice %arg17[%dma_wait3A_149, %dma_wait3A_150] : memref<10240x16xf32, #tpu.memory_space<vmem_shared>> -> memref<10240x16xf32, #tpu.memory_space<vmem_shared>>
    tpu.wait_indirect_dma semaphore(%arg24 : memref<!tpu.dma_semaphore, #tpu.memory_space<semaphore_mem>>) src(%arg14 : memref<2000x16xf32, #tpu.memory_space<vmem>>) dst(%dma_wait3A_151 : memref<10240x16xf32, #tpu.memory_space<vmem_shared>>)
    %dma_start3A_152 = arith.constant 0 : i32
    %dma_start3A_153 = arith.constant 0 : i32
    %dma_start3A_154 = tpu.memref_slice %arg2[%dma_start3A_152, %dma_start3A_153] : memref<10000x16xf32, #tpu.memory_space<hbm>> -> memref<10000x16xf32, #tpu.memory_space<hbm>>
    tpu.enqueue_indirect_dma source(%dma_start3A_154 : memref<10000x16xf32, #tpu.memory_space<hbm>>) target(%arg14 : memref<2000x16xf32, #tpu.memory_space<vmem>>) offsets(%arg6 : memref<2000xi32, #tpu.memory_space<vmem>>) semaphore(%arg18 : memref<!tpu.dma_semaphore, #tpu.memory_space<semaphore_mem>>)
    %dma_wait3A_155 = arith.constant 0 : i32
    %dma_wait3A_156 = arith.constant 0 : i32
    %dma_wait3A_157 = tpu.memref_slice %arg2[%dma_wait3A_155, %dma_wait3A_156] : memref<10000x16xf32, #tpu.memory_space<hbm>> -> memref<10000x16xf32, #tpu.memory_space<hbm>>
    tpu.wait_indirect_dma semaphore(%arg19 : memref<!tpu.dma_semaphore, #tpu.memory_space<semaphore_mem>>) src(%dma_wait3A_157 : memref<10000x16xf32, #tpu.memory_space<hbm>>) dst(%arg15 : memref<2000x16xf32, #tpu.memory_space<vmem>>)
    %dma_start3A_158 = arith.constant 0 : i32
    %dma_start3A_159 = arith.constant 0 : i32
    %dma_start3A_160 = tpu.memref_slice %arg17[%dma_start3A_158, %dma_start3A_159] : memref<10240x16xf32, #tpu.memory_space<vmem_shared>> -> memref<10240x16xf32, #tpu.memory_space<vmem_shared>>
    tpu.enqueue_indirect_dma source(%arg15 : memref<2000x16xf32, #tpu.memory_space<vmem>>) target(%dma_start3A_160 : memref<10240x16xf32, #tpu.memory_space<vmem_shared>>) offsets(%arg13 : memref<2000xi32, #tpu.memory_space<vmem>>) semaphore(%arg25 : memref<!tpu.dma_semaphore, #tpu.memory_space<semaphore_mem>>) {add = true}
    %dma_wait3A_161 = arith.constant 0 : i32
    %dma_wait3A_162 = arith.constant 0 : i32
    %dma_wait3A_163 = tpu.memref_slice %arg2[%dma_wait3A_161, %dma_wait3A_162] : memref<10000x16xf32, #tpu.memory_space<hbm>> -> memref<10000x16xf32, #tpu.memory_space<hbm>>
    tpu.wait_indirect_dma semaphore(%arg18 : memref<!tpu.dma_semaphore, #tpu.memory_space<semaphore_mem>>) src(%dma_wait3A_163 : memref<10000x16xf32, #tpu.memory_space<hbm>>) dst(%arg14 : memref<2000x16xf32, #tpu.memory_space<vmem>>)
    %dma_start3A_164 = arith.constant 0 : i32
    %dma_start3A_165 = arith.constant 0 : i32
    %dma_start3A_166 = tpu.memref_slice %arg17[%dma_start3A_164, %dma_start3A_165] : memref<10240x16xf32, #tpu.memory_space<vmem_shared>> -> memref<10240x16xf32, #tpu.memory_space<vmem_shared>>
    tpu.enqueue_indirect_dma source(%arg14 : memref<2000x16xf32, #tpu.memory_space<vmem>>) target(%dma_start3A_166 : memref<10240x16xf32, #tpu.memory_space<vmem_shared>>) offsets(%arg10 : memref<2000xi32, #tpu.memory_space<vmem>>) semaphore(%arg24 : memref<!tpu.dma_semaphore, #tpu.memory_space<semaphore_mem>>) {add = true}
    %dma_wait3A_167 = arith.constant 0 : i32
    %dma_wait3A_168 = arith.constant 0 : i32
    %dma_wait3A_169 = tpu.memref_slice %arg17[%dma_wait3A_167, %dma_wait3A_168] : memref<10240x16xf32, #tpu.memory_space<vmem_shared>> -> memref<10240x16xf32, #tpu.memory_space<vmem_shared>>
    tpu.wait_indirect_dma semaphore(%arg25 : memref<!tpu.dma_semaphore, #tpu.memory_space<semaphore_mem>>) src(%arg15 : memref<2000x16xf32, #tpu.memory_space<vmem>>) dst(%dma_wait3A_169 : memref<10240x16xf32, #tpu.memory_space<vmem_shared>>)
    %dma_wait3A_170 = arith.constant 0 : i32
    %dma_wait3A_171 = arith.constant 0 : i32
    %dma_wait3A_172 = tpu.memref_slice %arg17[%dma_wait3A_170, %dma_wait3A_171] : memref<10240x16xf32, #tpu.memory_space<vmem_shared>> -> memref<10240x16xf32, #tpu.memory_space<vmem_shared>>
    tpu.wait_indirect_dma semaphore(%arg24 : memref<!tpu.dma_semaphore, #tpu.memory_space<semaphore_mem>>) src(%arg14 : memref<2000x16xf32, #tpu.memory_space<vmem>>) dst(%dma_wait3A_172 : memref<10240x16xf32, #tpu.memory_space<vmem_shared>>)
    %barrier3A_173 = arith.constant 0 : index
    tpu.barrier barrier_id(%barrier3A_173)
    %mul3A_174 = arith.constant 640 : i32
    %mul3A_175 = arith.muli %arg1, %mul3A_174 : i32
    %mul3A_176 = arith.constant 640 : i32
    %mul3A_177 = arith.muli %arg1, %mul3A_176 : i32
    "tpu.region"() ({
      %run_scoped3A = tpu.sem_alloc : memref<!tpu.dma_semaphore, #tpu.memory_space<semaphore_mem>>
      %dma_start3A_178 = arith.constant 0 : i32
      %dma_start3A_179 = tpu.memref_slice %arg5[%arg0, %mul3A_177, %dma_start3A_178] : memref<2x10240x16xf32, #tpu.memory_space<hbm>> -> memref<1x640x16xf32, #tpu.memory_space<hbm>>
      %dma_start3A_180 = tpu.memref_squeeze %dma_start3A_179 : memref<1x640x16xf32, #tpu.memory_space<hbm>> -> memref<640x16xf32, #tpu.memory_space<hbm>>
      %dma_start3A_181 = arith.constant 0 : i32
      %dma_start3A_182 = tpu.memref_slice %arg17[%mul3A_175, %dma_start3A_181] : memref<10240x16xf32, #tpu.memory_space<vmem_shared>> -> memref<640x16xf32, #tpu.memory_space<vmem_shared>>
      tpu.enqueue_dma source(%dma_start3A_182 : memref<640x16xf32, #tpu.memory_space<vmem_shared>>) target(%dma_start3A_180 : memref<640x16xf32, #tpu.memory_space<hbm>>) target_semaphore(%run_scoped3A : memref<!tpu.dma_semaphore, #tpu.memory_space<semaphore_mem>>)
      %dma_wait3A_183 = arith.constant 0 : i32
      %dma_wait3A_184 = tpu.memref_slice %arg5[%arg0, %mul3A_177, %dma_wait3A_183] : memref<2x10240x16xf32, #tpu.memory_space<hbm>> -> memref<1x640x16xf32, #tpu.memory_space<hbm>>
      %dma_wait3A_185 = tpu.memref_squeeze %dma_wait3A_184 : memref<1x640x16xf32, #tpu.memory_space<hbm>> -> memref<640x16xf32, #tpu.memory_space<hbm>>
      %dma_wait3A_186 = arith.constant 0 : i32
      %dma_wait3A_187 = tpu.memref_slice %arg17[%mul3A_175, %dma_wait3A_186] : memref<10240x16xf32, #tpu.memory_space<vmem_shared>> -> memref<640x16xf32, #tpu.memory_space<vmem_shared>>
      tpu.wait_dma2 semaphore(%run_scoped3A : memref<!tpu.dma_semaphore, #tpu.memory_space<semaphore_mem>>) src(%dma_wait3A_187 : memref<640x16xf32, #tpu.memory_space<vmem_shared>>) dst(%dma_wait3A_185 : memref<640x16xf32, #tpu.memory_space<hbm>>)
      tpu.yield
    }) : () -> ()
    return
  }
}

module attributes {stable_mosaic.version = 14 : i64} {
  func.func @_tc_mm1_body(%arg0: memref<1250x1024xf32, #tpu.memory_space<vmem>>, %arg1: memref<1024x128xf32, #tpu.memory_space<vmem>>, %arg2: memref<1250x128xf32, #tpu.memory_space<vmem>>) attributes {dimension_semantics = [], scalar_prefetch = 0 : i64, scratch_operands = 0 : i64, tpu.core_type = #tpu.core_type<tc>} {
    %get3A = arith.constant 0 : index
    %get3A_0 = arith.constant 0 : index
    %get3A_1 = vector.load %arg0[%get3A, %get3A_0] : memref<1250x1024xf32, #tpu.memory_space<vmem>>, vector<1250x1024xf32>
    %get3A_2 = arith.constant 0 : index
    %get3A_3 = arith.constant 0 : index
    %get3A_4 = vector.load %arg1[%get3A_2, %get3A_3] : memref<1024x128xf32, #tpu.memory_space<vmem>>, vector<1024x128xf32>
    %dot_general3A = arith.constant dense<0.000000e+00> : vector<1250x128xf32>
    %dot_general3A_5 = tpu.matmul %get3A_1, %get3A_4, %dot_general3A {dimension_numbers = #tpu.dot_dimension_numbers<[1], [0], [0], [1], [0, 0, 1, 1], [], []>, transpose_lhs_hint = false} : vector<1250x1024xf32>, vector<1024x128xf32>, vector<1250x128xf32> -> vector<1250x128xf32>
    %swap3A = arith.constant 0 : index
    %swap3A_6 = arith.constant 0 : index
    %swap3A_7 = vector.load %arg2[%swap3A, %swap3A_6] : memref<1250x128xf32, #tpu.memory_space<vmem>>, vector<1250x128xf32>
    tpu.vector_store %arg2[%swap3A, %swap3A_6], %dot_general3A_5 {strides = array<i32>} : memref<1250x128xf32, #tpu.memory_space<vmem>>, vector<1250x128xf32>,
    return
  }
}

module attributes {stable_mosaic.version = 14 : i64} {
  func.func @_tc_scale_body(%arg0: memref<1250x128xf32, #tpu.memory_space<vmem>>, %arg1: memref<2x1280x128xf32, #tpu.memory_space<vmem>>, %arg2: memref<1250x128xf32, #tpu.memory_space<vmem>>) attributes {dimension_semantics = [], scalar_prefetch = 0 : i64, scratch_operands = 0 : i64, tpu.core_type = #tpu.core_type<tc>} {
    %get3A = arith.constant 0 : index
    %get3A_0 = arith.constant 0 : index
    %get3A_1 = vector.load %arg0[%get3A, %get3A_0] : memref<1250x128xf32, #tpu.memory_space<vmem>>, vector<1250x128xf32>
    %get3A_2 = arith.constant 0 : index
    %get3A_3 = arith.constant 0 : index
    %get3A_4 = arith.constant 0 : index
    %get3A_5 = vector.load %arg1[%get3A_2, %get3A_3, %get3A_4] : memref<2x1280x128xf32, #tpu.memory_space<vmem>>, vector<1x1250x128xf32>
    %get3A_6 = vector.shape_cast %get3A_5 : vector<1x1250x128xf32> to vector<1250x128xf32>
    %get3A_7 = arith.constant 1 : index
    %get3A_8 = arith.constant 0 : index
    %get3A_9 = arith.constant 0 : index
    %get3A_10 = vector.load %arg1[%get3A_7, %get3A_8, %get3A_9] : memref<2x1280x128xf32, #tpu.memory_space<vmem>>, vector<1x1250x128xf32>
    %get3A_11 = vector.shape_cast %get3A_10 : vector<1x1250x128xf32> to vector<1250x128xf32>
    %add3A = arith.addf %get3A_6, %get3A_11 : vector<1250x128xf32>
    %add3A_12 = arith.constant 1.000000e+00 : f32
    %add3A_13 = vector.broadcast %add3A_12 : f32 to vector<1250x128xf32>
    %add3A_14 = arith.addf %add3A, %add3A_13 : vector<1250x128xf32>
    %rsqrt3A = math.rsqrt %add3A_14 : vector<1250x128xf32>
    %mul3A = arith.mulf %get3A_1, %rsqrt3A : vector<1250x128xf32>
    %swap3A = arith.constant 0 : index
    %swap3A_15 = arith.constant 0 : index
    %swap3A_16 = vector.load %arg2[%swap3A, %swap3A_15] : memref<1250x128xf32, #tpu.memory_space<vmem>>, vector<1250x128xf32>
    tpu.vector_store %arg2[%swap3A, %swap3A_15], %mul3A {strides = array<i32>} : memref<1250x128xf32, #tpu.memory_space<vmem>>, vector<1250x128xf32>,
    return
  }
}

module attributes {stable_mosaic.version = 14 : i64} {
  func.func @_tc_mid_body(%arg0: memref<2x1280x128xf32, #tpu.memory_space<vmem>>, %arg1: memref<1250x128xf32, #tpu.memory_space<vmem>>, %arg2: memref<2x1280x128xf32, #tpu.memory_space<vmem>>, %arg3: memref<1x128xf32, #tpu.memory_space<vmem>>, %arg4: memref<128x128xf32, #tpu.memory_space<vmem>>, %arg5: memref<1250x128xf32, #tpu.memory_space<vmem>>) attributes {dimension_semantics = [], scalar_prefetch = 0 : i64, scratch_operands = 0 : i64, tpu.core_type = #tpu.core_type<tc>} {
    %get3A = arith.constant 0 : index
    %get3A_0 = arith.constant 0 : index
    %get3A_1 = arith.constant 0 : index
    %get3A_2 = vector.load %arg2[%get3A, %get3A_0, %get3A_1] : memref<2x1280x128xf32, #tpu.memory_space<vmem>>, vector<1x1250x128xf32>
    %get3A_3 = vector.shape_cast %get3A_2 : vector<1x1250x128xf32> to vector<1250x128xf32>
    %get3A_4 = arith.constant 1 : index
    %get3A_5 = arith.constant 0 : index
    %get3A_6 = arith.constant 0 : index
    %get3A_7 = vector.load %arg2[%get3A_4, %get3A_5, %get3A_6] : memref<2x1280x128xf32, #tpu.memory_space<vmem>>, vector<1x1250x128xf32>
    %get3A_8 = vector.shape_cast %get3A_7 : vector<1x1250x128xf32> to vector<1250x128xf32>
    %add3A = arith.addf %get3A_3, %get3A_8 : vector<1250x128xf32>
    %add3A_9 = arith.constant 1.000000e+00 : f32
    %add3A_10 = vector.broadcast %add3A_9 : f32 to vector<1250x128xf32>
    %add3A_11 = arith.addf %add3A, %add3A_10 : vector<1250x128xf32>
    %rsqrt3A = math.rsqrt %add3A_11 : vector<1250x128xf32>
    %get3A_12 = arith.constant 0 : index
    %get3A_13 = arith.constant 0 : index
    %get3A_14 = arith.constant 0 : index
    %get3A_15 = vector.load %arg0[%get3A_12, %get3A_13, %get3A_14] : memref<2x1280x128xf32, #tpu.memory_space<vmem>>, vector<1x1250x128xf32>
    %get3A_16 = vector.shape_cast %get3A_15 : vector<1x1250x128xf32> to vector<1250x128xf32>
    %get3A_17 = arith.constant 1 : index
    %get3A_18 = arith.constant 0 : index
    %get3A_19 = arith.constant 0 : index
    %get3A_20 = vector.load %arg0[%get3A_17, %get3A_18, %get3A_19] : memref<2x1280x128xf32, #tpu.memory_space<vmem>>, vector<1x1250x128xf32>
    %get3A_21 = vector.shape_cast %get3A_20 : vector<1x1250x128xf32> to vector<1250x128xf32>
    %add3A_22 = arith.addf %get3A_16, %get3A_21 : vector<1250x128xf32>
    %get3A_23 = arith.constant 0 : index
    %get3A_24 = arith.constant 0 : index
    %get3A_25 = vector.load %arg1[%get3A_23, %get3A_24] : memref<1250x128xf32, #tpu.memory_space<vmem>>, vector<1250x128xf32>
    %add3A_26 = arith.addf %add3A_22, %get3A_25 : vector<1250x128xf32>
    %mul3A = arith.mulf %rsqrt3A, %add3A_26 : vector<1250x128xf32>
    %get3A_27 = arith.constant 0 : index
    %get3A_28 = arith.constant 0 : index
    %get3A_29 = vector.load %arg3[%get3A_27, %get3A_28] : memref<1x128xf32, #tpu.memory_space<vmem>>, vector<1x128xf32>
    %add3A_30 = vector.broadcast %get3A_29 : vector<1x128xf32> to vector<1250x128xf32>
    %add3A_31 = arith.addf %mul3A, %add3A_30 : vector<1250x128xf32>
    %max3A = arith.constant 0.000000e+00 : f32
    %max3A_32 = vector.broadcast %max3A : f32 to vector<1250x128xf32>
    %max3A_33 = arith.maximumf %add3A_31, %max3A_32 : vector<1250x128xf32>
    %get3A_34 = arith.constant 0 : index
    %get3A_35 = arith.constant 0 : index
    %get3A_36 = vector.load %arg4[%get3A_34, %get3A_35] : memref<128x128xf32, #tpu.memory_space<vmem>>, vector<128x128xf32>
    %dot_general3A = arith.constant dense<0.000000e+00> : vector<1250x128xf32>
    %dot_general3A_37 = tpu.matmul %max3A_33, %get3A_36, %dot_general3A {dimension_numbers = #tpu.dot_dimension_numbers<[1], [0], [0], [1], [0, 0, 1, 1], [], []>, transpose_lhs_hint = false} : vector<1250x128xf32>, vector<128x128xf32>, vector<1250x128xf32> -> vector<1250x128xf32>
    %mul3A_38 = arith.mulf %dot_general3A_37, %rsqrt3A : vector<1250x128xf32>
    %swap3A = arith.constant 0 : index
    %swap3A_39 = arith.constant 0 : index
    %swap3A_40 = vector.load %arg5[%swap3A, %swap3A_39] : memref<1250x128xf32, #tpu.memory_space<vmem>>, vector<1250x128xf32>
    tpu.vector_store %arg5[%swap3A, %swap3A_39], %mul3A_38 {strides = array<i32>} : memref<1250x128xf32, #tpu.memory_space<vmem>>, vector<1250x128xf32>,
    return
  }
}

module attributes {stable_mosaic.version = 14 : i64} {
  func.func @_tc_final_body(%arg0: memref<2x1280x128xf32, #tpu.memory_space<vmem>>, %arg1: memref<1250x128xf32, #tpu.memory_space<vmem>>, %arg2: memref<2x1280x128xf32, #tpu.memory_space<vmem>>, %arg3: memref<1x128xf32, #tpu.memory_space<vmem>>, %arg4: memref<8x1250xi32, #tpu.memory_space<vmem>>, %arg5: memref<64x16xf32, #tpu.memory_space<vmem>>) attributes {dimension_semantics = [], scalar_prefetch = 0 : i64, scratch_operands = 0 : i64, tpu.core_type = #tpu.core_type<tc>} {
    %get3A = arith.constant 0 : index
    %get3A_0 = arith.constant 0 : index
    %get3A_1 = arith.constant 0 : index
    %get3A_2 = vector.load %arg2[%get3A, %get3A_0, %get3A_1] : memref<2x1280x128xf32, #tpu.memory_space<vmem>>, vector<1x1250x128xf32>
    %get3A_3 = vector.shape_cast %get3A_2 : vector<1x1250x128xf32> to vector<1250x128xf32>
    %get3A_4 = arith.constant 1 : index
    %get3A_5 = arith.constant 0 : index
    %get3A_6 = arith.constant 0 : index
    %get3A_7 = vector.load %arg2[%get3A_4, %get3A_5, %get3A_6] : memref<2x1280x128xf32, #tpu.memory_space<vmem>>, vector<1x1250x128xf32>
    %get3A_8 = vector.shape_cast %get3A_7 : vector<1x1250x128xf32> to vector<1250x128xf32>
    %add3A = arith.addf %get3A_3, %get3A_8 : vector<1250x128xf32>
    %add3A_9 = arith.constant 1.000000e+00 : f32
    %add3A_10 = vector.broadcast %add3A_9 : f32 to vector<1250x128xf32>
    %add3A_11 = arith.addf %add3A, %add3A_10 : vector<1250x128xf32>
    %rsqrt3A = math.rsqrt %add3A_11 : vector<1250x128xf32>
    %get3A_12 = arith.constant 0 : index
    %get3A_13 = arith.constant 0 : index
    %get3A_14 = arith.constant 0 : index
    %get3A_15 = vector.load %arg0[%get3A_12, %get3A_13, %get3A_14] : memref<2x1280x128xf32, #tpu.memory_space<vmem>>, vector<1x1250x128xf32>
    %get3A_16 = vector.shape_cast %get3A_15 : vector<1x1250x128xf32> to vector<1250x128xf32>
    %get3A_17 = arith.constant 1 : index
    %get3A_18 = arith.constant 0 : index
    %get3A_19 = arith.constant 0 : index
    %get3A_20 = vector.load %arg0[%get3A_17, %get3A_18, %get3A_19] : memref<2x1280x128xf32, #tpu.memory_space<vmem>>, vector<1x1250x128xf32>
    %get3A_21 = vector.shape_cast %get3A_20 : vector<1x1250x128xf32> to vector<1250x128xf32>
    %add3A_22 = arith.addf %get3A_16, %get3A_21 : vector<1250x128xf32>
    %get3A_23 = arith.constant 0 : index
    %get3A_24 = arith.constant 0 : index
    %get3A_25 = vector.load %arg1[%get3A_23, %get3A_24] : memref<1250x128xf32, #tpu.memory_space<vmem>>, vector<1250x128xf32>
    %add3A_26 = arith.addf %add3A_22, %get3A_25 : vector<1250x128xf32>
    %mul3A = arith.mulf %rsqrt3A, %add3A_26 : vector<1250x128xf32>
    %get3A_27 = arith.constant 0 : index
    %get3A_28 = arith.constant 0 : index
    %get3A_29 = vector.load %arg3[%get3A_27, %get3A_28] : memref<1x128xf32, #tpu.memory_space<vmem>>, vector<1x128xf32>
    %add3A_30 = vector.broadcast %get3A_29 : vector<1x128xf32> to vector<1250x128xf32>
    %add3A_31 = arith.addf %mul3A, %add3A_30 : vector<1250x128xf32>
    %max3A = arith.constant 0.000000e+00 : f32
    %max3A_32 = vector.broadcast %max3A : f32 to vector<1250x128xf32>
    %max3A_33 = arith.maximumf %add3A_31, %max3A_32 : vector<1250x128xf32>
    %iota3A = tpu.iota {dimensions = array<i32: 0>} : vector<64x1xi32>
    %broadcast_in_dim3A = arith.constant 0.000000e+00 : f32
    %broadcast_in_dim3A_34 = vector.broadcast %broadcast_in_dim3A : f32 to vector<64x16xf32>
    %broadcast_in_dim3A_35 = arith.constant 0.000000e+00 : f32
    %broadcast_in_dim3A_36 = vector.broadcast %broadcast_in_dim3A_35 : f32 to vector<64x1xf32>
    %get3A_37 = arith.constant 0 : index
    %get3A_38 = arith.constant 0 : index
    %get3A_39 = vector.load %arg4[%get3A_37, %get3A_38] : memref<8x1250xi32, #tpu.memory_space<vmem>>, vector<1x1250xi32>
    %eq3A = vector.broadcast %get3A_39 : vector<1x1250xi32> to vector<64x1250xi32>
    %eq3A_40 = vector.broadcast %iota3A : vector<64x1xi32> to vector<64x1250xi32>
    %eq3A_41 = arith.cmpi eq, %eq3A, %eq3A_40 : vector<64x1250xi32>
    %convert_element_type3A = arith.extui %eq3A_41 : vector<64x1250xi1> to vector<64x1250xi32>
    %convert_element_type3A_42 = arith.sitofp %convert_element_type3A : vector<64x1250xi32> to vector<64x1250xf32>
    %slice3A = vector.extract_strided_slice %max3A_33 {offsets = [0, 0], sizes = [1250, 16], strides = [1, 1]} : vector<1250x128xf32> to vector<1250x16xf32>
    %dot_general3A = arith.constant dense<0.000000e+00> : vector<64x16xf32>
    %dot_general3A_43 = tpu.matmul %convert_element_type3A_42, %slice3A, %dot_general3A {dimension_numbers = #tpu.dot_dimension_numbers<[1], [0], [0], [1], [0, 0, 1, 1], [], []>, transpose_lhs_hint = false} : vector<64x1250xf32>, vector<1250x16xf32>, vector<64x16xf32> -> vector<64x16xf32>
    %add3A_44 = arith.addf %broadcast_in_dim3A_34, %dot_general3A_43 : vector<64x16xf32>
    %reduce_sum3A = arith.constant dense<0.000000e+00> : vector<64xf32>
    %reduce_sum3A_45 = vector.multi_reduction <add>, %convert_element_type3A_42, %reduce_sum3A [1] : vector<64x1250xf32> to vector<64xf32>
    %broadcast_in_dim3A_46 = vector.shape_cast %reduce_sum3A_45 : vector<64xf32> to vector<64x1xf32>
    %add3A_47 = arith.addf %broadcast_in_dim3A_36, %broadcast_in_dim3A_46 : vector<64x1xf32>
    %get3A_48 = arith.constant 1 : index
    %get3A_49 = arith.constant 0 : index
    %get3A_50 = vector.load %arg4[%get3A_48, %get3A_49] : memref<8x1250xi32, #tpu.memory_space<vmem>>, vector<1x1250xi32>
    %eq3A_51 = vector.broadcast %get3A_50 : vector<1x1250xi32> to vector<64x1250xi32>
    %eq3A_52 = vector.broadcast %iota3A : vector<64x1xi32> to vector<64x1250xi32>
    %eq3A_53 = arith.cmpi eq, %eq3A_51, %eq3A_52 : vector<64x1250xi32>
    %convert_element_type3A_54 = arith.extui %eq3A_53 : vector<64x1250xi1> to vector<64x1250xi32>
    %convert_element_type3A_55 = arith.sitofp %convert_element_type3A_54 : vector<64x1250xi32> to vector<64x1250xf32>
    %slice3A_56 = vector.extract_strided_slice %max3A_33 {offsets = [0, 16], sizes = [1250, 16], strides = [1, 1]} : vector<1250x128xf32> to vector<1250x16xf32>
    %dot_general3A_57 = arith.constant dense<0.000000e+00> : vector<64x16xf32>
    %dot_general3A_58 = tpu.matmul %convert_element_type3A_55, %slice3A_56, %dot_general3A_57 {dimension_numbers = #tpu.dot_dimension_numbers<[1], [0], [0], [1], [0, 0, 1, 1], [], []>, transpose_lhs_hint = false} : vector<64x1250xf32>, vector<1250x16xf32>, vector<64x16xf32> -> vector<64x16xf32>
    %add3A_59 = arith.addf %add3A_44, %dot_general3A_58 : vector<64x16xf32>
    %reduce_sum3A_60 = arith.constant dense<0.000000e+00> : vector<64xf32>
    %reduce_sum3A_61 = vector.multi_reduction <add>, %convert_element_type3A_55, %reduce_sum3A_60 [1] : vector<64x1250xf32> to vector<64xf32>
    %broadcast_in_dim3A_62 = vector.shape_cast %reduce_sum3A_61 : vector<64xf32> to vector<64x1xf32>
    %add3A_63 = arith.addf %add3A_47, %broadcast_in_dim3A_62 : vector<64x1xf32>
    %get3A_64 = arith.constant 2 : index
    %get3A_65 = arith.constant 0 : index
    %get3A_66 = vector.load %arg4[%get3A_64, %get3A_65] : memref<8x1250xi32, #tpu.memory_space<vmem>>, vector<1x1250xi32>
    %eq3A_67 = vector.broadcast %get3A_66 : vector<1x1250xi32> to vector<64x1250xi32>
    %eq3A_68 = vector.broadcast %iota3A : vector<64x1xi32> to vector<64x1250xi32>
    %eq3A_69 = arith.cmpi eq, %eq3A_67, %eq3A_68 : vector<64x1250xi32>
    %convert_element_type3A_70 = arith.extui %eq3A_69 : vector<64x1250xi1> to vector<64x1250xi32>
    %convert_element_type3A_71 = arith.sitofp %convert_element_type3A_70 : vector<64x1250xi32> to vector<64x1250xf32>
    %slice3A_72 = vector.extract_strided_slice %max3A_33 {offsets = [0, 32], sizes = [1250, 16], strides = [1, 1]} : vector<1250x128xf32> to vector<1250x16xf32>
    %dot_general3A_73 = arith.constant dense<0.000000e+00> : vector<64x16xf32>
    %dot_general3A_74 = tpu.matmul %convert_element_type3A_71, %slice3A_72, %dot_general3A_73 {dimension_numbers = #tpu.dot_dimension_numbers<[1], [0], [0], [1], [0, 0, 1, 1], [], []>, transpose_lhs_hint = false} : vector<64x1250xf32>, vector<1250x16xf32>, vector<64x16xf32> -> vector<64x16xf32>
    %add3A_75 = arith.addf %add3A_59, %dot_general3A_74 : vector<64x16xf32>
    %reduce_sum3A_76 = arith.constant dense<0.000000e+00> : vector<64xf32>
    %reduce_sum3A_77 = vector.multi_reduction <add>, %convert_element_type3A_71, %reduce_sum3A_76 [1] : vector<64x1250xf32> to vector<64xf32>
    %broadcast_in_dim3A_78 = vector.shape_cast %reduce_sum3A_77 : vector<64xf32> to vector<64x1xf32>
    %add3A_79 = arith.addf %add3A_63, %broadcast_in_dim3A_78 : vector<64x1xf32>
    %get3A_80 = arith.constant 3 : index
    %get3A_81 = arith.constant 0 : index
    %get3A_82 = vector.load %arg4[%get3A_80, %get3A_81] : memref<8x1250xi32, #tpu.memory_space<vmem>>, vector<1x1250xi32>
    %eq3A_83 = vector.broadcast %get3A_82 : vector<1x1250xi32> to vector<64x1250xi32>
    %eq3A_84 = vector.broadcast %iota3A : vector<64x1xi32> to vector<64x1250xi32>
    %eq3A_85 = arith.cmpi eq, %eq3A_83, %eq3A_84 : vector<64x1250xi32>
    %convert_element_type3A_86 = arith.extui %eq3A_85 : vector<64x1250xi1> to vector<64x1250xi32>
    %convert_element_type3A_87 = arith.sitofp %convert_element_type3A_86 : vector<64x1250xi32> to vector<64x1250xf32>
    %slice3A_88 = vector.extract_strided_slice %max3A_33 {offsets = [0, 48], sizes = [1250, 16], strides = [1, 1]} : vector<1250x128xf32> to vector<1250x16xf32>
    %dot_general3A_89 = arith.constant dense<0.000000e+00> : vector<64x16xf32>
    %dot_general3A_90 = tpu.matmul %convert_element_type3A_87, %slice3A_88, %dot_general3A_89 {dimension_numbers = #tpu.dot_dimension_numbers<[1], [0], [0], [1], [0, 0, 1, 1], [], []>, transpose_lhs_hint = false} : vector<64x1250xf32>, vector<1250x16xf32>, vector<64x16xf32> -> vector<64x16xf32>
    %add3A_91 = arith.addf %add3A_75, %dot_general3A_90 : vector<64x16xf32>
    %reduce_sum3A_92 = arith.constant dense<0.000000e+00> : vector<64xf32>
    %reduce_sum3A_93 = vector.multi_reduction <add>, %convert_element_type3A_87, %reduce_sum3A_92 [1] : vector<64x1250xf32> to vector<64xf32>
    %broadcast_in_dim3A_94 = vector.shape_cast %reduce_sum3A_93 : vector<64xf32> to vector<64x1xf32>
    %add3A_95 = arith.addf %add3A_79, %broadcast_in_dim3A_94 : vector<64x1xf32>
    %get3A_96 = arith.constant 4 : index
    %get3A_97 = arith.constant 0 : index
    %get3A_98 = vector.load %arg4[%get3A_96, %get3A_97] : memref<8x1250xi32, #tpu.memory_space<vmem>>, vector<1x1250xi32>
    %eq3A_99 = vector.broadcast %get3A_98 : vector<1x1250xi32> to vector<64x1250xi32>
    %eq3A_100 = vector.broadcast %iota3A : vector<64x1xi32> to vector<64x1250xi32>
    %eq3A_101 = arith.cmpi eq, %eq3A_99, %eq3A_100 : vector<64x1250xi32>
    %convert_element_type3A_102 = arith.extui %eq3A_101 : vector<64x1250xi1> to vector<64x1250xi32>
    %convert_element_type3A_103 = arith.sitofp %convert_element_type3A_102 : vector<64x1250xi32> to vector<64x1250xf32>
    %slice3A_104 = vector.extract_strided_slice %max3A_33 {offsets = [0, 64], sizes = [1250, 16], strides = [1, 1]} : vector<1250x128xf32> to vector<1250x16xf32>
    %dot_general3A_105 = arith.constant dense<0.000000e+00> : vector<64x16xf32>
    %dot_general3A_106 = tpu.matmul %convert_element_type3A_103, %slice3A_104, %dot_general3A_105 {dimension_numbers = #tpu.dot_dimension_numbers<[1], [0], [0], [1], [0, 0, 1, 1], [], []>, transpose_lhs_hint = false} : vector<64x1250xf32>, vector<1250x16xf32>, vector<64x16xf32> -> vector<64x16xf32>
    %add3A_107 = arith.addf %add3A_91, %dot_general3A_106 : vector<64x16xf32>
    %reduce_sum3A_108 = arith.constant dense<0.000000e+00> : vector<64xf32>
    %reduce_sum3A_109 = vector.multi_reduction <add>, %convert_element_type3A_103, %reduce_sum3A_108 [1] : vector<64x1250xf32> to vector<64xf32>
    %broadcast_in_dim3A_110 = vector.shape_cast %reduce_sum3A_109 : vector<64xf32> to vector<64x1xf32>
    %add3A_111 = arith.addf %add3A_95, %broadcast_in_dim3A_110 : vector<64x1xf32>
    %get3A_112 = arith.constant 5 : index
    %get3A_113 = arith.constant 0 : index
    %get3A_114 = vector.load %arg4[%get3A_112, %get3A_113] : memref<8x1250xi32, #tpu.memory_space<vmem>>, vector<1x1250xi32>
    %eq3A_115 = vector.broadcast %get3A_114 : vector<1x1250xi32> to vector<64x1250xi32>
    %eq3A_116 = vector.broadcast %iota3A : vector<64x1xi32> to vector<64x1250xi32>
    %eq3A_117 = arith.cmpi eq, %eq3A_115, %eq3A_116 : vector<64x1250xi32>
    %convert_element_type3A_118 = arith.extui %eq3A_117 : vector<64x1250xi1> to vector<64x1250xi32>
    %convert_element_type3A_119 = arith.sitofp %convert_element_type3A_118 : vector<64x1250xi32> to vector<64x1250xf32>
    %slice3A_120 = vector.extract_strided_slice %max3A_33 {offsets = [0, 80], sizes = [1250, 16], strides = [1, 1]} : vector<1250x128xf32> to vector<1250x16xf32>
    %dot_general3A_121 = arith.constant dense<0.000000e+00> : vector<64x16xf32>
    %dot_general3A_122 = tpu.matmul %convert_element_type3A_119, %slice3A_120, %dot_general3A_121 {dimension_numbers = #tpu.dot_dimension_numbers<[1], [0], [0], [1], [0, 0, 1, 1], [], []>, transpose_lhs_hint = false} : vector<64x1250xf32>, vector<1250x16xf32>, vector<64x16xf32> -> vector<64x16xf32>
    %add3A_123 = arith.addf %add3A_107, %dot_general3A_122 : vector<64x16xf32>
    %reduce_sum3A_124 = arith.constant dense<0.000000e+00> : vector<64xf32>
    %reduce_sum3A_125 = vector.multi_reduction <add>, %convert_element_type3A_119, %reduce_sum3A_124 [1] : vector<64x1250xf32> to vector<64xf32>
    %broadcast_in_dim3A_126 = vector.shape_cast %reduce_sum3A_125 : vector<64xf32> to vector<64x1xf32>
    %add3A_127 = arith.addf %add3A_111, %broadcast_in_dim3A_126 : vector<64x1xf32>
    %get3A_128 = arith.constant 6 : index
    %get3A_129 = arith.constant 0 : index
    %get3A_130 = vector.load %arg4[%get3A_128, %get3A_129] : memref<8x1250xi32, #tpu.memory_space<vmem>>, vector<1x1250xi32>
    %eq3A_131 = vector.broadcast %get3A_130 : vector<1x1250xi32> to vector<64x1250xi32>
    %eq3A_132 = vector.broadcast %iota3A : vector<64x1xi32> to vector<64x1250xi32>
    %eq3A_133 = arith.cmpi eq, %eq3A_131, %eq3A_132 : vector<64x1250xi32>
    %convert_element_type3A_134 = arith.extui %eq3A_133 : vector<64x1250xi1> to vector<64x1250xi32>
    %convert_element_type3A_135 = arith.sitofp %convert_element_type3A_134 : vector<64x1250xi32> to vector<64x1250xf32>
    %slice3A_136 = vector.extract_strided_slice %max3A_33 {offsets = [0, 96], sizes = [1250, 16], strides = [1, 1]} : vector<1250x128xf32> to vector<1250x16xf32>
    %dot_general3A_137 = arith.constant dense<0.000000e+00> : vector<64x16xf32>
    %dot_general3A_138 = tpu.matmul %convert_element_type3A_135, %slice3A_136, %dot_general3A_137 {dimension_numbers = #tpu.dot_dimension_numbers<[1], [0], [0], [1], [0, 0, 1, 1], [], []>, transpose_lhs_hint = false} : vector<64x1250xf32>, vector<1250x16xf32>, vector<64x16xf32> -> vector<64x16xf32>
    %add3A_139 = arith.addf %add3A_123, %dot_general3A_138 : vector<64x16xf32>
    %reduce_sum3A_140 = arith.constant dense<0.000000e+00> : vector<64xf32>
    %reduce_sum3A_141 = vector.multi_reduction <add>, %convert_element_type3A_135, %reduce_sum3A_140 [1] : vector<64x1250xf32> to vector<64xf32>
    %broadcast_in_dim3A_142 = vector.shape_cast %reduce_sum3A_141 : vector<64xf32> to vector<64x1xf32>
    %add3A_143 = arith.addf %add3A_127, %broadcast_in_dim3A_142 : vector<64x1xf32>
    %get3A_144 = arith.constant 7 : index
    %get3A_145 = arith.constant 0 : index
    %get3A_146 = vector.load %arg4[%get3A_144, %get3A_145] : memref<8x1250xi32, #tpu.memory_space<vmem>>, vector<1x1250xi32>
    %eq3A_147 = vector.broadcast %get3A_146 : vector<1x1250xi32> to vector<64x1250xi32>
    %eq3A_148 = vector.broadcast %iota3A : vector<64x1xi32> to vector<64x1250xi32>
    %eq3A_149 = arith.cmpi eq, %eq3A_147, %eq3A_148 : vector<64x1250xi32>
    %convert_element_type3A_150 = arith.extui %eq3A_149 : vector<64x1250xi1> to vector<64x1250xi32>
    %convert_element_type3A_151 = arith.sitofp %convert_element_type3A_150 : vector<64x1250xi32> to vector<64x1250xf32>
    %slice3A_152 = vector.extract_strided_slice %max3A_33 {offsets = [0, 112], sizes = [1250, 16], strides = [1, 1]} : vector<1250x128xf32> to vector<1250x16xf32>
    %dot_general3A_153 = arith.constant dense<0.000000e+00> : vector<64x16xf32>
    %dot_general3A_154 = tpu.matmul %convert_element_type3A_151, %slice3A_152, %dot_general3A_153 {dimension_numbers = #tpu.dot_dimension_numbers<[1], [0], [0], [1], [0, 0, 1, 1], [], []>, transpose_lhs_hint = false} : vector<64x1250xf32>, vector<1250x16xf32>, vector<64x16xf32> -> vector<64x16xf32>
    %add3A_155 = arith.addf %add3A_139, %dot_general3A_154 : vector<64x16xf32>
    %reduce_sum3A_156 = arith.constant dense<0.000000e+00> : vector<64xf32>
    %reduce_sum3A_157 = vector.multi_reduction <add>, %convert_element_type3A_151, %reduce_sum3A_156 [1] : vector<64x1250xf32> to vector<64xf32>
    %broadcast_in_dim3A_158 = vector.shape_cast %reduce_sum3A_157 : vector<64xf32> to vector<64x1xf32>
    %add3A_159 = arith.addf %add3A_143, %broadcast_in_dim3A_158 : vector<64x1xf32>
    %max3A_160 = arith.constant 1.000000e+00 : f32
    %max3A_161 = vector.broadcast %max3A_160 : f32 to vector<64x1xf32>
    %max3A_162 = arith.maximumf %add3A_159, %max3A_161 : vector<64x1xf32>
    %div3A = vector.broadcast %max3A_162 : vector<64x1xf32> to vector<64x16xf32>
    %div3A_163 = arith.divf %add3A_155, %div3A : vector<64x16xf32>
    %reduce_max3A = arith.constant dense<0xFF800000> : vector<64xf32>
    %reduce_max3A_164 = vector.multi_reduction <maximumf>, %div3A_163, %reduce_max3A [1] : vector<64x16xf32> to vector<64xf32>
    %broadcast_in_dim3A_165 = vector.shape_cast %reduce_max3A_164 : vector<64xf32> to vector<64x1xf32>
    %sub3A = vector.broadcast %broadcast_in_dim3A_165 : vector<64x1xf32> to vector<64x16xf32>
    %sub3A_166 = arith.subf %div3A_163, %sub3A : vector<64x16xf32>
    %exp3A = math.exp %sub3A_166 : vector<64x16xf32>
    %reduce_sum3A_167 = arith.constant dense<0.000000e+00> : vector<64xf32>
    %reduce_sum3A_168 = vector.multi_reduction <add>, %exp3A, %reduce_sum3A_167 [1] : vector<64x16xf32> to vector<64xf32>
    %broadcast_in_dim3A_169 = vector.shape_cast %reduce_sum3A_168 : vector<64xf32> to vector<64x1xf32>
    %log3A = math.log %broadcast_in_dim3A_169 : vector<64x1xf32>
    %sub3A_170 = vector.broadcast %broadcast_in_dim3A_165 : vector<64x1xf32> to vector<64x16xf32>
    %sub3A_171 = arith.subf %div3A_163, %sub3A_170 : vector<64x16xf32>
    %sub3A_172 = vector.broadcast %log3A : vector<64x1xf32> to vector<64x16xf32>
    %sub3A_173 = arith.subf %sub3A_171, %sub3A_172 : vector<64x16xf32>
    %swap3A = arith.constant 0 : index
    %swap3A_174 = arith.constant 0 : index
    %swap3A_175 = vector.load %arg5[%swap3A, %swap3A_174] : memref<64x16xf32, #tpu.memory_space<vmem>>, vector<64x16xf32>
    tpu.vector_store %arg5[%swap3A, %swap3A_174], %sub3A_173 {strides = array<i32>} : memref<64x16xf32, #tpu.memory_space<vmem>>, vector<64x16xf32>,
    return
  }
}

</mosaic_0001>

<sc_bundles>
// kernel: kernel.12.cloned.1.call-start
scs
__scs_entry_jumppad:
0x0: {  	(pc) =	sbr.rel $0x88, $3  }
0x1: {  	(tag) =	ssettag $0x0;
	lr =	simm.s32 $0x1  }
0x2: {  	[smem:$0x3F9A] =	sst lr;
	_ =	strace $0xD0000000  }
0x3: {  	_ = 	snop  }
0x4: {  	_ = 	snop  }
0x5: {  	_ = 	snop  }
0x6: {  	_ = 	snop  }
0x7: {  	_ = 	snop  }
__scs_overlays_trampoline_lowered:
0x8: {  	[smem:$0x3FA9] =	sst s0  }
0x9: {  	[smem:$0x3FAA] =	sst s1  }
0xa: {  	[smem:$0x3FAB] =	sst s2  }
0xb: {  	[smem:$0x3FAC] =	sst s3  }
0xc: {  	[smem:$0x3FAD] =	sst s4  }
0xd: {  	[smem:$0x3FAE] =	sst s5  }
0xe: {  	[smem:$0x3FAF] =	sst s6  }
0xf: {  	[smem:$0x3FB0] =	sst s7  }
0x10: {  	[smem:$0x3FB1] =	sst s8  }
0x11: {  	[smem:$0x3FB2] =	sst s9;
	s0 =	simm.s32 @!p0 $0x0  }
0x12: {  	s1 =	sld [smem:$0x3F98];
	s0 =	simm.s32 @p0 $0x1  }
0x13: {  	[smem:$0x3FB3] =	sst s0;
	s0 =	simm.s32 @!p1 $0x0  }
0x14: {  	s2 =	sld [smem:$0x3F97];
	s0 =	simm.s32 @p1 $0x1  }
0x15: {  	[smem:$0x3FB4] =	sst s0;
	s0 =	simm.s32 @!p2 $0x0  }
0x16: {  	s3 =	sld [smem:$0x3FDB];
	s0 =	simm.s32 @p2 $0x1  }
0x17: {  	s4 =	simm.s32 $0x1BF5;
	[smem:$0x3FB6] =	sst s0  }
0x18: {  	s0 =	sld [smem:$0x3F99];
	_ =	swait.ge [sflag:s4], $0x0  }
0x19: {  	s7 =	sld [smem:$0x3F9A]  }
0x1a: {  	s8 =	sadd.s32 $0xFFFFE003, lr  }
0x1b: {  	s9 =	sadd.s32 $0xFFFFFEF7, lr;
	s5 =	simm.s32 $0xFFFFFFFF;
	p2 =	slt.u32 s8, $0xFFFFF086  }
0x1c: {  	p1 =	slt.u32 s9, $0xF7A;
	s5 =	simm.s32 @!p2 $0x0  }
0x1d: {  	s5 =	simm.s32 @p1 $0x1;
	p0 =	seq.s32 s7, s2  }
0x1e: {  	s7 =	smul.u32 @!p0 $0xF7A, s2;
	p2 =	seq.s32 @!p0 s5, $0x0  }
0x1f: {  	s9 =	smul.u32 $0xF7A, s1;
	s8 =	simm.s32 @!p0 $0x1BF5;
	p2 =	por !p2, p0  }
0x20: {  	[sflag:s8] =	ssyncset.s32 @!p0 $0xFFFFF086;
	s6 =	sadd.s32 @!p0 s3, s7;
	s7 =	simm.s32 @!p0 $0x108  }
0x21: {  	s3 =	sadd.s32 s3, s9;
	s6 =	sadd.s32 @!p0 $0x88, s6;
	s7 =	simm.s32 @p2 $0x1082  }
0x22: {  	[simem:s7], [sflag:s8] =	dma.local @!p0 [hbm:s6], $0xF7A  }
0x23: {  	s9 =	sor.u32 $0xD0000000, s2;
	s6 =	simm.s32 $0x108;
	_ =	swait.ge @!p0 [sflag:s8], $0x0  }
0x24: {  	s3 =	sadd.s32 $0x88, s3;
	s6 =	simm.s32 @!p1 $0x1082;
	[sflag:s4] =	ssyncset.s32 $0xFFFFF086  }
0x25: {  	[simem:s6], [sflag:s4] =	dma.local [hbm:s3], $0xF7A  }
0x26: {  	[smem:$0x3F9A] =	sst s1;
	(tag) =	ssettag s2;
	_ =	strace s9  }
0x27: {  	s1 =	sld [smem:$0x3FAA]  }
0x28: {  	s2 =	sld [smem:$0x3FAB]  }
0x29: {  	s4 =	sld [smem:$0x3FAD]  }
0x2a: {  	p0 =	seq.s32 s5, $0x0;
	s5 =	sld [smem:$0x3FAE]  }
0x2b: {  	s6 =	sld [smem:$0x3FAF]  }
0x2c: {  	s7 =	sld [smem:$0x3FB0]  }
0x2d: {  	s3 =	simm.s32 $0x108;
	s8 =	sld [smem:$0x3FB1]  }
0x2e: {  	s3 =	simm.s32 @!p0 $0x1082;
	s9 =	sld [smem:$0x3FB2]  }
0x2f: {  	lr =	sadd.s32 s0, s3;
	s0 =	sld [smem:$0x3FA9]  }
0x30: {  	s3 =	sld [smem:$0x3FAC]  }
0x31: {  	[smem:$0x3FB5] =	sst s10  }
0x32: {  	s10 =	sld [smem:$0x3FB3];
	_ =	sdelay $0x3  }
0x33: {  	p0 =	seq.s32 s10, $0x1;
	s10 =	sld [smem:$0x3FB5];
	_ =	sdelay $0x3  }
0x34: {  	[smem:$0x3FB5] =	sst s10  }
0x35: {  	s10 =	sld [smem:$0x3FB4];
	_ =	sdelay $0x3  }
0x36: {  	p1 =	seq.s32 s10, $0x1;
	s10 =	sld [smem:$0x3FB5];
	_ =	sdelay $0x3  }
0x37: {  	[smem:$0x3FB5] =	sst s10  }
0x38: {  	s10 =	sld [smem:$0x3FB6]  }
0x39: {  	_ = 	snop;
	(pc) =	sbr.ind lr, $3  }
0x3a: {  	_ = 	snop  }
0x3b: {  	_ = 	snop  }
0x3c: {  	p2 =	seq.s32 s10, $0x1;
	s10 =	sld [smem:$0x3FB5]  }
0x3d: {  	_ =	shalt  }
0x3e: {  	_ =	shalt  }
0x3f: {  	_ =	shalt  }
0x40: {  	_ =	shalt  }
0x41: {  	_ =	shalt  }
0x42: {  	_ =	shalt  }
0x43: {  	_ =	shalt  }
0x44: {  	_ =	shalt  }
0x45: {  	_ =	shalt  }
0x46: {  	_ =	shalt  }
0x47: {  	_ =	shalt  }
0x48: {  	_ =	shalt  }
0x49: {  	_ =	shalt  }
0x4a: {  	_ =	shalt  }
0x4b: {  	_ =	shalt  }
0x4c: {  	_ =	shalt  }
0x4d: {  	_ =	shalt  }
0x4e: {  	_ =	shalt  }
0x4f: {  	_ =	shalt  }
0x50: {  	_ =	shalt  }
0x51: {  	_ =	shalt  }
0x52: {  	_ =	shalt  }
0x53: {  	_ =	shalt  }
0x54: {  	_ =	shalt  }
0x55: {  	_ =	shalt  }
0x56: {  	_ =	shalt  }
0x57: {  	_ =	shalt  }
0x58: {  	_ =	shalt  }
0x59: {  	_ =	shalt  }
0x5a: {  	_ =	shalt  }
0x5b: {  	_ =	shalt  }
0x5c: {  	_ =	shalt  }
0x5d: {  	_ =	shalt  }
0x5e: {  	_ =	shalt  }
0x5f: {  	_ =	shalt  }
0x60: {  	_ =	shalt  }
0x61: {  	_ =	shalt  }
0x62: {  	_ =	shalt  }
0x63: {  	_ =	shalt  }
0x64: {  	_ =	shalt  }
0x65: {  	_ =	shalt  }
0x66: {  	_ =	shalt  }
0x67: {  	_ =	shalt  }
0x68: {  	_ =	shalt  }
0x69: {  	_ =	shalt  }
0x6a: {  	_ =	shalt  }
0x6b: {  	_ =	shalt  }
0x6c: {  	_ =	shalt  }
0x6d: {  	_ =	shalt  }
0x6e: {  	_ =	shalt  }
0x6f: {  	_ =	shalt  }
0x70: {  	_ =	shalt  }
0x71: {  	_ =	shalt  }
0x72: {  	_ =	shalt  }
0x73: {  	_ =	shalt  }
0x74: {  	_ =	shalt  }
0x75: {  	_ =	shalt  }
0x76: {  	_ =	shalt  }
0x77: {  	_ =	shalt  }
0x78: {  	_ =	shalt  }
0x79: {  	_ =	shalt  }
0x7a: {  	_ =	shalt  }
0x7b: {  	_ =	shalt  }
0x7c: {  	_ =	shalt  }
0x7d: {  	_ =	shalt  }
0x7e: {  	_ =	shalt  }
0x7f: {  	_ =	shalt  }
0x80: {  	_ =	shalt  }
0x81: {  	_ =	shalt  }
0x82: {  	_ =	shalt  }
0x83: {  	_ =	shalt  }
0x84: {  	_ =	shalt  }
0x85: {  	_ =	shalt  }
0x86: {  	_ =	shalt  }
0x87: {  	_ =	shalt  }
.Lfunc_end0:
.L_simem_size_0:
called_computation.1_lowered:
.L_overlay_start_0:
0x88: {  	s2 =	sld [smem:$0x3FD9]  }
0x89: {  	s3 =	sld [smem:$0x3FFE];
	_ =	sdelay $0x1  }
0x8a: {  	s1 =	srdreg.scid  }
0x8b: {  	s0 =	sand.u32 $0x1, s1  }
0x8c: {  	s16 =	sshll.u32 s0, $0xA;
	s2 =	sadd.s32 s3, s2  }
0x8d: {  	s2 =	sadd.s32 s2, s16  }
0x8e: {  	[smem:$0x3FC1] =	sst s2  }
0x8f: {  	_ = 	snop  }
0x90: {  	(tm) =	ssettm $0x1  }
0x91: {  	s17 =	sld [smem:$0x3FFB];
	_ =	sdelay $0x3  }
0x92: {  	_ =	strace s17  }
0x93: {  	s2 =	sld [smem:$0x3FFC];
	_ =	sdelay $0x3  }
0x94: {  	_ =	strace s2  }
0x95: {  	s2 =	sld [smem:$0x3FFD];
	_ =	sdelay $0x3  }
0x96: {  	_ =	strace s2  }
0x97: {  	_ =	strace $0x8FFFFFFF  }
0x98: {  	s18 =	sld [smem:$0x3FDB];
	_ =	sdelay $0x1  }
0x99: {  	s19 =	simm.s32 $_scs_section_size  }
0x9a: {  	s4 =	simm.s32 $_size__tile_overlayer_lowered;
	s5 =	simm.s32 $_tile_overlayer_lowered  }
0x9b: {  	s22 =	simm.s32 $0x1BFF;
	s21 =	sshll.u32 s5, $0x1;
	s2 =	sadd.s32 s19, s18  }
0x9c: {  	s6 =	simm.s32 $0x0;
	s20 =	sshll.u32 s4, $0x1;
	s4 =	sadd.s32 s21, s2  }
0x9d: {  	[timem:s6], [sflag:s22] =	dma.local [hbm:s4], s20  }
0x9e: {  	_ =	swait.ge [sflag:s22], s20  }
0x9f: {  	s3 =	ssub.s32 $0x0, s20;
	[sflag:s22] =	ssyncset.done $0x0  }
0xa0: {  	[sflag:s22] =	ssyncadd.s32 s3;
	_ =	sdelay $0x1  }
0xa1: {  	s23 =	simm.s32 $0x1B8B  }
0xa2: {  	_ =	swait.ge [sflag:s23], $0x1  }
0xa3: {  	[sflag:s23] =	ssyncset.done $0x0  }
0xa4: {  	s25 =	simm.s32 $0x1B8E;
	s24 =	sld [smem:$0x3FFE];
	[sflag:s23] =	ssyncadd.s32 $0xFFFFFFFF  }
0xa5: {  	s26 =	simm.s32 $execute0_lowered;
	[smem:$0x3FD2] =	sst s25  }
0xa6: {  	s4 =	sshll.u32 s26, $0x1;
	_ =	strace $0x80000049;
	[dreg:$0x1] =	wrdreg $0xFFFFFFFF  }
0xa7: {  	s28 =	simm.s32 $_size_execute0_lowered;
	s2 =	sadd.s32 s2, s4;
	[dreg:$0x0] =	wrdreg $0x0  }
0xa8: {  	s4 =	sshll.u32 s28, $0x1;
	[dreg:$0x2] =	wrdreg s2  }
0xa9: {  	[dreg:$0x3] =	wrdreg s4  }
0xaa: {  	[dreg:$0x4] =	wrdreg $0xC0  }
0xab: {  	_ =	task [dreg:s6], $0x5FFFF  }
0xac: {  	[dreg:$0x1] =	wrdreg $0xFFFFFFFF  }
0xad: {  	[dreg:$0x0] =	wrdreg $0x60  }
0xae: {  	[dreg:$0x2] =	wrdreg s24  }
0xaf: {  	[dreg:$0x3] =	wrdreg $0x160800  }
0xb0: {  	[dreg:$0x4] =	wrdreg $0x9  }
0xb1: {  	_ =	task.clear_ibuf [dreg:s6], $0x5FFFF;
	_ =	strace $0x90000049  }
0xb2: {  	s29 =	simm.s32 $0x9;
	_ =	strace $0x8000004B  }
0xb3: {  	_ =	swait.ge [sflag:s29], $0x1  }
0xb4: {  	[sflag:s29] =	ssyncadd.s32 $0xFFFFFFFF  }
0xb5: {  	_ =	strace $0x9000004B  }
0xb6: {  	_ =	sfence  }
0xb7: {  	s30 =	sld [smem:$0x0];
	_ =	sdelay $0x2  }
0xb8: {  	s31 =	sshll.u32 s1, $0xD;
	s1 =	sshrl.u32 s1, $0x2  }
0xb9: {  	s3 =	sand.u32 $0x4000, s31;
	s1 =	sadd.s32 s1, s30  }
0xba: {  	s0 =	sor.u32 s3, s0;
	s1 =	sshll.u32 s1, $0x11  }
0xbb: {  	s0 =	sor.u32 s1, s0  }
0xbc: {  	s0 =	sadd.s32 $0x8F2B, s0  }
0xbd: {  	[sflag:s0] =	ssyncadd.remote.s32 $0x1  }
0xbe: {  	_ =	sfence.sel $0xFFFF  }
0xbf: {  	[dreg:$0x0] =	wrdreg $0xFFFFFFFF;
	(pc) =	sbr.abs _section_cstart, $3  }
0xc0: {  	[dreg:$0x1] =	wrdreg $0xFFFFFFFF  }
0xc1: {  	_ =	task.clear_ibuf [dreg:s6], $0x2FFFF;
	_ =	strace $0x9FFFFFFF  }
0xc2: {  	(tm) =	ssettm $0x7FFFFFFF  }
0xc3: {  	_ =	shalt  }
tec
execute0_lowered:
.L_overlay_start_1:
0x0: {  	(tag) =	ssettag $0x1  }
0x1: {  	s5 =	rddreg [dreg:$0x0]  }
0x2: {  	s1 =	srdreg.scid;
	s2 =	rddreg [dreg:$0x1]  }
0x3: {  	s0 =	stileid.u32;
	s29 =	rddreg [dreg:$0x2]  }
0x4: {  	s3 =	simm.s32 $0x0;
	s15 =	simm.s32 $0x3;
	s13 =	simm.s32 $0xBB80  }
0x5: {  	s12 =	simm.s32 $0x1;
	s6 =	sand.u32 $0x1, s1;
	s17 =	sshll.u32 s0, $0x1  }
0x6: {  	s11 =	simm.s32 $0x7;
	p0 =	por $0x0, $0x0;
	s4 =	sor.u32 s6, s17  }
0x7: {  	[smem:$0x7FF] =	sst s3;
	s18 =	sadd.s32 $0x1B600, s5;
	s4 =	smul.u32 $0x2710, s4  }
0x8: {  	s8 =	smul.u32 $0x2800, s0;
	_ =	strace $0x8000004A;
	[dreg:$0x3] =	wrdreg s18  }
0x9: {  	s9 =	smul.u32 $0x28000, s6;
	s6 =	ssub.s32 $0x2, s6;
	s4 =	sshrl.u32 s4, $0x3  }
0xa: {  	s17 =	simm.s32 $0x2;
	s18 =	simm.s32 $0x36B0;
	s7 =	sadd.s32 s4, s5  }
0xb: {  	s24 =	sshrl.u32 s6, $0x1;
	s9 =	sadd.s32 s8, s9;
	s10 =	sadd.s32 $0x2C00, s7  }
0xc: {  	s9 =	sshrl.u32 s9, $0x3;
	s19 =	sadd.s32 $0xC840, s7;
	[dreg:$0x4] =	wrdreg s10  }
0xd: {  	s4 =	sadd.s32 $0x16600, s5;
	s20 =	sadd.s32 $0x2CFA, s7;
	[dreg:$0x5] =	wrdreg s19  }
0xe: {  	s9 =	sadd.s32 s9, s5;
	s21 =	sadd.s32 $0xC93A, s7;
	[dreg:$0x6] =	wrdreg s20  }
0xf: {  	s5 =	sadd.s32 s8, s2;
	s22 =	sadd.s32 $0x2DF4, s7;
	[dreg:$0x7] =	wrdreg s21  }
0x10: {  	s8 =	simm.s32 $0x1F40;
	s23 =	sadd.s32 $0xCA34, s7;
	[dreg:$0x8] =	wrdreg s22  }
0x11: {  	s25 =	sadd.s32 $0x2EEE, s7;
	s26 =	sadd.s32 $0xCB2E, s7;
	[dreg:$0x9] =	wrdreg s23  }
0x12: {  	s28 =	sadd.s32 $0x2FE8, s7;
	s10 =	ssub.s32 s6, s24;
	[dreg:$0xa] =	wrdreg s25  }
0x13: {  	s14 =	sadd.s32 $0xCC28, s7;
	[dreg:$0xb] =	wrdreg s26;
	s16 =	smax.u32 s10, $0x1  }
0x14: {  	s7 =	simm.s32 $0x9;
	[dreg:$0xc] =	wrdreg s28;
	p1 =	sne.s32 s16, $0x1  }
.Ltmp0:
0x15: {  	s6 =	sadd.s32 $0x1BC00, s9;
	s9 =	simm.s32 $0x7D0;
	(pc) =	sbr.rel @!p1 .LBB2_5-.Ltmp0, $4  }
0x16: {  	s20 =	simm.s32 $0x2710;
	s26 =	simm.s32 $0x13880;
	s25 =	simm.s32 $0x4  }
0x17: {  	s23 =	simm.s32 $0xFA0;
	s19 =	simm.s32 $0x2EE0;
	s24 =	simm.s32 $0x5  }
0x18: {  	s21 =	simm.s32 $0x1770;
	s22 =	simm.s32 $0x6;
	s10 =	simm.s32 $0x3E80  }
0x19: {  	s31 =	rddreg [dreg:$0x4];
	s30 =	sadd.s32 $0xFFFFFFFF, s16;
	s16 =	simm.s32 $0x8  }
0x1a: {  	[tilespmem:s3], [sflag:$0x3] =	stream.linear.gather [hbm4b:s31+s3], $0x7D0, $0x38;
	[tilespmem:$0x18880] =	vst v63  }
0x1b: {  	s28 =	rddreg [dreg:$0x5]  }
0x1c: {  	[tilespmem:s8], [sflag:$0x3] =	stream.linear.gather [hbm4b:s28+s3], $0x7D0, $0x38;
	[tilespmem:$0x18880] =	vst v63  }
0x1d: {  	s29 =	rddreg [dreg:$0x6]  }
0x1e: {  	[tilespmem:s9], [sflag:$0x4] =	stream.linear.gather [hbm4b:s29+s3], $0x7D0, $0x38;
	[tilespmem:$0x18880] =	vst v63  }
0x1f: {  	s28 =	rddreg [dreg:$0x7]  }
0x20: {  	[tilespmem:s20], [sflag:$0x4] =	stream.linear.gather [hbm4b:s28+s3], $0x7D0, $0x38;
	[tilespmem:$0x18880] =	vst v63  }
0x21: {  	_ =	swait.ge [sflag:s15], $0x7D0  }
0x22: {  	[sflag:s15] =	ssyncset.done $0x0  }
0x23: {  	[sflag:s15] =	ssyncadd.s32 $0xFFFFF830  }
0x24: {  	_ =	swait.ge [sflag:s15], $0x7D0  }
0x25: {  	[sflag:s15] =	ssyncset.done $0x0  }
0x26: {  	[sflag:s15] =	ssyncadd.s32 $0xFFFFF830  }
0x27: {  	[tilespmem:s10], [sflag:$0x1] =	stream.indirect.gather [hbm4b:s4+s9], $0x10, s3, s9, $0xb8;
	[tilespmem:$0x18880] =	vst v63  }
0x28: {  	s28 =	rddreg [dreg:$0x3]  }
0x29: {  	[tilespmem:s26], [sflag:$0x9] =	stream.linear.gather [hbm4b:s28+s3], $0x2800, $0x38;
	[tilespmem:$0x18880] =	vst v63  }
0x2a: {  	_ =	swait.ge [sflag:s7], $0x2800  }
0x2b: {  	[sflag:s7] =	ssyncset.done $0x0  }
0x2c: {  	[sflag:s7] =	ssyncadd.s32 $0xFFFFD800  }
0x2d: {  	[spmem:s5] =	stream.linear.scatter [tilespmem:s26], [sflag:$0x9], $0x2800, $0x38;
	[tilespmem:$0x18880] =	vst v63  }
0x2e: {  	_ =	swait.ge [sflag:s7], $0x2800  }
0x2f: {  	[sflag:s7] =	ssyncset.done $0x0  }
0x30: {  	[sflag:s7] =	ssyncadd.s32 $0xFFFFD800  }
0x31: {  	[bflag:$0x0] =	sbarrier.arrive $0xFFFF  }
0x32: {  	_ =	swait.ge [sflag:s25], $0x7D0  }
0x33: {  	[sflag:s25] =	ssyncset.done $0x0  }
0x34: {  	[sflag:s25] =	ssyncadd.s32 $0xFFFFF830  }
0x35: {  	_ =	swait.ge [sflag:s25], $0x7D0  }
0x36: {  	[sflag:s25] =	ssyncset.done $0x0  }
0x37: {  	[sflag:s25] =	ssyncadd.s32 $0xFFFFF830  }
0x38: {  	[tilespmem:s13], [sflag:$0x2] =	stream.indirect.gather [hbm4b:s4+s9], $0x10, s9, s9, $0xb8;
	[tilespmem:$0x18880] =	vst v63  }
0x39: {  	_ =	swait.ge [sflag:s12], $0x7D00  }
0x3a: {  	[sflag:s12] =	ssyncset.done $0x0  }
0x3b: {  	[sflag:s12] =	ssyncadd.s32 $0xFFFF8300  }
0x3c: {  	[spmem:s2] =	stream.indirect.scatter.add.f32 [tilespmem:s10], [sflag:$0x7], $0x10, s8, s9, $0xb8;
	[tilespmem:$0x18880] =	vst v63  }
0x3d: {  	s28 =	rddreg [dreg:$0x8]  }
0x3e: {  	[tilespmem:s23], [sflag:$0x5] =	stream.linear.gather [hbm4b:s28+s3], $0x7D0, $0x38;
	[tilespmem:$0x18880] =	vst v63  }
0x3f: {  	s29 =	rddreg [dreg:$0x9]  }
0x40: {  	[tilespmem:s19], [sflag:$0x5] =	stream.linear.gather [hbm4b:s29+s3], $0x7D0, $0x38;
	[tilespmem:$0x18880] =	vst v63  }
0x41: {  	_ =	swait.ge [sflag:s24], $0x7D0  }
0x42: {  	[sflag:s24] =	ssyncset.done $0x0  }
0x43: {  	[sflag:s24] =	ssyncadd.s32 $0xFFFFF830  }
0x44: {  	_ =	swait.ge [sflag:s24], $0x7D0  }
0x45: {  	[sflag:s24] =	ssyncset.done $0x0  }
0x46: {  	[sflag:s24] =	ssyncadd.s32 $0xFFFFF830  }
0x47: {  	_ =	swait.ge [sflag:s11], $0x7D00  }
0x48: {  	[sflag:s11] =	ssyncset.done $0x0  }
0x49: {  	[sflag:s11] =	ssyncadd.s32 $0xFFFF8300  }
0x4a: {  	[tilespmem:s10], [sflag:$0x1] =	stream.indirect.gather [hbm4b:s4+s9], $0x10, s23, s9, $0xb8;
	[tilespmem:$0x18880] =	vst v63  }
0x4b: {  	_ =	swait.ge [sflag:s17], $0x7D00  }
0x4c: {  	[sflag:s17] =	ssyncset.done $0x0  }
0x4d: {  	[sflag:s17] =	ssyncadd.s32 $0xFFFF8300  }
0x4e: {  	[spmem:s2] =	stream.indirect.scatter.add.f32 [tilespmem:s13], [sflag:$0x8], $0x10, s20, s9, $0xb8;
	[tilespmem:$0x18880] =	vst v63  }
0x4f: {  	s28 =	rddreg [dreg:$0xa]  }
0x50: {  	[tilespmem:s21], [sflag:$0x6] =	stream.linear.gather [hbm4b:s28+s3], $0x7D0, $0x38;
	[tilespmem:$0x18880] =	vst v63  }
0x51: {  	s29 =	rddreg [dreg:$0xb]  }
0x52: {  	[tilespmem:s18], [sflag:$0x6] =	stream.linear.gather [hbm4b:s29+s3], $0x7D0, $0x38;
	[tilespmem:$0x18880] =	vst v63  }
0x53: {  	_ =	swait.ge [sflag:s22], $0x7D0  }
0x54: {  	[sflag:s22] =	ssyncset.done $0x0  }
0x55: {  	[sflag:s22] =	ssyncadd.s32 $0xFFFFF830  }
0x56: {  	_ =	swait.ge [sflag:s22], $0x7D0  }
0x57: {  	[sflag:s22] =	ssyncset.done $0x0  }
0x58: {  	[sflag:s22] =	ssyncadd.s32 $0xFFFFF830  }
0x59: {  	_ =	swait.ge [sflag:s16], $0x7D00  }
0x5a: {  	[sflag:s16] =	ssyncset.done $0x0  }
0x5b: {  	[sflag:s16] =	ssyncadd.s32 $0xFFFF8300  }
0x5c: {  	[tilespmem:s13], [sflag:$0x2] =	stream.indirect.gather [hbm4b:s4+s9], $0x10, s21, s9, $0xb8;
	[tilespmem:$0x18880] =	vst v63  }
0x5d: {  	_ =	swait.ge [sflag:s12], $0x7D00  }
0x5e: {  	[sflag:s12] =	ssyncset.done $0x0  }
0x5f: {  	[sflag:s12] =	ssyncadd.s32 $0xFFFF8300  }
0x60: {  	[spmem:s2] =	stream.indirect.scatter.add.f32 [tilespmem:s10], [sflag:$0x7], $0x10, s19, s9, $0xb8;
	[tilespmem:$0x18880] =	vst v63  }
0x61: {  	s28 =	rddreg [dreg:$0xc]  }
0x62: {  	[tilespmem:s3], [sflag:$0x3] =	stream.linear.gather [hbm4b:s28+s3], $0x7D0, $0x38;
	[tilespmem:$0x18880] =	vst v63  }
0x63: {  	_ = 	snop  }
0x64: {  	[tilespmem:s8], [sflag:$0x3] =	stream.linear.gather [hbm4b:s14+s3], $0x7D0, $0x38;
	[tilespmem:$0x18880] =	vst v63  }
0x65: {  	_ =	swait.ge [sflag:s15], $0x7D0  }
0x66: {  	[sflag:s15] =	ssyncset.done $0x0  }
0x67: {  	[sflag:s15] =	ssyncadd.s32 $0xFFFFF830  }
0x68: {  	_ =	swait.ge [sflag:s15], $0x7D0  }
0x69: {  	[sflag:s15] =	ssyncset.done $0x0  }
0x6a: {  	[sflag:s15] =	ssyncadd.s32 $0xFFFFF830  }
0x6b: {  	_ =	swait.ge [sflag:s11], $0x7D00  }
0x6c: {  	[sflag:s11] =	ssyncset.done $0x0  }
0x6d: {  	[sflag:s11] =	ssyncadd.s32 $0xFFFF8300  }
0x6e: {  	[tilespmem:s10], [sflag:$0x1] =	stream.indirect.gather [hbm4b:s4+s9], $0x10, s3, s9, $0xb8;
	[tilespmem:$0x18880] =	vst v63  }
0x6f: {  	_ =	swait.ge [sflag:s17], $0x7D00  }
0x70: {  	[sflag:s17] =	ssyncset.done $0x0  }
0x71: {  	[sflag:s17] =	ssyncadd.s32 $0xFFFF8300  }
0x72: {  	[spmem:s2] =	stream.indirect.scatter.add.f32 [tilespmem:s13], [sflag:$0x8], $0x10, s18, s9, $0xb8;
	[tilespmem:$0x18880] =	vst v63  }
0x73: {  	_ =	swait.ge [sflag:s12], $0x7D00  }
0x74: {  	[sflag:s12] =	ssyncset.done $0x0  }
0x75: {  	[sflag:s12] =	ssyncadd.s32 $0xFFFF8300  }
0x76: {  	[spmem:s2] =	stream.indirect.scatter.add.f32 [tilespmem:s10], [sflag:$0x7], $0x10, s8, s9, $0xb8;
	[tilespmem:$0x18880] =	vst v63  }
0x77: {  	_ =	swait.ge [sflag:s16], $0x7D00  }
0x78: {  	[sflag:s16] =	ssyncset.done $0x0  }
0x79: {  	[sflag:s16] =	ssyncadd.s32 $0xFFFF8300  }
0x7a: {  	_ =	swait.ge [sflag:s11], $0x7D00  }
0x7b: {  	p1 =	sne.s32 s30, $0x1;
	[sflag:s11] =	ssyncset.done $0x0  }
.Ltmp1:
0x7c: {  	s28 =	sshll.u32 s0, $0x6;
	[sflag:s11] =	ssyncadd.s32 $0xFFFF8300;
	(pc) =	sbr.rel @!p1 .LBB2_2-.Ltmp1, $4  }
0x7d: {  	s29 =	sshrl.u32 s5, $0x3;
	s28 =	sor.u32 $0x1C09, s28;
	[bflag:$0x0] =	sbarrier.arrive $0xFFFF  }
0x7e: {  	[hbm:s6], [sflag:s28] =	dma.local [spmem:s29], $0x500  }
0x7f: {  	s30 =	sadd.s32 $0xFFFFFFFF, s30;
	_ =	swait.ge [sflag:s7], $0x500  }
0x80: {  	p0 =	por $0x1, $0x1;
	s31 =	rddreg [dreg:$0x4];
	[sflag:s7] =	ssyncset.done $0x0  }
.LBB2_3:
0x81: {  	[sflag:s7] =	ssyncadd.s32 $0xFFFFFB00  }
0x82: {  	[tilespmem:s3], [sflag:$0x3] =	stream.linear.gather [hbm4b:s31+s3], $0x7D0, $0x38;
	[tilespmem:$0x18880] =	vst v63  }
0x83: {  	s1 =	rddreg [dreg:$0x5]  }
0x84: {  	[tilespmem:s8], [sflag:$0x3] =	stream.linear.gather [hbm4b:s1+s3], $0x7D0, $0x38;
	[tilespmem:$0x18880] =	vst v63  }
0x85: {  	s31 =	rddreg [dreg:$0x6]  }
0x86: {  	[tilespmem:s9], [sflag:$0x4] =	stream.linear.gather [hbm4b:s31+s3], $0x7D0, $0x38;
	[tilespmem:$0x18880] =	vst v63  }
0x87: {  	s1 =	rddreg [dreg:$0x7]  }
0x88: {  	[tilespmem:s20], [sflag:$0x4] =	stream.linear.gather [hbm4b:s1+s3], $0x7D0, $0x38;
	[tilespmem:$0x18880] =	vst v63  }
0x89: {  	_ =	swait.ge [sflag:s15], $0x7D0  }
0x8a: {  	[sflag:s15] =	ssyncset.done $0x0  }
0x8b: {  	[sflag:s15] =	ssyncadd.s32 $0xFFFFF830  }
0x8c: {  	_ =	swait.ge [sflag:s15], $0x7D0  }
0x8d: {  	[sflag:s15] =	ssyncset.done $0x0  }
0x8e: {  	[sflag:s15] =	ssyncadd.s32 $0xFFFFF830  }
0x8f: {  	[tilespmem:s10], [sflag:$0x1] =	stream.indirect.gather [hbm4b:s4+s9], $0x10, s3, s9, $0xb8;
	[tilespmem:$0x18880] =	vst v63  }
0x90: {  	s1 =	rddreg [dreg:$0x3]  }
0x91: {  	[tilespmem:s26], [sflag:$0x9] =	stream.linear.gather [hbm4b:s1+s3], $0x2800, $0x38;
	[tilespmem:$0x18880] =	vst v63  }
0x92: {  	_ =	swait.ge [sflag:s7], $0x2800  }
0x93: {  	[sflag:s7] =	ssyncset.done $0x0  }
0x94: {  	[sflag:s7] =	ssyncadd.s32 $0xFFFFD800  }
0x95: {  	[spmem:s5] =	stream.linear.scatter [tilespmem:s26], [sflag:$0x9], $0x2800, $0x38;
	[tilespmem:$0x18880] =	vst v63  }
0x96: {  	_ =	swait.ge [sflag:s7], $0x2800  }
0x97: {  	[sflag:s7] =	ssyncset.done $0x0  }
0x98: {  	[sflag:s7] =	ssyncadd.s32 $0xFFFFD800  }
0x99: {  	[bflag:$0x0] =	sbarrier.arrive $0xFFFF  }
0x9a: {  	_ =	swait.ge [sflag:s25], $0x7D0  }
0x9b: {  	[sflag:s25] =	ssyncset.done $0x0  }
0x9c: {  	[sflag:s25] =	ssyncadd.s32 $0xFFFFF830  }
0x9d: {  	_ =	swait.ge [sflag:s25], $0x7D0  }
0x9e: {  	[sflag:s25] =	ssyncset.done $0x0  }
0x9f: {  	[sflag:s25] =	ssyncadd.s32 $0xFFFFF830  }
0xa0: {  	[tilespmem:s13], [sflag:$0x2] =	stream.indirect.gather [hbm4b:s4+s9], $0x10, s9, s9, $0xb8;
	[tilespmem:$0x18880] =	vst v63  }
0xa1: {  	_ =	swait.ge [sflag:s12], $0x7D00  }
0xa2: {  	[sflag:s12] =	ssyncset.done $0x0  }
0xa3: {  	[sflag:s12] =	ssyncadd.s32 $0xFFFF8300  }
0xa4: {  	[spmem:s2] =	stream.indirect.scatter.add.f32 [tilespmem:s10], [sflag:$0x7], $0x10, s8, s9, $0xb8;
	[tilespmem:$0x18880] =	vst v63  }
0xa5: {  	s1 =	rddreg [dreg:$0x8]  }
0xa6: {  	[tilespmem:s23], [sflag:$0x5] =	stream.linear.gather [hbm4b:s1+s3], $0x7D0, $0x38;
	[tilespmem:$0x18880] =	vst v63  }
0xa7: {  	s31 =	rddreg [dreg:$0x9]  }
0xa8: {  	[tilespmem:s19], [sflag:$0x5] =	stream.linear.gather [hbm4b:s31+s3], $0x7D0, $0x38;
	[tilespmem:$0x18880] =	vst v63  }
0xa9: {  	_ =	swait.ge [sflag:s24], $0x7D0  }
0xaa: {  	[sflag:s24] =	ssyncset.done $0x0  }
0xab: {  	[sflag:s24] =	ssyncadd.s32 $0xFFFFF830  }
0xac: {  	_ =	swait.ge [sflag:s24], $0x7D0  }
0xad: {  	[sflag:s24] =	ssyncset.done $0x0  }
0xae: {  	[sflag:s24] =	ssyncadd.s32 $0xFFFFF830  }
0xaf: {  	_ =	swait.ge [sflag:s11], $0x7D00  }
0xb0: {  	[sflag:s11] =	ssyncset.done $0x0  }
0xb1: {  	[sflag:s11] =	ssyncadd.s32 $0xFFFF8300  }
0xb2: {  	[tilespmem:s10], [sflag:$0x1] =	stream.indirect.gather [hbm4b:s4+s9], $0x10, s23, s9, $0xb8;
	[tilespmem:$0x18880] =	vst v63  }
0xb3: {  	_ =	swait.ge [sflag:s17], $0x7D00  }
0xb4: {  	[sflag:s17] =	ssyncset.done $0x0  }
0xb5: {  	[sflag:s17] =	ssyncadd.s32 $0xFFFF8300  }
0xb6: {  	[spmem:s2] =	stream.indirect.scatter.add.f32 [tilespmem:s13], [sflag:$0x8], $0x10, s20, s9, $0xb8;
	[tilespmem:$0x18880] =	vst v63  }
0xb7: {  	s1 =	rddreg [dreg:$0xa]  }
0xb8: {  	[tilespmem:s21], [sflag:$0x6] =	stream.linear.gather [hbm4b:s1+s3], $0x7D0, $0x38;
	[tilespmem:$0x18880] =	vst v63  }
0xb9: {  	s31 =	rddreg [dreg:$0xb]  }
0xba: {  	[tilespmem:s18], [sflag:$0x6] =	stream.linear.gather [hbm4b:s31+s3], $0x7D0, $0x38;
	[tilespmem:$0x18880] =	vst v63  }
0xbb: {  	_ =	swait.ge [sflag:s22], $0x7D0  }
0xbc: {  	[sflag:s22] =	ssyncset.done $0x0  }
0xbd: {  	[sflag:s22] =	ssyncadd.s32 $0xFFFFF830  }
0xbe: {  	_ =	swait.ge [sflag:s22], $0x7D0  }
0xbf: {  	[sflag:s22] =	ssyncset.done $0x0  }
0xc0: {  	[sflag:s22] =	ssyncadd.s32 $0xFFFFF830  }
0xc1: {  	_ =	swait.ge [sflag:s16], $0x7D00  }
0xc2: {  	[sflag:s16] =	ssyncset.done $0x0  }
0xc3: {  	[sflag:s16] =	ssyncadd.s32 $0xFFFF8300  }
0xc4: {  	[tilespmem:s13], [sflag:$0x2] =	stream.indirect.gather [hbm4b:s4+s9], $0x10, s21, s9, $0xb8;
	[tilespmem:$0x18880] =	vst v63  }
0xc5: {  	_ =	swait.ge [sflag:s12], $0x7D00  }
0xc6: {  	[sflag:s12] =	ssyncset.done $0x0  }
0xc7: {  	[sflag:s12] =	ssyncadd.s32 $0xFFFF8300  }
0xc8: {  	[spmem:s2] =	stream.indirect.scatter.add.f32 [tilespmem:s10], [sflag:$0x7], $0x10, s19, s9, $0xb8;
	[tilespmem:$0x18880] =	vst v63  }
0xc9: {  	s1 =	rddreg [dreg:$0xc]  }
0xca: {  	[tilespmem:s3], [sflag:$0x3] =	stream.linear.gather [hbm4b:s1+s3], $0x7D0, $0x38;
	[tilespmem:$0x18880] =	vst v63  }
0xcb: {  	_ = 	snop  }
0xcc: {  	[tilespmem:s8], [sflag:$0x3] =	stream.linear.gather [hbm4b:s14+s3], $0x7D0, $0x38;
	[tilespmem:$0x18880] =	vst v63  }
0xcd: {  	_ =	swait.ge [sflag:s15], $0x7D0  }
0xce: {  	[sflag:s15] =	ssyncset.done $0x0  }
0xcf: {  	[sflag:s15] =	ssyncadd.s32 $0xFFFFF830  }
0xd0: {  	_ =	swait.ge [sflag:s15], $0x7D0  }
0xd1: {  	[sflag:s15] =	ssyncset.done $0x0  }
0xd2: {  	[sflag:s15] =	ssyncadd.s32 $0xFFFFF830  }
0xd3: {  	_ =	swait.ge [sflag:s11], $0x7D00  }
0xd4: {  	[sflag:s11] =	ssyncset.done $0x0  }
0xd5: {  	[sflag:s11] =	ssyncadd.s32 $0xFFFF8300  }
0xd6: {  	[tilespmem:s10], [sflag:$0x1] =	stream.indirect.gather [hbm4b:s4+s9], $0x10, s3, s9, $0xb8;
	[tilespmem:$0x18880] =	vst v63  }
0xd7: {  	_ =	swait.ge [sflag:s17], $0x7D00  }
0xd8: {  	[sflag:s17] =	ssyncset.done $0x0  }
0xd9: {  	[sflag:s17] =	ssyncadd.s32 $0xFFFF8300  }
0xda: {  	[spmem:s2] =	stream.indirect.scatter.add.f32 [tilespmem:s13], [sflag:$0x8], $0x10, s18, s9, $0xb8;
	[tilespmem:$0x18880] =	vst v63  }
0xdb: {  	_ =	swait.ge [sflag:s12], $0x7D00  }
0xdc: {  	[sflag:s12] =	ssyncset.done $0x0  }
0xdd: {  	[sflag:s12] =	ssyncadd.s32 $0xFFFF8300  }
0xde: {  	[spmem:s2] =	stream.indirect.scatter.add.f32 [tilespmem:s10], [sflag:$0x7], $0x10, s8, s9, $0xb8;
	[tilespmem:$0x18880] =	vst v63  }
0xdf: {  	_ =	swait.ge [sflag:s16], $0x7D00  }
0xe0: {  	[sflag:s16] =	ssyncset.done $0x0  }
0xe1: {  	[sflag:s16] =	ssyncadd.s32 $0xFFFF8300  }
0xe2: {  	_ =	swait.ge [sflag:s11], $0x7D00  }
0xe3: {  	p1 =	sne.s32 s30, $0x1;
	[sflag:s11] =	ssyncset.done $0x0  }
.Ltmp2:
0xe4: {  	[sflag:s11] =	ssyncadd.s32 $0xFFFF8300;
	(pc) =	sbr.rel @p1 .LBB2_3-.Ltmp2, $4  }
0xe5: {  	[bflag:$0x0] =	sbarrier.arrive $0xFFFF  }
0xe6: {  	[hbm:s6], [sflag:s28] =	dma.local [spmem:s29], $0x500  }
0xe7: {  	_ =	swait.ge [sflag:s7], $0x500  }
0xe8: {  	s30 =	sadd.s32 $0xFFFFFFFF, s30;
	s31 =	rddreg [dreg:$0x4];
	[sflag:s7] =	ssyncset.done $0x0  }
0xe9: {  	s29 =	rddreg [dreg:$0x2]  }
.LBB2_5:
0xea: {  	[sflag:s7] =	ssyncadd.s32 @p0 $0xFFFFFB00  }
0xeb: {  	[tilespmem:s3], [sflag:$0x3] =	stream.linear.gather [hbm4b:s31+s3], $0x7D0, $0x38;
	[tilespmem:$0x18880] =	vst v63  }
0xec: {  	s1 =	rddreg [dreg:$0x5]  }
0xed: {  	[tilespmem:s8], [sflag:$0x3] =	stream.linear.gather [hbm4b:s1+s3], $0x7D0, $0x38;
	[tilespmem:$0x18880] =	vst v63  }
0xee: {  	s28 =	rddreg [dreg:$0x6]  }
0xef: {  	[tilespmem:s9], [sflag:$0x4] =	stream.linear.gather [hbm4b:s28+s3], $0x7D0, $0x38;
	[tilespmem:$0x18880] =	vst v63  }
0xf0: {  	s31 =	rddreg [dreg:$0x7]  }
0xf1: {  	[tilespmem:s20], [sflag:$0x4] =	stream.linear.gather [hbm4b:s31+s3], $0x7D0, $0x38;
	[tilespmem:$0x18880] =	vst v63  }
0xf2: {  	_ =	swait.ge [sflag:s15], $0x7D0  }
0xf3: {  	[sflag:s15] =	ssyncset.done $0x0  }
0xf4: {  	[sflag:s15] =	ssyncadd.s32 $0xFFFFF830  }
0xf5: {  	_ =	swait.ge [sflag:s15], $0x7D0  }
0xf6: {  	[sflag:s15] =	ssyncset.done $0x0  }
0xf7: {  	[sflag:s15] =	ssyncadd.s32 $0xFFFFF830  }
0xf8: {  	[tilespmem:s10], [sflag:$0x1] =	stream.indirect.gather [hbm4b:s4+s9], $0x10, s3, s9, $0xb8;
	[tilespmem:$0x18880] =	vst v63  }
0xf9: {  	s28 =	rddreg [dreg:$0x3]  }
0xfa: {  	[tilespmem:s26], [sflag:$0x9] =	stream.linear.gather [hbm4b:s28+s3], $0x2800, $0x38;
	[tilespmem:$0x18880] =	vst v63  }
0xfb: {  	_ =	swait.ge [sflag:s7], $0x2800  }
0xfc: {  	[sflag:s7] =	ssyncset.done $0x0  }
0xfd: {  	[sflag:s7] =	ssyncadd.s32 $0xFFFFD800  }
0xfe: {  	[spmem:s5] =	stream.linear.scatter [tilespmem:s26], [sflag:$0x9], $0x2800, $0x38;
	[tilespmem:$0x18880] =	vst v63  }
0xff: {  	_ =	swait.ge [sflag:s7], $0x2800  }
0x100: {  	[sflag:s7] =	ssyncset.done $0x0  }
0x101: {  	[sflag:s7] =	ssyncadd.s32 $0xFFFFD800  }
0x102: {  	[bflag:$0x0] =	sbarrier.arrive $0xFFFF  }
0x103: {  	_ =	swait.ge [sflag:s25], $0x7D0  }
0x104: {  	[sflag:s25] =	ssyncset.done $0x0  }
0x105: {  	[sflag:s25] =	ssyncadd.s32 $0xFFFFF830  }
0x106: {  	_ =	swait.ge [sflag:s25], $0x7D0  }
0x107: {  	[sflag:s25] =	ssyncset.done $0x0  }
0x108: {  	[sflag:s25] =	ssyncadd.s32 $0xFFFFF830  }
0x109: {  	[tilespmem:s13], [sflag:$0x2] =	stream.indirect.gather [hbm4b:s4+s9], $0x10, s9, s9, $0xb8;
	[tilespmem:$0x18880] =	vst v63  }
0x10a: {  	_ =	swait.ge [sflag:s12], $0x7D00  }
0x10b: {  	[sflag:s12] =	ssyncset.done $0x0  }
0x10c: {  	[sflag:s12] =	ssyncadd.s32 $0xFFFF8300  }
0x10d: {  	[spmem:s2] =	stream.indirect.scatter.add.f32 [tilespmem:s10], [sflag:$0x7], $0x10, s8, s9, $0xb8;
	[tilespmem:$0x18880] =	vst v63  }
0x10e: {  	s30 =	rddreg [dreg:$0x8]  }
0x10f: {  	[tilespmem:s23], [sflag:$0x5] =	stream.linear.gather [hbm4b:s30+s3], $0x7D0, $0x38;
	[tilespmem:$0x18880] =	vst v63  }
0x110: {  	s31 =	rddreg [dreg:$0x9]  }
0x111: {  	[tilespmem:s19], [sflag:$0x5] =	stream.linear.gather [hbm4b:s31+s3], $0x7D0, $0x38;
	[tilespmem:$0x18880] =	vst v63  }
0x112: {  	_ =	swait.ge [sflag:s24], $0x7D0  }
0x113: {  	[sflag:s24] =	ssyncset.done $0x0  }
0x114: {  	[sflag:s24] =	ssyncadd.s32 $0xFFFFF830  }
0x115: {  	_ =	swait.ge [sflag:s24], $0x7D0  }
0x116: {  	[sflag:s24] =	ssyncset.done $0x0  }
0x117: {  	[sflag:s24] =	ssyncadd.s32 $0xFFFFF830  }
0x118: {  	_ =	swait.ge [sflag:s11], $0x7D00  }
0x119: {  	[sflag:s11] =	ssyncset.done $0x0  }
0x11a: {  	[sflag:s11] =	ssyncadd.s32 $0xFFFF8300  }
0x11b: {  	[tilespmem:s10], [sflag:$0x1] =	stream.indirect.gather [hbm4b:s4+s9], $0x10, s23, s9, $0xb8;
	[tilespmem:$0x18880] =	vst v63  }
0x11c: {  	_ =	swait.ge [sflag:s17], $0x7D00  }
0x11d: {  	[sflag:s17] =	ssyncset.done $0x0  }
0x11e: {  	[sflag:s17] =	ssyncadd.s32 $0xFFFF8300  }
0x11f: {  	[spmem:s2] =	stream.indirect.scatter.add.f32 [tilespmem:s13], [sflag:$0x8], $0x10, s20, s9, $0xb8;
	[tilespmem:$0x18880] =	vst v63  }
0x120: {  	s25 =	rddreg [dreg:$0xa]  }
0x121: {  	[tilespmem:s21], [sflag:$0x6] =	stream.linear.gather [hbm4b:s25+s3], $0x7D0, $0x38;
	[tilespmem:$0x18880] =	vst v63  }
0x122: {  	s26 =	rddreg [dreg:$0xb]  }
0x123: {  	[tilespmem:s18], [sflag:$0x6] =	stream.linear.gather [hbm4b:s26+s3], $0x7D0, $0x38;
	[tilespmem:$0x18880] =	vst v63  }
0x124: {  	_ =	swait.ge [sflag:s22], $0x7D0  }
0x125: {  	[sflag:s22] =	ssyncset.done $0x0  }
0x126: {  	[sflag:s22] =	ssyncadd.s32 $0xFFFFF830  }
0x127: {  	_ =	swait.ge [sflag:s22], $0x7D0  }
0x128: {  	[sflag:s22] =	ssyncset.done $0x0  }
0x129: {  	[sflag:s22] =	ssyncadd.s32 $0xFFFFF830  }
0x12a: {  	_ =	swait.ge [sflag:s16], $0x7D00  }
0x12b: {  	[sflag:s16] =	ssyncset.done $0x0  }
0x12c: {  	[sflag:s16] =	ssyncadd.s32 $0xFFFF8300  }
0x12d: {  	[tilespmem:s13], [sflag:$0x2] =	stream.indirect.gather [hbm4b:s4+s9], $0x10, s21, s9, $0xb8;
	[tilespmem:$0x18880] =	vst v63  }
0x12e: {  	_ =	swait.ge [sflag:s12], $0x7D00  }
0x12f: {  	[sflag:s12] =	ssyncset.done $0x0  }
0x130: {  	[sflag:s12] =	ssyncadd.s32 $0xFFFF8300  }
0x131: {  	[spmem:s2] =	stream.indirect.scatter.add.f32 [tilespmem:s10], [sflag:$0x7], $0x10, s19, s9, $0xb8;
	[tilespmem:$0x18880] =	vst v63  }
0x132: {  	s28 =	rddreg [dreg:$0xc]  }
0x133: {  	[tilespmem:s3], [sflag:$0x3] =	stream.linear.gather [hbm4b:s28+s3], $0x7D0, $0x38;
	[tilespmem:$0x18880] =	vst v63  }
0x134: {  	_ = 	snop  }
0x135: {  	[tilespmem:s8], [sflag:$0x3] =	stream.linear.gather [hbm4b:s14+s3], $0x7D0, $0x38;
	[tilespmem:$0x18880] =	vst v63  }
0x136: {  	_ =	swait.ge [sflag:s15], $0x7D0  }
0x137: {  	[sflag:s15] =	ssyncset.done $0x0  }
0x138: {  	[sflag:s15] =	ssyncadd.s32 $0xFFFFF830  }
0x139: {  	_ =	swait.ge [sflag:s15], $0x7D0  }
0x13a: {  	[sflag:s15] =	ssyncset.done $0x0  }
0x13b: {  	[sflag:s15] =	ssyncadd.s32 $0xFFFFF830  }
0x13c: {  	_ =	swait.ge [sflag:s11], $0x7D00  }
0x13d: {  	[sflag:s11] =	ssyncset.done $0x0  }
0x13e: {  	[sflag:s11] =	ssyncadd.s32 $0xFFFF8300  }
0x13f: {  	[tilespmem:s10], [sflag:$0x1] =	stream.indirect.gather [hbm4b:s4+s9], $0x10, s3, s9, $0xb8;
	[tilespmem:$0x18880] =	vst v63  }
0x140: {  	_ =	swait.ge [sflag:s17], $0x7D00  }
0x141: {  	[sflag:s17] =	ssyncset.done $0x0  }
0x142: {  	[sflag:s17] =	ssyncadd.s32 $0xFFFF8300  }
0x143: {  	[spmem:s2] =	stream.indirect.scatter.add.f32 [tilespmem:s13], [sflag:$0x8], $0x10, s18, s9, $0xb8;
	[tilespmem:$0x18880] =	vst v63  }
0x144: {  	_ =	swait.ge [sflag:s12], $0x7D00  }
0x145: {  	[sflag:s12] =	ssyncset.done $0x0  }
0x146: {  	[sflag:s12] =	ssyncadd.s32 $0xFFFF8300  }
0x147: {  	[spmem:s2] =	stream.indirect.scatter.add.f32 [tilespmem:s10], [sflag:$0x7], $0x10, s8, s9, $0xb8;
	[tilespmem:$0x18880] =	vst v63  }
0x148: {  	_ =	swait.ge [sflag:s16], $0x7D00  }
0x149: {  	[sflag:s16] =	ssyncset.done $0x0  }
0x14a: {  	[sflag:s16] =	ssyncadd.s32 $0xFFFF8300  }
0x14b: {  	_ =	swait.ge [sflag:s11], $0x7D00  }
0x14c: {  	[sflag:s11] =	ssyncset.done $0x0  }
0x14d: {  	s30 =	sshll.u32 s0, $0x6;
	[sflag:s11] =	ssyncadd.s32 $0xFFFF8300  }
0x14e: {  	s1 =	sor.u32 $0x1C09, s30;
	s31 =	sshrl.u32 s5, $0x3;
	[bflag:$0x0] =	sbarrier.arrive $0xFFFF  }
0x14f: {  	[hbm:s6], [sflag:s1] =	dma.local [spmem:s31], $0x500  }
0x150: {  	_ =	swait.ge [sflag:s7], $0x500  }
0x151: {  	[sflag:s7] =	ssyncset.done $0x0  }
0x152: {  	[sflag:s7] =	ssyncadd.s32 $0xFFFFFB00  }
0x153: {  	_ =	sfence.sel $0x180000  }
0x154: {  	[bflag:$0x0] =	sbarrier.arrive $0xFFFF  }
0x155: {  	p0 =	sne.s32 s0, $0x0;
	_ =	strace $0x9000004A  }
0x156: {  	s0 =	sadd.s32 @!p0 $0x100000, s29;
	[bflag:$0x2] =	sbarrier.arrive $0xFFFF  }
0x157: {  	[sflag:s0] =	ssyncadd.tile.s32 @!p0 $0x1;
	_ =	shalt  }
.LBB2_2:
.Ltmp3:
0x158: {  	(pc) =	sbr.rel .LBB2_5-.Ltmp3, $2  }
0x159: {  	_ =	sdelay $0x2  }
0x15a: {  	s29 =	rddreg [dreg:$0x2]  }
.Lfunc_end2:
_tile_overlayer_lowered:
.L_overlay_start_2:
0x15b: {  	(tag) =	ssettag $0x2  }
0x15c: {  	s0 =	rddreg [dreg:$0x0];
	s2 =	stileid.u32  }
0x15d: {  	s1 =	rddreg [dreg:$0x1];
	p0 =	sne.s32 s2, $0x0  }
0x15e: {  	s3 =	rddreg [dreg:$0x2];
	[bflag:$0x3] =	sbarrier.arrive $0xFFFF;
	s2 =	simm.s32 @!p0 $0x1C09  }
0x15f: {  	[timem:s3], [sflag:s2] =	dma.local @!p0 [hbm:s0], s1  }
0x160: {  	s0 =	simm.s32 @!p0 $0x9  }
0x161: {  	_ =	swait.ge @!p0 [sflag:s0], s1  }
0x162: {  	s1 =	ssub.s32 @!p0 $0x0, s1;
	[sflag:s0] =	ssyncset.done @!p0 $0x0  }
0x163: {  	[sflag:s0] =	ssyncadd.s32 @!p0 s1  }
0x164: {  	[bflag:$0x3] =	sbarrier.arrive $0xFFFF  }
0x165: {  	_ =	shalt  }

// kernel: kernel.15.cloned.1.call-start
scs
__scs_entry_jumppad:
0x0: {  	(pc) =	sbr.rel $0x88, $3  }
0x1: {  	(tag) =	ssettag $0x0;
	lr =	simm.s32 $0x1  }
0x2: {  	[smem:$0x3F9A] =	sst lr;
	_ =	strace $0xD0000000  }
0x3: {  	_ = 	snop  }
0x4: {  	_ = 	snop  }
0x5: {  	_ = 	snop  }
0x6: {  	_ = 	snop  }
0x7: {  	_ = 	snop  }
__scs_overlays_trampoline_lowered:
0x8: {  	[smem:$0x3FA9] =	sst s0  }
0x9: {  	[smem:$0x3FAA] =	sst s1  }
0xa: {  	[smem:$0x3FAB] =	sst s2  }
0xb: {  	[smem:$0x3FAC] =	sst s3  }
0xc: {  	[smem:$0x3FAD] =	sst s4  }
0xd: {  	[smem:$0x3FAE] =	sst s5  }
0xe: {  	[smem:$0x3FAF] =	sst s6  }
0xf: {  	[smem:$0x3FB0] =	sst s7  }
0x10: {  	[smem:$0x3FB1] =	sst s8  }
0x11: {  	[smem:$0x3FB2] =	sst s9;
	s0 =	simm.s32 @!p0 $0x0  }
0x12: {  	s1 =	sld [smem:$0x3F98];
	s0 =	simm.s32 @p0 $0x1  }
0x13: {  	[smem:$0x3FB3] =	sst s0;
	s0 =	simm.s32 @!p1 $0x0  }
0x14: {  	s2 =	sld [smem:$0x3F97];
	s0 =	simm.s32 @p1 $0x1  }
0x15: {  	[smem:$0x3FB4] =	sst s0;
	s0 =	simm.s32 @!p2 $0x0  }
0x16: {  	s3 =	sld [smem:$0x3FDB];
	s0 =	simm.s32 @p2 $0x1  }
0x17: {  	s4 =	simm.s32 $0x1BF5;
	[smem:$0x3FB6] =	sst s0  }
0x18: {  	s0 =	sld [smem:$0x3F99];
	_ =	swait.ge [sflag:s4], $0x0  }
0x19: {  	s7 =	sld [smem:$0x3F9A]  }
0x1a: {  	s8 =	sadd.s32 $0xFFFFE003, lr  }
0x1b: {  	s9 =	sadd.s32 $0xFFFFFEF7, lr;
	s5 =	simm.s32 $0xFFFFFFFF;
	p2 =	slt.u32 s8, $0xFFFFF086  }
0x1c: {  	p1 =	slt.u32 s9, $0xF7A;
	s5 =	simm.s32 @!p2 $0x0  }
0x1d: {  	s5 =	simm.s32 @p1 $0x1;
	p0 =	seq.s32 s7, s2  }
0x1e: {  	s7 =	smul.u32 @!p0 $0xF7A, s2;
	p2 =	seq.s32 @!p0 s5, $0x0  }
0x1f: {  	s9 =	smul.u32 $0xF7A, s1;
	s8 =	simm.s32 @!p0 $0x1BF5;
	p2 =	por !p2, p0  }
0x20: {  	[sflag:s8] =	ssyncset.s32 @!p0 $0xFFFFF086;
	s6 =	sadd.s32 @!p0 s3, s7;
	s7 =	simm.s32 @!p0 $0x108  }
0x21: {  	s3 =	sadd.s32 s3, s9;
	s6 =	sadd.s32 @!p0 $0x88, s6;
	s7 =	simm.s32 @p2 $0x1082  }
0x22: {  	[simem:s7], [sflag:s8] =	dma.local @!p0 [hbm:s6], $0xF7A  }
0x23: {  	s9 =	sor.u32 $0xD0000000, s2;
	s6 =	simm.s32 $0x108;
	_ =	swait.ge @!p0 [sflag:s8], $0x0  }
0x24: {  	s3 =	sadd.s32 $0x88, s3;
	s6 =	simm.s32 @!p1 $0x1082;
	[sflag:s4] =	ssyncset.s32 $0xFFFFF086  }
0x25: {  	[simem:s6], [sflag:s4] =	dma.local [hbm:s3], $0xF7A  }
0x26: {  	[smem:$0x3F9A] =	sst s1;
	(tag) =	ssettag s2;
	_ =	strace s9  }
0x27: {  	s1 =	sld [smem:$0x3FAA]  }
0x28: {  	s2 =	sld [smem:$0x3FAB]  }
0x29: {  	s4 =	sld [smem:$0x3FAD]  }
0x2a: {  	p0 =	seq.s32 s5, $0x0;
	s5 =	sld [smem:$0x3FAE]  }
0x2b: {  	s6 =	sld [smem:$0x3FAF]  }
0x2c: {  	s7 =	sld [smem:$0x3FB0]  }
0x2d: {  	s3 =	simm.s32 $0x108;
	s8 =	sld [smem:$0x3FB1]  }
0x2e: {  	s3 =	simm.s32 @!p0 $0x1082;
	s9 =	sld [smem:$0x3FB2]  }
0x2f: {  	lr =	sadd.s32 s0, s3;
	s0 =	sld [smem:$0x3FA9]  }
0x30: {  	s3 =	sld [smem:$0x3FAC]  }
0x31: {  	[smem:$0x3FB5] =	sst s10  }
0x32: {  	s10 =	sld [smem:$0x3FB3];
	_ =	sdelay $0x3  }
0x33: {  	p0 =	seq.s32 s10, $0x1;
	s10 =	sld [smem:$0x3FB5];
	_ =	sdelay $0x3  }
0x34: {  	[smem:$0x3FB5] =	sst s10  }
0x35: {  	s10 =	sld [smem:$0x3FB4];
	_ =	sdelay $0x3  }
0x36: {  	p1 =	seq.s32 s10, $0x1;
	s10 =	sld [smem:$0x3FB5];
	_ =	sdelay $0x3  }
0x37: {  	[smem:$0x3FB5] =	sst s10  }
0x38: {  	s10 =	sld [smem:$0x3FB6]  }
0x39: {  	_ = 	snop;
	(pc) =	sbr.ind lr, $3  }
0x3a: {  	_ = 	snop  }
0x3b: {  	_ = 	snop  }
0x3c: {  	p2 =	seq.s32 s10, $0x1;
	s10 =	sld [smem:$0x3FB5]  }
0x3d: {  	_ =	shalt  }
0x3e: {  	_ =	shalt  }
0x3f: {  	_ =	shalt  }
0x40: {  	_ =	shalt  }
0x41: {  	_ =	shalt  }
0x42: {  	_ =	shalt  }
0x43: {  	_ =	shalt  }
0x44: {  	_ =	shalt  }
0x45: {  	_ =	shalt  }
0x46: {  	_ =	shalt  }
0x47: {  	_ =	shalt  }
0x48: {  	_ =	shalt  }
0x49: {  	_ =	shalt  }
0x4a: {  	_ =	shalt  }
0x4b: {  	_ =	shalt  }
0x4c: {  	_ =	shalt  }
0x4d: {  	_ =	shalt  }
0x4e: {  	_ =	shalt  }
0x4f: {  	_ =	shalt  }
0x50: {  	_ =	shalt  }
0x51: {  	_ =	shalt  }
0x52: {  	_ =	shalt  }
0x53: {  	_ =	shalt  }
0x54: {  	_ =	shalt  }
0x55: {  	_ =	shalt  }
0x56: {  	_ =	shalt  }
0x57: {  	_ =	shalt  }
0x58: {  	_ =	shalt  }
0x59: {  	_ =	shalt  }
0x5a: {  	_ =	shalt  }
0x5b: {  	_ =	shalt  }
0x5c: {  	_ =	shalt  }
0x5d: {  	_ =	shalt  }
0x5e: {  	_ =	shalt  }
0x5f: {  	_ =	shalt  }
0x60: {  	_ =	shalt  }
0x61: {  	_ =	shalt  }
0x62: {  	_ =	shalt  }
0x63: {  	_ =	shalt  }
0x64: {  	_ =	shalt  }
0x65: {  	_ =	shalt  }
0x66: {  	_ =	shalt  }
0x67: {  	_ =	shalt  }
0x68: {  	_ =	shalt  }
0x69: {  	_ =	shalt  }
0x6a: {  	_ =	shalt  }
0x6b: {  	_ =	shalt  }
0x6c: {  	_ =	shalt  }
0x6d: {  	_ =	shalt  }
0x6e: {  	_ =	shalt  }
0x6f: {  	_ =	shalt  }
0x70: {  	_ =	shalt  }
0x71: {  	_ =	shalt  }
0x72: {  	_ =	shalt  }
0x73: {  	_ =	shalt  }
0x74: {  	_ =	shalt  }
0x75: {  	_ =	shalt  }
0x76: {  	_ =	shalt  }
0x77: {  	_ =	shalt  }
0x78: {  	_ =	shalt  }
0x79: {  	_ =	shalt  }
0x7a: {  	_ =	shalt  }
0x7b: {  	_ =	shalt  }
0x7c: {  	_ =	shalt  }
0x7d: {  	_ =	shalt  }
0x7e: {  	_ =	shalt  }
0x7f: {  	_ =	shalt  }
0x80: {  	_ =	shalt  }
0x81: {  	_ =	shalt  }
0x82: {  	_ =	shalt  }
0x83: {  	_ =	shalt  }
0x84: {  	_ =	shalt  }
0x85: {  	_ =	shalt  }
0x86: {  	_ =	shalt  }
0x87: {  	_ =	shalt  }
.Lfunc_end0:
.L_simem_size_0:
called_computation.2_lowered:
.L_overlay_start_0:
0x88: {  	s2 =	sld [smem:$0x3FD9]  }
0x89: {  	s3 =	sld [smem:$0x3FFE];
	_ =	sdelay $0x1  }
0x8a: {  	s1 =	srdreg.scid  }
0x8b: {  	s0 =	sand.u32 $0x1, s1  }
0x8c: {  	s16 =	sshll.u32 s0, $0xA;
	s2 =	sadd.s32 s3, s2  }
0x8d: {  	s2 =	sadd.s32 s2, s16  }
0x8e: {  	[smem:$0x3FC1] =	sst s2  }
0x8f: {  	_ = 	snop  }
0x90: {  	(tm) =	ssettm $0x1  }
0x91: {  	s17 =	sld [smem:$0x3FFB];
	_ =	sdelay $0x3  }
0x92: {  	_ =	strace s17  }
0x93: {  	s2 =	sld [smem:$0x3FFC];
	_ =	sdelay $0x3  }
0x94: {  	_ =	strace s2  }
0x95: {  	s2 =	sld [smem:$0x3FFD];
	_ =	sdelay $0x3  }
0x96: {  	_ =	strace s2  }
0x97: {  	_ =	strace $0x8FFFFFFF  }
0x98: {  	s18 =	sld [smem:$0x3FDB];
	_ =	sdelay $0x1  }
0x99: {  	s19 =	simm.s32 $_scs_section_size  }
0x9a: {  	s4 =	simm.s32 $_size__tile_overlayer_lowered;
	s5 =	simm.s32 $_tile_overlayer_lowered  }
0x9b: {  	s22 =	simm.s32 $0x1BFF;
	s21 =	sshll.u32 s5, $0x1;
	s2 =	sadd.s32 s19, s18  }
0x9c: {  	s6 =	simm.s32 $0x0;
	s20 =	sshll.u32 s4, $0x1;
	s4 =	sadd.s32 s21, s2  }
0x9d: {  	[timem:s6], [sflag:s22] =	dma.local [hbm:s4], s20  }
0x9e: {  	_ =	swait.ge [sflag:s22], s20  }
0x9f: {  	s3 =	ssub.s32 $0x0, s20;
	[sflag:s22] =	ssyncset.done $0x0  }
0xa0: {  	[sflag:s22] =	ssyncadd.s32 s3;
	_ =	sdelay $0x1  }
0xa1: {  	s23 =	simm.s32 $0x1B8B  }
0xa2: {  	_ =	swait.ge [sflag:s23], $0x1  }
0xa3: {  	[sflag:s23] =	ssyncset.done $0x0  }
0xa4: {  	s25 =	simm.s32 $0x1B8E;
	s24 =	sld [smem:$0x3FFE];
	[sflag:s23] =	ssyncadd.s32 $0xFFFFFFFF  }
0xa5: {  	s26 =	simm.s32 $execute0_lowered;
	[smem:$0x3FD2] =	sst s25  }
0xa6: {  	s4 =	sshll.u32 s26, $0x1;
	_ =	strace $0x8000004C;
	[dreg:$0x1] =	wrdreg $0xFFFFFFFF  }
0xa7: {  	s28 =	simm.s32 $_size_execute0_lowered;
	s2 =	sadd.s32 s2, s4;
	[dreg:$0x0] =	wrdreg $0x0  }
0xa8: {  	s4 =	sshll.u32 s28, $0x1;
	[dreg:$0x2] =	wrdreg s2  }
0xa9: {  	[dreg:$0x3] =	wrdreg s4  }
0xaa: {  	[dreg:$0x4] =	wrdreg $0xC0  }
0xab: {  	_ =	task [dreg:s6], $0x5FFFF  }
0xac: {  	[dreg:$0x1] =	wrdreg $0xFFFFFFFF  }
0xad: {  	[dreg:$0x0] =	wrdreg $0x60  }
0xae: {  	[dreg:$0x2] =	wrdreg s24  }
0xaf: {  	[dreg:$0x3] =	wrdreg $0x160800  }
0xb0: {  	[dreg:$0x4] =	wrdreg $0x9  }
0xb1: {  	_ =	task.clear_ibuf [dreg:s6], $0x5FFFF;
	_ =	strace $0x9000004C  }
0xb2: {  	s29 =	simm.s32 $0x9;
	_ =	strace $0x8000004E  }
0xb3: {  	_ =	swait.ge [sflag:s29], $0x1  }
0xb4: {  	[sflag:s29] =	ssyncadd.s32 $0xFFFFFFFF  }
0xb5: {  	_ =	strace $0x9000004E  }
0xb6: {  	_ =	sfence  }
0xb7: {  	s30 =	sld [smem:$0x0];
	_ =	sdelay $0x2  }
0xb8: {  	s31 =	sshll.u32 s1, $0xD;
	s1 =	sshrl.u32 s1, $0x2  }
0xb9: {  	s3 =	sand.u32 $0x4000, s31;
	s1 =	sadd.s32 s1, s30  }
0xba: {  	s0 =	sor.u32 s3, s0;
	s1 =	sshll.u32 s1, $0x11  }
0xbb: {  	s0 =	sor.u32 s1, s0  }
0xbc: {  	s0 =	sadd.s32 $0x8F2B, s0  }
0xbd: {  	[sflag:s0] =	ssyncadd.remote.s32 $0x1  }
0xbe: {  	_ =	sfence.sel $0xFFFF  }
0xbf: {  	[dreg:$0x0] =	wrdreg $0xFFFFFFFF;
	(pc) =	sbr.abs _section_cstart, $3  }
0xc0: {  	[dreg:$0x1] =	wrdreg $0xFFFFFFFF  }
0xc1: {  	_ =	task.clear_ibuf [dreg:s6], $0x2FFFF;
	_ =	strace $0x9FFFFFFF  }
0xc2: {  	(tm) =	ssettm $0x7FFFFFFF  }
0xc3: {  	_ =	shalt  }
tec
execute0_lowered:
.L_overlay_start_1:
0x0: {  	(tag) =	ssettag $0x1  }
0x1: {  	s5 =	rddreg [dreg:$0x0]  }
0x2: {  	s1 =	srdreg.scid;
	s2 =	rddreg [dreg:$0x1]  }
0x3: {  	s0 =	stileid.u32;
	s29 =	rddreg [dreg:$0x2]  }
0x4: {  	s3 =	simm.s32 $0x0;
	s15 =	simm.s32 $0x3;
	s13 =	simm.s32 $0xBB80  }
0x5: {  	s12 =	simm.s32 $0x1;
	s6 =	sand.u32 $0x1, s1;
	s17 =	sshll.u32 s0, $0x1  }
0x6: {  	s11 =	simm.s32 $0x7;
	p0 =	por $0x0, $0x0;
	s4 =	sor.u32 s6, s17  }
0x7: {  	[smem:$0x7FF] =	sst s3;
	s18 =	sadd.s32 $0x1B600, s5;
	s4 =	smul.u32 $0x2710, s4  }
0x8: {  	s8 =	smul.u32 $0x2800, s0;
	_ =	strace $0x8000004D;
	[dreg:$0x3] =	wrdreg s18  }
0x9: {  	s9 =	smul.u32 $0x28000, s6;
	s6 =	ssub.s32 $0x2, s6;
	s4 =	sshrl.u32 s4, $0x3  }
0xa: {  	s17 =	simm.s32 $0x2;
	s18 =	simm.s32 $0x36B0;
	s7 =	sadd.s32 s4, s5  }
0xb: {  	s24 =	sshrl.u32 s6, $0x1;
	s9 =	sadd.s32 s8, s9;
	s10 =	sadd.s32 $0x2C00, s7  }
0xc: {  	s9 =	sshrl.u32 s9, $0x3;
	s19 =	sadd.s32 $0xC840, s7;
	[dreg:$0x4] =	wrdreg s10  }
0xd: {  	s4 =	sadd.s32 $0x16600, s5;
	s20 =	sadd.s32 $0x2CFA, s7;
	[dreg:$0x5] =	wrdreg s19  }
0xe: {  	s9 =	sadd.s32 s9, s5;
	s21 =	sadd.s32 $0xC93A, s7;
	[dreg:$0x6] =	wrdreg s20  }
0xf: {  	s5 =	sadd.s32 s8, s2;
	s22 =	sadd.s32 $0x2DF4, s7;
	[dreg:$0x7] =	wrdreg s21  }
0x10: {  	s8 =	simm.s32 $0x1F40;
	s23 =	sadd.s32 $0xCA34, s7;
	[dreg:$0x8] =	wrdreg s22  }
0x11: {  	s25 =	sadd.s32 $0x2EEE, s7;
	s26 =	sadd.s32 $0xCB2E, s7;
	[dreg:$0x9] =	wrdreg s23  }
0x12: {  	s28 =	sadd.s32 $0x2FE8, s7;
	s10 =	ssub.s32 s6, s24;
	[dreg:$0xa] =	wrdreg s25  }
0x13: {  	s14 =	sadd.s32 $0xCC28, s7;
	[dreg:$0xb] =	wrdreg s26;
	s16 =	smax.u32 s10, $0x1  }
0x14: {  	s7 =	simm.s32 $0x9;
	[dreg:$0xc] =	wrdreg s28;
	p1 =	sne.s32 s16, $0x1  }
.Ltmp0:
0x15: {  	s6 =	sadd.s32 $0x1BC00, s9;
	s9 =	simm.s32 $0x7D0;
	(pc) =	sbr.rel @!p1 .LBB2_5-.Ltmp0, $4  }
0x16: {  	s20 =	simm.s32 $0x2710;
	s26 =	simm.s32 $0x13880;
	s25 =	simm.s32 $0x4  }
0x17: {  	s23 =	simm.s32 $0xFA0;
	s19 =	simm.s32 $0x2EE0;
	s24 =	simm.s32 $0x5  }
0x18: {  	s21 =	simm.s32 $0x1770;
	s22 =	simm.s32 $0x6;
	s10 =	simm.s32 $0x3E80  }
0x19: {  	s31 =	rddreg [dreg:$0x4];
	s30 =	sadd.s32 $0xFFFFFFFF, s16;
	s16 =	simm.s32 $0x8  }
0x1a: {  	[tilespmem:s3], [sflag:$0x3] =	stream.linear.gather [hbm4b:s31+s3], $0x7D0, $0x38;
	[tilespmem:$0x18880] =	vst v63  }
0x1b: {  	s28 =	rddreg [dreg:$0x5]  }
0x1c: {  	[tilespmem:s8], [sflag:$0x3] =	stream.linear.gather [hbm4b:s28+s3], $0x7D0, $0x38;
	[tilespmem:$0x18880] =	vst v63  }
0x1d: {  	s29 =	rddreg [dreg:$0x6]  }
0x1e: {  	[tilespmem:s9], [sflag:$0x4] =	stream.linear.gather [hbm4b:s29+s3], $0x7D0, $0x38;
	[tilespmem:$0x18880] =	vst v63  }
0x1f: {  	s28 =	rddreg [dreg:$0x7]  }
0x20: {  	[tilespmem:s20], [sflag:$0x4] =	stream.linear.gather [hbm4b:s28+s3], $0x7D0, $0x38;
	[tilespmem:$0x18880] =	vst v63  }
0x21: {  	_ =	swait.ge [sflag:s15], $0x7D0  }
0x22: {  	[sflag:s15] =	ssyncset.done $0x0  }
0x23: {  	[sflag:s15] =	ssyncadd.s32 $0xFFFFF830  }
0x24: {  	_ =	swait.ge [sflag:s15], $0x7D0  }
0x25: {  	[sflag:s15] =	ssyncset.done $0x0  }
0x26: {  	[sflag:s15] =	ssyncadd.s32 $0xFFFFF830  }
0x27: {  	[tilespmem:s10], [sflag:$0x1] =	stream.indirect.gather [hbm4b:s4+s9], $0x10, s3, s9, $0xb8;
	[tilespmem:$0x18880] =	vst v63  }
0x28: {  	s28 =	rddreg [dreg:$0x3]  }
0x29: {  	[tilespmem:s26], [sflag:$0x9] =	stream.linear.gather [hbm4b:s28+s3], $0x2800, $0x38;
	[tilespmem:$0x18880] =	vst v63  }
0x2a: {  	_ =	swait.ge [sflag:s7], $0x2800  }
0x2b: {  	[sflag:s7] =	ssyncset.done $0x0  }
0x2c: {  	[sflag:s7] =	ssyncadd.s32 $0xFFFFD800  }
0x2d: {  	[spmem:s5] =	stream.linear.scatter [tilespmem:s26], [sflag:$0x9], $0x2800, $0x38;
	[tilespmem:$0x18880] =	vst v63  }
0x2e: {  	_ =	swait.ge [sflag:s7], $0x2800  }
0x2f: {  	[sflag:s7] =	ssyncset.done $0x0  }
0x30: {  	[sflag:s7] =	ssyncadd.s32 $0xFFFFD800  }
0x31: {  	[bflag:$0x0] =	sbarrier.arrive $0xFFFF  }
0x32: {  	_ =	swait.ge [sflag:s25], $0x7D0  }
0x33: {  	[sflag:s25] =	ssyncset.done $0x0  }
0x34: {  	[sflag:s25] =	ssyncadd.s32 $0xFFFFF830  }
0x35: {  	_ =	swait.ge [sflag:s25], $0x7D0  }
0x36: {  	[sflag:s25] =	ssyncset.done $0x0  }
0x37: {  	[sflag:s25] =	ssyncadd.s32 $0xFFFFF830  }
0x38: {  	[tilespmem:s13], [sflag:$0x2] =	stream.indirect.gather [hbm4b:s4+s9], $0x10, s9, s9, $0xb8;
	[tilespmem:$0x18880] =	vst v63  }
0x39: {  	_ =	swait.ge [sflag:s12], $0x7D00  }
0x3a: {  	[sflag:s12] =	ssyncset.done $0x0  }
0x3b: {  	[sflag:s12] =	ssyncadd.s32 $0xFFFF8300  }
0x3c: {  	[spmem:s2] =	stream.indirect.scatter.add.f32 [tilespmem:s10], [sflag:$0x7], $0x10, s8, s9, $0xb8;
	[tilespmem:$0x18880] =	vst v63  }
0x3d: {  	s28 =	rddreg [dreg:$0x8]  }
0x3e: {  	[tilespmem:s23], [sflag:$0x5] =	stream.linear.gather [hbm4b:s28+s3], $0x7D0, $0x38;
	[tilespmem:$0x18880] =	vst v63  }
0x3f: {  	s29 =	rddreg [dreg:$0x9]  }
0x40: {  	[tilespmem:s19], [sflag:$0x5] =	stream.linear.gather [hbm4b:s29+s3], $0x7D0, $0x38;
	[tilespmem:$0x18880] =	vst v63  }
0x41: {  	_ =	swait.ge [sflag:s24], $0x7D0  }
0x42: {  	[sflag:s24] =	ssyncset.done $0x0  }
0x43: {  	[sflag:s24] =	ssyncadd.s32 $0xFFFFF830  }
0x44: {  	_ =	swait.ge [sflag:s24], $0x7D0  }
0x45: {  	[sflag:s24] =	ssyncset.done $0x0  }
0x46: {  	[sflag:s24] =	ssyncadd.s32 $0xFFFFF830  }
0x47: {  	_ =	swait.ge [sflag:s11], $0x7D00  }
0x48: {  	[sflag:s11] =	ssyncset.done $0x0  }
0x49: {  	[sflag:s11] =	ssyncadd.s32 $0xFFFF8300  }
0x4a: {  	[tilespmem:s10], [sflag:$0x1] =	stream.indirect.gather [hbm4b:s4+s9], $0x10, s23, s9, $0xb8;
	[tilespmem:$0x18880] =	vst v63  }
0x4b: {  	_ =	swait.ge [sflag:s17], $0x7D00  }
0x4c: {  	[sflag:s17] =	ssyncset.done $0x0  }
0x4d: {  	[sflag:s17] =	ssyncadd.s32 $0xFFFF8300  }
0x4e: {  	[spmem:s2] =	stream.indirect.scatter.add.f32 [tilespmem:s13], [sflag:$0x8], $0x10, s20, s9, $0xb8;
	[tilespmem:$0x18880] =	vst v63  }
0x4f: {  	s28 =	rddreg [dreg:$0xa]  }
0x50: {  	[tilespmem:s21], [sflag:$0x6] =	stream.linear.gather [hbm4b:s28+s3], $0x7D0, $0x38;
	[tilespmem:$0x18880] =	vst v63  }
0x51: {  	s29 =	rddreg [dreg:$0xb]  }
0x52: {  	[tilespmem:s18], [sflag:$0x6] =	stream.linear.gather [hbm4b:s29+s3], $0x7D0, $0x38;
	[tilespmem:$0x18880] =	vst v63  }
0x53: {  	_ =	swait.ge [sflag:s22], $0x7D0  }
0x54: {  	[sflag:s22] =	ssyncset.done $0x0  }
0x55: {  	[sflag:s22] =	ssyncadd.s32 $0xFFFFF830  }
0x56: {  	_ =	swait.ge [sflag:s22], $0x7D0  }
0x57: {  	[sflag:s22] =	ssyncset.done $0x0  }
0x58: {  	[sflag:s22] =	ssyncadd.s32 $0xFFFFF830  }
0x59: {  	_ =	swait.ge [sflag:s16], $0x7D00  }
0x5a: {  	[sflag:s16] =	ssyncset.done $0x0  }
0x5b: {  	[sflag:s16] =	ssyncadd.s32 $0xFFFF8300  }
0x5c: {  	[tilespmem:s13], [sflag:$0x2] =	stream.indirect.gather [hbm4b:s4+s9], $0x10, s21, s9, $0xb8;
	[tilespmem:$0x18880] =	vst v63  }
0x5d: {  	_ =	swait.ge [sflag:s12], $0x7D00  }
0x5e: {  	[sflag:s12] =	ssyncset.done $0x0  }
0x5f: {  	[sflag:s12] =	ssyncadd.s32 $0xFFFF8300  }
0x60: {  	[spmem:s2] =	stream.indirect.scatter.add.f32 [tilespmem:s10], [sflag:$0x7], $0x10, s19, s9, $0xb8;
	[tilespmem:$0x18880] =	vst v63  }
0x61: {  	s28 =	rddreg [dreg:$0xc]  }
0x62: {  	[tilespmem:s3], [sflag:$0x3] =	stream.linear.gather [hbm4b:s28+s3], $0x7D0, $0x38;
	[tilespmem:$0x18880] =	vst v63  }
0x63: {  	_ = 	snop  }
0x64: {  	[tilespmem:s8], [sflag:$0x3] =	stream.linear.gather [hbm4b:s14+s3], $0x7D0, $0x38;
	[tilespmem:$0x18880] =	vst v63  }
0x65: {  	_ =	swait.ge [sflag:s15], $0x7D0  }
0x66: {  	[sflag:s15] =	ssyncset.done $0x0  }
0x67: {  	[sflag:s15] =	ssyncadd.s32 $0xFFFFF830  }
0x68: {  	_ =	swait.ge [sflag:s15], $0x7D0  }
0x69: {  	[sflag:s15] =	ssyncset.done $0x0  }
0x6a: {  	[sflag:s15] =	ssyncadd.s32 $0xFFFFF830  }
0x6b: {  	_ =	swait.ge [sflag:s11], $0x7D00  }
0x6c: {  	[sflag:s11] =	ssyncset.done $0x0  }
0x6d: {  	[sflag:s11] =	ssyncadd.s32 $0xFFFF8300  }
0x6e: {  	[tilespmem:s10], [sflag:$0x1] =	stream.indirect.gather [hbm4b:s4+s9], $0x10, s3, s9, $0xb8;
	[tilespmem:$0x18880] =	vst v63  }
0x6f: {  	_ =	swait.ge [sflag:s17], $0x7D00  }
0x70: {  	[sflag:s17] =	ssyncset.done $0x0  }
0x71: {  	[sflag:s17] =	ssyncadd.s32 $0xFFFF8300  }
0x72: {  	[spmem:s2] =	stream.indirect.scatter.add.f32 [tilespmem:s13], [sflag:$0x8], $0x10, s18, s9, $0xb8;
	[tilespmem:$0x18880] =	vst v63  }
0x73: {  	_ =	swait.ge [sflag:s12], $0x7D00  }
0x74: {  	[sflag:s12] =	ssyncset.done $0x0  }
0x75: {  	[sflag:s12] =	ssyncadd.s32 $0xFFFF8300  }
0x76: {  	[spmem:s2] =	stream.indirect.scatter.add.f32 [tilespmem:s10], [sflag:$0x7], $0x10, s8, s9, $0xb8;
	[tilespmem:$0x18880] =	vst v63  }
0x77: {  	_ =	swait.ge [sflag:s16], $0x7D00  }
0x78: {  	[sflag:s16] =	ssyncset.done $0x0  }
0x79: {  	[sflag:s16] =	ssyncadd.s32 $0xFFFF8300  }
0x7a: {  	_ =	swait.ge [sflag:s11], $0x7D00  }
0x7b: {  	p1 =	sne.s32 s30, $0x1;
	[sflag:s11] =	ssyncset.done $0x0  }
.Ltmp1:
0x7c: {  	s28 =	sshll.u32 s0, $0x6;
	[sflag:s11] =	ssyncadd.s32 $0xFFFF8300;
	(pc) =	sbr.rel @!p1 .LBB2_2-.Ltmp1, $4  }
0x7d: {  	s29 =	sshrl.u32 s5, $0x3;
	s28 =	sor.u32 $0x1C09, s28;
	[bflag:$0x0] =	sbarrier.arrive $0xFFFF  }
0x7e: {  	[hbm:s6], [sflag:s28] =	dma.local [spmem:s29], $0x500  }
0x7f: {  	s30 =	sadd.s32 $0xFFFFFFFF, s30;
	_ =	swait.ge [sflag:s7], $0x500  }
0x80: {  	p0 =	por $0x1, $0x1;
	s31 =	rddreg [dreg:$0x4];
	[sflag:s7] =	ssyncset.done $0x0  }
.LBB2_3:
0x81: {  	[sflag:s7] =	ssyncadd.s32 $0xFFFFFB00  }
0x82: {  	[tilespmem:s3], [sflag:$0x3] =	stream.linear.gather [hbm4b:s31+s3], $0x7D0, $0x38;
	[tilespmem:$0x18880] =	vst v63  }
0x83: {  	s1 =	rddreg [dreg:$0x5]  }
0x84: {  	[tilespmem:s8], [sflag:$0x3] =	stream.linear.gather [hbm4b:s1+s3], $0x7D0, $0x38;
	[tilespmem:$0x18880] =	vst v63  }
0x85: {  	s31 =	rddreg [dreg:$0x6]  }
0x86: {  	[tilespmem:s9], [sflag:$0x4] =	stream.linear.gather [hbm4b:s31+s3], $0x7D0, $0x38;
	[tilespmem:$0x18880] =	vst v63  }
0x87: {  	s1 =	rddreg [dreg:$0x7]  }
0x88: {  	[tilespmem:s20], [sflag:$0x4] =	stream.linear.gather [hbm4b:s1+s3], $0x7D0, $0x38;
	[tilespmem:$0x18880] =	vst v63  }
0x89: {  	_ =	swait.ge [sflag:s15], $0x7D0  }
0x8a: {  	[sflag:s15] =	ssyncset.done $0x0  }
0x8b: {  	[sflag:s15] =	ssyncadd.s32 $0xFFFFF830  }
0x8c: {  	_ =	swait.ge [sflag:s15], $0x7D0  }
0x8d: {  	[sflag:s15] =	ssyncset.done $0x0  }
0x8e: {  	[sflag:s15] =	ssyncadd.s32 $0xFFFFF830  }
0x8f: {  	[tilespmem:s10], [sflag:$0x1] =	stream.indirect.gather [hbm4b:s4+s9], $0x10, s3, s9, $0xb8;
	[tilespmem:$0x18880] =	vst v63  }
0x90: {  	s1 =	rddreg [dreg:$0x3]  }
0x91: {  	[tilespmem:s26], [sflag:$0x9] =	stream.linear.gather [hbm4b:s1+s3], $0x2800, $0x38;
	[tilespmem:$0x18880] =	vst v63  }
0x92: {  	_ =	swait.ge [sflag:s7], $0x2800  }
0x93: {  	[sflag:s7] =	ssyncset.done $0x0  }
0x94: {  	[sflag:s7] =	ssyncadd.s32 $0xFFFFD800  }
0x95: {  	[spmem:s5] =	stream.linear.scatter [tilespmem:s26], [sflag:$0x9], $0x2800, $0x38;
	[tilespmem:$0x18880] =	vst v63  }
0x96: {  	_ =	swait.ge [sflag:s7], $0x2800  }
0x97: {  	[sflag:s7] =	ssyncset.done $0x0  }
0x98: {  	[sflag:s7] =	ssyncadd.s32 $0xFFFFD800  }
0x99: {  	[bflag:$0x0] =	sbarrier.arrive $0xFFFF  }
0x9a: {  	_ =	swait.ge [sflag:s25], $0x7D0  }
0x9b: {  	[sflag:s25] =	ssyncset.done $0x0  }
0x9c: {  	[sflag:s25] =	ssyncadd.s32 $0xFFFFF830  }
0x9d: {  	_ =	swait.ge [sflag:s25], $0x7D0  }
0x9e: {  	[sflag:s25] =	ssyncset.done $0x0  }
0x9f: {  	[sflag:s25] =	ssyncadd.s32 $0xFFFFF830  }
0xa0: {  	[tilespmem:s13], [sflag:$0x2] =	stream.indirect.gather [hbm4b:s4+s9], $0x10, s9, s9, $0xb8;
	[tilespmem:$0x18880] =	vst v63  }
0xa1: {  	_ =	swait.ge [sflag:s12], $0x7D00  }
0xa2: {  	[sflag:s12] =	ssyncset.done $0x0  }
0xa3: {  	[sflag:s12] =	ssyncadd.s32 $0xFFFF8300  }
0xa4: {  	[spmem:s2] =	stream.indirect.scatter.add.f32 [tilespmem:s10], [sflag:$0x7], $0x10, s8, s9, $0xb8;
	[tilespmem:$0x18880] =	vst v63  }
0xa5: {  	s1 =	rddreg [dreg:$0x8]  }
0xa6: {  	[tilespmem:s23], [sflag:$0x5] =	stream.linear.gather [hbm4b:s1+s3], $0x7D0, $0x38;
	[tilespmem:$0x18880] =	vst v63  }
0xa7: {  	s31 =	rddreg [dreg:$0x9]  }
0xa8: {  	[tilespmem:s19], [sflag:$0x5] =	stream.linear.gather [hbm4b:s31+s3], $0x7D0, $0x38;
	[tilespmem:$0x18880] =	vst v63  }
0xa9: {  	_ =	swait.ge [sflag:s24], $0x7D0  }
0xaa: {  	[sflag:s24] =	ssyncset.done $0x0  }
0xab: {  	[sflag:s24] =	ssyncadd.s32 $0xFFFFF830  }
0xac: {  	_ =	swait.ge [sflag:s24], $0x7D0  }
0xad: {  	[sflag:s24] =	ssyncset.done $0x0  }
0xae: {  	[sflag:s24] =	ssyncadd.s32 $0xFFFFF830  }
0xaf: {  	_ =	swait.ge [sflag:s11], $0x7D00  }
0xb0: {  	[sflag:s11] =	ssyncset.done $0x0  }
0xb1: {  	[sflag:s11] =	ssyncadd.s32 $0xFFFF8300  }
0xb2: {  	[tilespmem:s10], [sflag:$0x1] =	stream.indirect.gather [hbm4b:s4+s9], $0x10, s23, s9, $0xb8;
	[tilespmem:$0x18880] =	vst v63  }
0xb3: {  	_ =	swait.ge [sflag:s17], $0x7D00  }
0xb4: {  	[sflag:s17] =	ssyncset.done $0x0  }
0xb5: {  	[sflag:s17] =	ssyncadd.s32 $0xFFFF8300  }
0xb6: {  	[spmem:s2] =	stream.indirect.scatter.add.f32 [tilespmem:s13], [sflag:$0x8], $0x10, s20, s9, $0xb8;
	[tilespmem:$0x18880] =	vst v63  }
0xb7: {  	s1 =	rddreg [dreg:$0xa]  }
0xb8: {  	[tilespmem:s21], [sflag:$0x6] =	stream.linear.gather [hbm4b:s1+s3], $0x7D0, $0x38;
	[tilespmem:$0x18880] =	vst v63  }
0xb9: {  	s31 =	rddreg [dreg:$0xb]  }
0xba: {  	[tilespmem:s18], [sflag:$0x6] =	stream.linear.gather [hbm4b:s31+s3], $0x7D0, $0x38;
	[tilespmem:$0x18880] =	vst v63  }
0xbb: {  	_ =	swait.ge [sflag:s22], $0x7D0  }
0xbc: {  	[sflag:s22] =	ssyncset.done $0x0  }
0xbd: {  	[sflag:s22] =	ssyncadd.s32 $0xFFFFF830  }
0xbe: {  	_ =	swait.ge [sflag:s22], $0x7D0  }
0xbf: {  	[sflag:s22] =	ssyncset.done $0x0  }
0xc0: {  	[sflag:s22] =	ssyncadd.s32 $0xFFFFF830  }
0xc1: {  	_ =	swait.ge [sflag:s16], $0x7D00  }
0xc2: {  	[sflag:s16] =	ssyncset.done $0x0  }
0xc3: {  	[sflag:s16] =	ssyncadd.s32 $0xFFFF8300  }
0xc4: {  	[tilespmem:s13], [sflag:$0x2] =	stream.indirect.gather [hbm4b:s4+s9], $0x10, s21, s9, $0xb8;
	[tilespmem:$0x18880] =	vst v63  }
0xc5: {  	_ =	swait.ge [sflag:s12], $0x7D00  }
0xc6: {  	[sflag:s12] =	ssyncset.done $0x0  }
0xc7: {  	[sflag:s12] =	ssyncadd.s32 $0xFFFF8300  }
0xc8: {  	[spmem:s2] =	stream.indirect.scatter.add.f32 [tilespmem:s10], [sflag:$0x7], $0x10, s19, s9, $0xb8;
	[tilespmem:$0x18880] =	vst v63  }
0xc9: {  	s1 =	rddreg [dreg:$0xc]  }
0xca: {  	[tilespmem:s3], [sflag:$0x3] =	stream.linear.gather [hbm4b:s1+s3], $0x7D0, $0x38;
	[tilespmem:$0x18880] =	vst v63  }
0xcb: {  	_ = 	snop  }
0xcc: {  	[tilespmem:s8], [sflag:$0x3] =	stream.linear.gather [hbm4b:s14+s3], $0x7D0, $0x38;
	[tilespmem:$0x18880] =	vst v63  }
0xcd: {  	_ =	swait.ge [sflag:s15], $0x7D0  }
0xce: {  	[sflag:s15] =	ssyncset.done $0x0  }
0xcf: {  	[sflag:s15] =	ssyncadd.s32 $0xFFFFF830  }
0xd0: {  	_ =	swait.ge [sflag:s15], $0x7D0  }
0xd1: {  	[sflag:s15] =	ssyncset.done $0x0  }
0xd2: {  	[sflag:s15] =	ssyncadd.s32 $0xFFFFF830  }
0xd3: {  	_ =	swait.ge [sflag:s11], $0x7D00  }
0xd4: {  	[sflag:s11] =	ssyncset.done $0x0  }
0xd5: {  	[sflag:s11] =	ssyncadd.s32 $0xFFFF8300  }
0xd6: {  	[tilespmem:s10], [sflag:$0x1] =	stream.indirect.gather [hbm4b:s4+s9], $0x10, s3, s9, $0xb8;
	[tilespmem:$0x18880] =	vst v63  }
0xd7: {  	_ =	swait.ge [sflag:s17], $0x7D00  }
0xd8: {  	[sflag:s17] =	ssyncset.done $0x0  }
0xd9: {  	[sflag:s17] =	ssyncadd.s32 $0xFFFF8300  }
0xda: {  	[spmem:s2] =	stream.indirect.scatter.add.f32 [tilespmem:s13], [sflag:$0x8], $0x10, s18, s9, $0xb8;
	[tilespmem:$0x18880] =	vst v63  }
0xdb: {  	_ =	swait.ge [sflag:s12], $0x7D00  }
0xdc: {  	[sflag:s12] =	ssyncset.done $0x0  }
0xdd: {  	[sflag:s12] =	ssyncadd.s32 $0xFFFF8300  }
0xde: {  	[spmem:s2] =	stream.indirect.scatter.add.f32 [tilespmem:s10], [sflag:$0x7], $0x10, s8, s9, $0xb8;
	[tilespmem:$0x18880] =	vst v63  }
0xdf: {  	_ =	swait.ge [sflag:s16], $0x7D00  }
0xe0: {  	[sflag:s16] =	ssyncset.done $0x0  }
0xe1: {  	[sflag:s16] =	ssyncadd.s32 $0xFFFF8300  }
0xe2: {  	_ =	swait.ge [sflag:s11], $0x7D00  }
0xe3: {  	p1 =	sne.s32 s30, $0x1;
	[sflag:s11] =	ssyncset.done $0x0  }
.Ltmp2:
0xe4: {  	[sflag:s11] =	ssyncadd.s32 $0xFFFF8300;
	(pc) =	sbr.rel @p1 .LBB2_3-.Ltmp2, $4  }
0xe5: {  	[bflag:$0x0] =	sbarrier.arrive $0xFFFF  }
0xe6: {  	[hbm:s6], [sflag:s28] =	dma.local [spmem:s29], $0x500  }
0xe7: {  	_ =	swait.ge [sflag:s7], $0x500  }
0xe8: {  	s30 =	sadd.s32 $0xFFFFFFFF, s30;
	s31 =	rddreg [dreg:$0x4];
	[sflag:s7] =	ssyncset.done $0x0  }
0xe9: {  	s29 =	rddreg [dreg:$0x2]  }
.LBB2_5:
0xea: {  	[sflag:s7] =	ssyncadd.s32 @p0 $0xFFFFFB00  }
0xeb: {  	[tilespmem:s3], [sflag:$0x3] =	stream.linear.gather [hbm4b:s31+s3], $0x7D0, $0x38;
	[tilespmem:$0x18880] =	vst v63  }
0xec: {  	s1 =	rddreg [dreg:$0x5]  }
0xed: {  	[tilespmem:s8], [sflag:$0x3] =	stream.linear.gather [hbm4b:s1+s3], $0x7D0, $0x38;
	[tilespmem:$0x18880] =	vst v63  }
0xee: {  	s28 =	rddreg [dreg:$0x6]  }
0xef: {  	[tilespmem:s9], [sflag:$0x4] =	stream.linear.gather [hbm4b:s28+s3], $0x7D0, $0x38;
	[tilespmem:$0x18880] =	vst v63  }
0xf0: {  	s31 =	rddreg [dreg:$0x7]  }
0xf1: {  	[tilespmem:s20], [sflag:$0x4] =	stream.linear.gather [hbm4b:s31+s3], $0x7D0, $0x38;
	[tilespmem:$0x18880] =	vst v63  }
0xf2: {  	_ =	swait.ge [sflag:s15], $0x7D0  }
0xf3: {  	[sflag:s15] =	ssyncset.done $0x0  }
0xf4: {  	[sflag:s15] =	ssyncadd.s32 $0xFFFFF830  }
0xf5: {  	_ =	swait.ge [sflag:s15], $0x7D0  }
0xf6: {  	[sflag:s15] =	ssyncset.done $0x0  }
0xf7: {  	[sflag:s15] =	ssyncadd.s32 $0xFFFFF830  }
0xf8: {  	[tilespmem:s10], [sflag:$0x1] =	stream.indirect.gather [hbm4b:s4+s9], $0x10, s3, s9, $0xb8;
	[tilespmem:$0x18880] =	vst v63  }
0xf9: {  	s28 =	rddreg [dreg:$0x3]  }
0xfa: {  	[tilespmem:s26], [sflag:$0x9] =	stream.linear.gather [hbm4b:s28+s3], $0x2800, $0x38;
	[tilespmem:$0x18880] =	vst v63  }
0xfb: {  	_ =	swait.ge [sflag:s7], $0x2800  }
0xfc: {  	[sflag:s7] =	ssyncset.done $0x0  }
0xfd: {  	[sflag:s7] =	ssyncadd.s32 $0xFFFFD800  }
0xfe: {  	[spmem:s5] =	stream.linear.scatter [tilespmem:s26], [sflag:$0x9], $0x2800, $0x38;
	[tilespmem:$0x18880] =	vst v63  }
0xff: {  	_ =	swait.ge [sflag:s7], $0x2800  }
0x100: {  	[sflag:s7] =	ssyncset.done $0x0  }
0x101: {  	[sflag:s7] =	ssyncadd.s32 $0xFFFFD800  }
0x102: {  	[bflag:$0x0] =	sbarrier.arrive $0xFFFF  }
0x103: {  	_ =	swait.ge [sflag:s25], $0x7D0  }
0x104: {  	[sflag:s25] =	ssyncset.done $0x0  }
0x105: {  	[sflag:s25] =	ssyncadd.s32 $0xFFFFF830  }
0x106: {  	_ =	swait.ge [sflag:s25], $0x7D0  }
0x107: {  	[sflag:s25] =	ssyncset.done $0x0  }
0x108: {  	[sflag:s25] =	ssyncadd.s32 $0xFFFFF830  }
0x109: {  	[tilespmem:s13], [sflag:$0x2] =	stream.indirect.gather [hbm4b:s4+s9], $0x10, s9, s9, $0xb8;
	[tilespmem:$0x18880] =	vst v63  }
0x10a: {  	_ =	swait.ge [sflag:s12], $0x7D00  }
0x10b: {  	[sflag:s12] =	ssyncset.done $0x0  }
0x10c: {  	[sflag:s12] =	ssyncadd.s32 $0xFFFF8300  }
0x10d: {  	[spmem:s2] =	stream.indirect.scatter.add.f32 [tilespmem:s10], [sflag:$0x7], $0x10, s8, s9, $0xb8;
	[tilespmem:$0x18880] =	vst v63  }
0x10e: {  	s30 =	rddreg [dreg:$0x8]  }
0x10f: {  	[tilespmem:s23], [sflag:$0x5] =	stream.linear.gather [hbm4b:s30+s3], $0x7D0, $0x38;
	[tilespmem:$0x18880] =	vst v63  }
0x110: {  	s31 =	rddreg [dreg:$0x9]  }
0x111: {  	[tilespmem:s19], [sflag:$0x5] =	stream.linear.gather [hbm4b:s31+s3], $0x7D0, $0x38;
	[tilespmem:$0x18880] =	vst v63  }
0x112: {  	_ =	swait.ge [sflag:s24], $0x7D0  }
0x113: {  	[sflag:s24] =	ssyncset.done $0x0  }
0x114: {  	[sflag:s24] =	ssyncadd.s32 $0xFFFFF830  }
0x115: {  	_ =	swait.ge [sflag:s24], $0x7D0  }
0x116: {  	[sflag:s24] =	ssyncset.done $0x0  }
0x117: {  	[sflag:s24] =	ssyncadd.s32 $0xFFFFF830  }
0x118: {  	_ =	swait.ge [sflag:s11], $0x7D00  }
0x119: {  	[sflag:s11] =	ssyncset.done $0x0  }
0x11a: {  	[sflag:s11] =	ssyncadd.s32 $0xFFFF8300  }
0x11b: {  	[tilespmem:s10], [sflag:$0x1] =	stream.indirect.gather [hbm4b:s4+s9], $0x10, s23, s9, $0xb8;
	[tilespmem:$0x18880] =	vst v63  }
0x11c: {  	_ =	swait.ge [sflag:s17], $0x7D00  }
0x11d: {  	[sflag:s17] =	ssyncset.done $0x0  }
0x11e: {  	[sflag:s17] =	ssyncadd.s32 $0xFFFF8300  }
0x11f: {  	[spmem:s2] =	stream.indirect.scatter.add.f32 [tilespmem:s13], [sflag:$0x8], $0x10, s20, s9, $0xb8;
	[tilespmem:$0x18880] =	vst v63  }
0x120: {  	s25 =	rddreg [dreg:$0xa]  }
0x121: {  	[tilespmem:s21], [sflag:$0x6] =	stream.linear.gather [hbm4b:s25+s3], $0x7D0, $0x38;
	[tilespmem:$0x18880] =	vst v63  }
0x122: {  	s26 =	rddreg [dreg:$0xb]  }
0x123: {  	[tilespmem:s18], [sflag:$0x6] =	stream.linear.gather [hbm4b:s26+s3], $0x7D0, $0x38;
	[tilespmem:$0x18880] =	vst v63  }
0x124: {  	_ =	swait.ge [sflag:s22], $0x7D0  }
0x125: {  	[sflag:s22] =	ssyncset.done $0x0  }
0x126: {  	[sflag:s22] =	ssyncadd.s32 $0xFFFFF830  }
0x127: {  	_ =	swait.ge [sflag:s22], $0x7D0  }
0x128: {  	[sflag:s22] =	ssyncset.done $0x0  }
0x129: {  	[sflag:s22] =	ssyncadd.s32 $0xFFFFF830  }
0x12a: {  	_ =	swait.ge [sflag:s16], $0x7D00  }
0x12b: {  	[sflag:s16] =	ssyncset.done $0x0  }
0x12c: {  	[sflag:s16] =	ssyncadd.s32 $0xFFFF8300  }
0x12d: {  	[tilespmem:s13], [sflag:$0x2] =	stream.indirect.gather [hbm4b:s4+s9], $0x10, s21, s9, $0xb8;
	[tilespmem:$0x18880] =	vst v63  }
0x12e: {  	_ =	swait.ge [sflag:s12], $0x7D00  }
0x12f: {  	[sflag:s12] =	ssyncset.done $0x0  }
0x130: {  	[sflag:s12] =	ssyncadd.s32 $0xFFFF8300  }
0x131: {  	[spmem:s2] =	stream.indirect.scatter.add.f32 [tilespmem:s10], [sflag:$0x7], $0x10, s19, s9, $0xb8;
	[tilespmem:$0x18880] =	vst v63  }
0x132: {  	s28 =	rddreg [dreg:$0xc]  }
0x133: {  	[tilespmem:s3], [sflag:$0x3] =	stream.linear.gather [hbm4b:s28+s3], $0x7D0, $0x38;
	[tilespmem:$0x18880] =	vst v63  }
0x134: {  	_ = 	snop  }
0x135: {  	[tilespmem:s8], [sflag:$0x3] =	stream.linear.gather [hbm4b:s14+s3], $0x7D0, $0x38;
	[tilespmem:$0x18880] =	vst v63  }
0x136: {  	_ =	swait.ge [sflag:s15], $0x7D0  }
0x137: {  	[sflag:s15] =	ssyncset.done $0x0  }
0x138: {  	[sflag:s15] =	ssyncadd.s32 $0xFFFFF830  }
0x139: {  	_ =	swait.ge [sflag:s15], $0x7D0  }
0x13a: {  	[sflag:s15] =	ssyncset.done $0x0  }
0x13b: {  	[sflag:s15] =	ssyncadd.s32 $0xFFFFF830  }
0x13c: {  	_ =	swait.ge [sflag:s11], $0x7D00  }
0x13d: {  	[sflag:s11] =	ssyncset.done $0x0  }
0x13e: {  	[sflag:s11] =	ssyncadd.s32 $0xFFFF8300  }
0x13f: {  	[tilespmem:s10], [sflag:$0x1] =	stream.indirect.gather [hbm4b:s4+s9], $0x10, s3, s9, $0xb8;
	[tilespmem:$0x18880] =	vst v63  }
0x140: {  	_ =	swait.ge [sflag:s17], $0x7D00  }
0x141: {  	[sflag:s17] =	ssyncset.done $0x0  }
0x142: {  	[sflag:s17] =	ssyncadd.s32 $0xFFFF8300  }
0x143: {  	[spmem:s2] =	stream.indirect.scatter.add.f32 [tilespmem:s13], [sflag:$0x8], $0x10, s18, s9, $0xb8;
	[tilespmem:$0x18880] =	vst v63  }
0x144: {  	_ =	swait.ge [sflag:s12], $0x7D00  }
0x145: {  	[sflag:s12] =	ssyncset.done $0x0  }
0x146: {  	[sflag:s12] =	ssyncadd.s32 $0xFFFF8300  }
0x147: {  	[spmem:s2] =	stream.indirect.scatter.add.f32 [tilespmem:s10], [sflag:$0x7], $0x10, s8, s9, $0xb8;
	[tilespmem:$0x18880] =	vst v63  }
0x148: {  	_ =	swait.ge [sflag:s16], $0x7D00  }
0x149: {  	[sflag:s16] =	ssyncset.done $0x0  }
0x14a: {  	[sflag:s16] =	ssyncadd.s32 $0xFFFF8300  }
0x14b: {  	_ =	swait.ge [sflag:s11], $0x7D00  }
0x14c: {  	[sflag:s11] =	ssyncset.done $0x0  }
0x14d: {  	s30 =	sshll.u32 s0, $0x6;
	[sflag:s11] =	ssyncadd.s32 $0xFFFF8300  }
0x14e: {  	s1 =	sor.u32 $0x1C09, s30;
	s31 =	sshrl.u32 s5, $0x3;
	[bflag:$0x0] =	sbarrier.arrive $0xFFFF  }
0x14f: {  	[hbm:s6], [sflag:s1] =	dma.local [spmem:s31], $0x500  }
0x150: {  	_ =	swait.ge [sflag:s7], $0x500  }
0x151: {  	[sflag:s7] =	ssyncset.done $0x0  }
0x152: {  	[sflag:s7] =	ssyncadd.s32 $0xFFFFFB00  }
0x153: {  	_ =	sfence.sel $0x180000  }
0x154: {  	[bflag:$0x0] =	sbarrier.arrive $0xFFFF  }
0x155: {  	p0 =	sne.s32 s0, $0x0;
	_ =	strace $0x9000004D  }
0x156: {  	s0 =	sadd.s32 @!p0 $0x100000, s29;
	[bflag:$0x2] =	sbarrier.arrive $0xFFFF  }
0x157: {  	[sflag:s0] =	ssyncadd.tile.s32 @!p0 $0x1;
	_ =	shalt  }
.LBB2_2:
.Ltmp3:
0x158: {  	(pc) =	sbr.rel .LBB2_5-.Ltmp3, $2  }
0x159: {  	_ =	sdelay $0x2  }
0x15a: {  	s29 =	rddreg [dreg:$0x2]  }
.Lfunc_end2:
_tile_overlayer_lowered:
.L_overlay_start_2:
0x15b: {  	(tag) =	ssettag $0x2  }
0x15c: {  	s0 =	rddreg [dreg:$0x0];
	s2 =	stileid.u32  }
0x15d: {  	s1 =	rddreg [dreg:$0x1];
	p0 =	sne.s32 s2, $0x0  }
0x15e: {  	s3 =	rddreg [dreg:$0x2];
	[bflag:$0x3] =	sbarrier.arrive $0xFFFF;
	s2 =	simm.s32 @!p0 $0x1C09  }
0x15f: {  	[timem:s3], [sflag:s2] =	dma.local @!p0 [hbm:s0], s1  }
0x160: {  	s0 =	simm.s32 @!p0 $0x9  }
0x161: {  	_ =	swait.ge @!p0 [sflag:s0], s1  }
0x162: {  	s1 =	ssub.s32 @!p0 $0x0, s1;
	[sflag:s0] =	ssyncset.done @!p0 $0x0  }
0x163: {  	[sflag:s0] =	ssyncadd.s32 @!p0 s1  }
0x164: {  	[bflag:$0x3] =	sbarrier.arrive $0xFFFF  }
0x165: {  	_ =	shalt  }

// kernel: kernel.9.cloned.1.call-start
scs
__scs_entry_jumppad:
0x0: {  	(pc) =	sbr.rel $0x88, $3  }
0x1: {  	(tag) =	ssettag $0x0;
	lr =	simm.s32 $0x1  }
0x2: {  	[smem:$0x3F9A] =	sst lr;
	_ =	strace $0xD0000000  }
0x3: {  	_ = 	snop  }
0x4: {  	_ = 	snop  }
0x5: {  	_ = 	snop  }
0x6: {  	_ = 	snop  }
0x7: {  	_ = 	snop  }
__scs_overlays_trampoline_lowered:
0x8: {  	[smem:$0x3FA9] =	sst s0  }
0x9: {  	[smem:$0x3FAA] =	sst s1  }
0xa: {  	[smem:$0x3FAB] =	sst s2  }
0xb: {  	[smem:$0x3FAC] =	sst s3  }
0xc: {  	[smem:$0x3FAD] =	sst s4  }
0xd: {  	[smem:$0x3FAE] =	sst s5  }
0xe: {  	[smem:$0x3FAF] =	sst s6  }
0xf: {  	[smem:$0x3FB0] =	sst s7  }
0x10: {  	[smem:$0x3FB1] =	sst s8  }
0x11: {  	[smem:$0x3FB2] =	sst s9;
	s0 =	simm.s32 @!p0 $0x0  }
0x12: {  	s1 =	sld [smem:$0x3F98];
	s0 =	simm.s32 @p0 $0x1  }
0x13: {  	[smem:$0x3FB3] =	sst s0;
	s0 =	simm.s32 @!p1 $0x0  }
0x14: {  	s2 =	sld [smem:$0x3F97];
	s0 =	simm.s32 @p1 $0x1  }
0x15: {  	[smem:$0x3FB4] =	sst s0;
	s0 =	simm.s32 @!p2 $0x0  }
0x16: {  	s3 =	sld [smem:$0x3FDB];
	s0 =	simm.s32 @p2 $0x1  }
0x17: {  	s4 =	simm.s32 $0x1BF5;
	[smem:$0x3FB6] =	sst s0  }
0x18: {  	s0 =	sld [smem:$0x3F99];
	_ =	swait.ge [sflag:s4], $0x0  }
0x19: {  	s7 =	sld [smem:$0x3F9A]  }
0x1a: {  	s8 =	sadd.s32 $0xFFFFE003, lr  }
0x1b: {  	s9 =	sadd.s32 $0xFFFFFEF7, lr;
	s5 =	simm.s32 $0xFFFFFFFF;
	p2 =	slt.u32 s8, $0xFFFFF086  }
0x1c: {  	p1 =	slt.u32 s9, $0xF7A;
	s5 =	simm.s32 @!p2 $0x0  }
0x1d: {  	s5 =	simm.s32 @p1 $0x1;
	p0 =	seq.s32 s7, s2  }
0x1e: {  	s7 =	smul.u32 @!p0 $0xF7A, s2;
	p2 =	seq.s32 @!p0 s5, $0x0  }
0x1f: {  	s9 =	smul.u32 $0xF7A, s1;
	s8 =	simm.s32 @!p0 $0x1BF5;
	p2 =	por !p2, p0  }
0x20: {  	[sflag:s8] =	ssyncset.s32 @!p0 $0xFFFFF086;
	s6 =	sadd.s32 @!p0 s3, s7;
	s7 =	simm.s32 @!p0 $0x108  }
0x21: {  	s3 =	sadd.s32 s3, s9;
	s6 =	sadd.s32 @!p0 $0x88, s6;
	s7 =	simm.s32 @p2 $0x1082  }
0x22: {  	[simem:s7], [sflag:s8] =	dma.local @!p0 [hbm:s6], $0xF7A  }
0x23: {  	s9 =	sor.u32 $0xD0000000, s2;
	s6 =	simm.s32 $0x108;
	_ =	swait.ge @!p0 [sflag:s8], $0x0  }
0x24: {  	s3 =	sadd.s32 $0x88, s3;
	s6 =	simm.s32 @!p1 $0x1082;
	[sflag:s4] =	ssyncset.s32 $0xFFFFF086  }
0x25: {  	[simem:s6], [sflag:s4] =	dma.local [hbm:s3], $0xF7A  }
0x26: {  	[smem:$0x3F9A] =	sst s1;
	(tag) =	ssettag s2;
	_ =	strace s9  }
0x27: {  	s1 =	sld [smem:$0x3FAA]  }
0x28: {  	s2 =	sld [smem:$0x3FAB]  }
0x29: {  	s4 =	sld [smem:$0x3FAD]  }
0x2a: {  	p0 =	seq.s32 s5, $0x0;
	s5 =	sld [smem:$0x3FAE]  }
0x2b: {  	s6 =	sld [smem:$0x3FAF]  }
0x2c: {  	s7 =	sld [smem:$0x3FB0]  }
0x2d: {  	s3 =	simm.s32 $0x108;
	s8 =	sld [smem:$0x3FB1]  }
0x2e: {  	s3 =	simm.s32 @!p0 $0x1082;
	s9 =	sld [smem:$0x3FB2]  }
0x2f: {  	lr =	sadd.s32 s0, s3;
	s0 =	sld [smem:$0x3FA9]  }
0x30: {  	s3 =	sld [smem:$0x3FAC]  }
0x31: {  	[smem:$0x3FB5] =	sst s10  }
0x32: {  	s10 =	sld [smem:$0x3FB3];
	_ =	sdelay $0x3  }
0x33: {  	p0 =	seq.s32 s10, $0x1;
	s10 =	sld [smem:$0x3FB5];
	_ =	sdelay $0x3  }
0x34: {  	[smem:$0x3FB5] =	sst s10  }
0x35: {  	s10 =	sld [smem:$0x3FB4];
	_ =	sdelay $0x3  }
0x36: {  	p1 =	seq.s32 s10, $0x1;
	s10 =	sld [smem:$0x3FB5];
	_ =	sdelay $0x3  }
0x37: {  	[smem:$0x3FB5] =	sst s10  }
0x38: {  	s10 =	sld [smem:$0x3FB6]  }
0x39: {  	_ = 	snop;
	(pc) =	sbr.ind lr, $3  }
0x3a: {  	_ = 	snop  }
0x3b: {  	_ = 	snop  }
0x3c: {  	p2 =	seq.s32 s10, $0x1;
	s10 =	sld [smem:$0x3FB5]  }
0x3d: {  	_ =	shalt  }
0x3e: {  	_ =	shalt  }
0x3f: {  	_ =	shalt  }
0x40: {  	_ =	shalt  }
0x41: {  	_ =	shalt  }
0x42: {  	_ =	shalt  }
0x43: {  	_ =	shalt  }
0x44: {  	_ =	shalt  }
0x45: {  	_ =	shalt  }
0x46: {  	_ =	shalt  }
0x47: {  	_ =	shalt  }
0x48: {  	_ =	shalt  }
0x49: {  	_ =	shalt  }
0x4a: {  	_ =	shalt  }
0x4b: {  	_ =	shalt  }
0x4c: {  	_ =	shalt  }
0x4d: {  	_ =	shalt  }
0x4e: {  	_ =	shalt  }
0x4f: {  	_ =	shalt  }
0x50: {  	_ =	shalt  }
0x51: {  	_ =	shalt  }
0x52: {  	_ =	shalt  }
0x53: {  	_ =	shalt  }
0x54: {  	_ =	shalt  }
0x55: {  	_ =	shalt  }
0x56: {  	_ =	shalt  }
0x57: {  	_ =	shalt  }
0x58: {  	_ =	shalt  }
0x59: {  	_ =	shalt  }
0x5a: {  	_ =	shalt  }
0x5b: {  	_ =	shalt  }
0x5c: {  	_ =	shalt  }
0x5d: {  	_ =	shalt  }
0x5e: {  	_ =	shalt  }
0x5f: {  	_ =	shalt  }
0x60: {  	_ =	shalt  }
0x61: {  	_ =	shalt  }
0x62: {  	_ =	shalt  }
0x63: {  	_ =	shalt  }
0x64: {  	_ =	shalt  }
0x65: {  	_ =	shalt  }
0x66: {  	_ =	shalt  }
0x67: {  	_ =	shalt  }
0x68: {  	_ =	shalt  }
0x69: {  	_ =	shalt  }
0x6a: {  	_ =	shalt  }
0x6b: {  	_ =	shalt  }
0x6c: {  	_ =	shalt  }
0x6d: {  	_ =	shalt  }
0x6e: {  	_ =	shalt  }
0x6f: {  	_ =	shalt  }
0x70: {  	_ =	shalt  }
0x71: {  	_ =	shalt  }
0x72: {  	_ =	shalt  }
0x73: {  	_ =	shalt  }
0x74: {  	_ =	shalt  }
0x75: {  	_ =	shalt  }
0x76: {  	_ =	shalt  }
0x77: {  	_ =	shalt  }
0x78: {  	_ =	shalt  }
0x79: {  	_ =	shalt  }
0x7a: {  	_ =	shalt  }
0x7b: {  	_ =	shalt  }
0x7c: {  	_ =	shalt  }
0x7d: {  	_ =	shalt  }
0x7e: {  	_ =	shalt  }
0x7f: {  	_ =	shalt  }
0x80: {  	_ =	shalt  }
0x81: {  	_ =	shalt  }
0x82: {  	_ =	shalt  }
0x83: {  	_ =	shalt  }
0x84: {  	_ =	shalt  }
0x85: {  	_ =	shalt  }
0x86: {  	_ =	shalt  }
0x87: {  	_ =	shalt  }
.Lfunc_end0:
.L_simem_size_0:
called_computation_lowered:
.L_overlay_start_0:
0x88: {  	s2 =	sld [smem:$0x3FD9]  }
0x89: {  	s3 =	sld [smem:$0x3FFE];
	_ =	sdelay $0x1  }
0x8a: {  	s1 =	srdreg.scid  }
0x8b: {  	s0 =	sand.u32 $0x1, s1  }
0x8c: {  	s17 =	sshll.u32 s0, $0xA;
	s2 =	sadd.s32 s3, s2  }
0x8d: {  	s2 =	sadd.s32 s2, s17  }
0x8e: {  	[smem:$0x3FC1] =	sst s2  }
0x8f: {  	_ = 	snop  }
0x90: {  	s2 =	sld [smem:$0x3FD0];
	(tm) =	ssettm $0x1  }
0x91: {  	s18 =	sld [smem:$0x3FFB];
	_ =	sdelay $0x3  }
0x92: {  	_ =	strace s18  }
0x93: {  	s3 =	sld [smem:$0x3FFC];
	_ =	sdelay $0x3  }
0x94: {  	_ =	strace s3  }
0x95: {  	s3 =	sld [smem:$0x3FFD];
	_ =	sdelay $0x3  }
0x96: {  	_ =	strace s3  }
0x97: {  	_ =	strace $0x8FFFFFFF  }
0x98: {  	s19 =	sld [smem:$0x3FDB];
	_ =	sdelay $0x1  }
0x99: {  	s4 =	simm.s32 $_scs_section_size  }
0x9a: {  	s5 =	simm.s32 $_size__tile_overlayer_lowered;
	s6 =	simm.s32 $_tile_overlayer_lowered  }
0x9b: {  	s22 =	simm.s32 $0x1BFF;
	s21 =	sshll.u32 s6, $0x1;
	s3 =	sadd.s32 s4, s19  }
0x9c: {  	s7 =	simm.s32 $0x0;
	s20 =	sshll.u32 s5, $0x1;
	s5 =	sadd.s32 s21, s3  }
0x9d: {  	[timem:s7], [sflag:s22] =	dma.local [hbm:s5], s20  }
0x9e: {  	_ =	swait.ge [sflag:s22], s20  }
0x9f: {  	s4 =	ssub.s32 $0x0, s20;
	[sflag:s22] =	ssyncset.done $0x0  }
0xa0: {  	[sflag:s22] =	ssyncadd.s32 s4;
	_ =	sdelay $0x1  }
0xa1: {  	s23 =	simm.s32 $0x1B8B  }
0xa2: {  	_ =	swait.ge [sflag:s23], $0x1  }
0xa3: {  	[sflag:s23] =	ssyncset.done $0x0  }
0xa4: {  	s25 =	simm.s32 $0x1B8E;
	s24 =	sld [smem:$0x3FFE];
	[sflag:s23] =	ssyncadd.s32 $0xFFFFFFFF  }
0xa5: {  	s26 =	simm.s32 $execute0_lowered;
	[smem:$0x3FD2] =	sst s25  }
0xa6: {  	s5 =	sshll.u32 s26, $0x1;
	_ =	strace $0x80000046;
	[dreg:$0x1] =	wrdreg $0xFFFFFFFF  }
0xa7: {  	s28 =	simm.s32 $_size_execute0_lowered;
	s3 =	sadd.s32 s3, s5;
	[dreg:$0x0] =	wrdreg $0x0  }
0xa8: {  	s5 =	sshll.u32 s28, $0x1;
	[dreg:$0x2] =	wrdreg s3  }
0xa9: {  	[dreg:$0x3] =	wrdreg s5  }
0xaa: {  	[dreg:$0x4] =	wrdreg $0xC0  }
0xab: {  	_ =	task [dreg:s7], $0x5FFFF  }
0xac: {  	[dreg:$0x1] =	wrdreg $0xFFFFFFFF  }
0xad: {  	[dreg:$0x0] =	wrdreg $0x60  }
0xae: {  	[dreg:$0x2] =	wrdreg s24  }
0xaf: {  	[dreg:$0x3] =	wrdreg s2  }
0xb0: {  	[dreg:$0x4] =	wrdreg $0x78A00  }
0xb1: {  	[dreg:$0x5] =	wrdreg $0x9  }
0xb2: {  	_ =	task.clear_ibuf [dreg:s7], $0x6FFFF;
	_ =	strace $0x90000046  }
0xb3: {  	s29 =	simm.s32 $0x9;
	_ =	strace $0x80000048  }
0xb4: {  	_ =	swait.ge [sflag:s29], $0x1  }
0xb5: {  	[sflag:s29] =	ssyncadd.s32 $0xFFFFFFFF  }
0xb6: {  	_ =	strace $0x90000048  }
0xb7: {  	_ =	sfence  }
0xb8: {  	s30 =	sld [smem:$0x0];
	_ =	sdelay $0x2  }
0xb9: {  	s31 =	sshll.u32 s1, $0xD;
	s1 =	sshrl.u32 s1, $0x2  }
0xba: {  	s3 =	sand.u32 $0x4000, s31;
	s1 =	sadd.s32 s1, s30  }
0xbb: {  	s0 =	sor.u32 s3, s0;
	s1 =	sshll.u32 s1, $0x11  }
0xbc: {  	s0 =	sor.u32 s1, s0  }
0xbd: {  	s0 =	sadd.s32 $0x8F2B, s0  }
0xbe: {  	[sflag:s0] =	ssyncadd.remote.s32 $0x1  }
0xbf: {  	_ =	sfence.sel $0xFFFF  }
0xc0: {  	[dreg:$0x0] =	wrdreg $0xFFFFFFFF;
	(pc) =	sbr.abs _section_cstart, $3  }
0xc1: {  	[dreg:$0x1] =	wrdreg $0xFFFFFFFF  }
0xc2: {  	_ =	task.clear_ibuf [dreg:s7], $0x2FFFF;
	_ =	strace $0x9FFFFFFF  }
0xc3: {  	(tm) =	ssettm $0x7FFFFFFF  }
tec
execute0_lowered:
.L_overlay_start_1:
0x0: {  	(tag) =	ssettag $0x1  }
0x1: {  	s6 =	rddreg [dreg:$0x0]  }
0x2: {  	s1 =	rddreg [dreg:$0x1]  }
0x3: {  	s3 =	rddreg [dreg:$0x2]  }
0x4: {  	s0 =	srdreg.scid;
	s2 =	rddreg [dreg:$0x3];
	s4 =	simm.s32 $0x0  }
0x5: {  	s12 =	simm.s32 $0x2710;
	s13 =	simm.s32 $0x1;
	s7 =	sand.u32 $0x1, s0  }
0x6: {  	s14 =	simm.s32 $0x50A0;
	s0 =	stileid.u32;
	s5 =	smul.u32 $0x28000, s7  }
0x7: {  	s15 =	simm.s32 $0x0;
	[smem:$0x7FF] =	sst s4;
	s8 =	smul.u32 $0x2800, s0  }
0x8: {  	s9 =	sshll.u32 s0, $0x1;
	_ =	strace $0x80000047;
	s10 =	smul.u32 $0xA00, s0  }
0x9: {  	s9 =	sor.u32 s7, s9;
	s7 =	ssub.s32 $0x2, s7;
	s8 =	sadd.s32 s8, s5  }
0xa: {  	s9 =	smul.u32 $0x2710, s9;
	s5 =	sadd.s32 $0x16600, s6;
	s11 =	sshrl.u32 s7, $0x1  }
0xb: {  	s31 =	sshrl.u32 s10, $0x2;
	s10 =	simm.s32 $0x4E20;
	s8 =	sshrl.u32 s8, $0x3  }
0xc: {  	s30 =	ssub.s32 s7, s11;
	s7 =	sadd.s32 s31, s3;
	s9 =	sshrl.u32 s9, $0x3  }
0xd: {  	s11 =	simm.s32 $0x2;
	s8 =	sadd.s32 s8, s6;
	s6 =	sadd.s32 s6, s9  }
0xe: {  	s8 =	sadd.s32 $0x16C00, s8;
	s9 =	smax.u32 s30, $0x1;
	s6 =	sadd.s32 $0xC840, s6  }
.LBB2_1:
0xf: {  	[tilespmem:s4], [sflag:$0x1] =	stream.linear.gather [hbm4b:s6+s4], $0x2710, $0x38;
	[tilespmem:$0x7B20] =	vst v63  }
0x10: {  	_ = 	snop  }
0x11: {  	[tilespmem:s10], [sflag:$0x2] =	stream.linear.gather [hbm4b:s1+s4], $0x280, $0x38;
	[tilespmem:$0x7B20] =	vst v63  }
0x12: {  	_ =	swait.ge [sflag:s11], $0x280  }
0x13: {  	[sflag:s11] =	ssyncset.done $0x0  }
0x14: {  	[sflag:s11] =	ssyncadd.s32 $0xFFFFFD80  }
0x15: {  	[tilespmem:s12], [sflag:$0x2] =	stream.linear.gather [hbm4b:s5+s4], $0x2710, $0x38;
	[tilespmem:$0x7B20] =	vst v63  }
0x16: {  	_ =	swait.ge [sflag:s11], $0x2710  }
0x17: {  	[sflag:s11] =	ssyncset.done $0x0  }
0x18: {  	[sflag:s11] =	ssyncadd.s32 $0xFFFFD8F0  }
0x19: {  	[spmem:s7] =	stream.linear.scatter [tilespmem:s10], [sflag:$0x2], $0x280, $0x38;
	[tilespmem:$0x7B20] =	vst v63  }
0x1a: {  	_ =	swait.ge [sflag:s11], $0x280  }
0x1b: {  	[sflag:s11] =	ssyncset.done $0x0  }
0x1c: {  	[sflag:s11] =	ssyncadd.s32 $0xFFFFFD80  }
0x1d: {  	[bflag:$0x0] =	sbarrier.arrive $0xFFFF  }
0x1e: {  	_ =	swait.ge [sflag:s13], $0x2710  }
0x1f: {  	[sflag:s13] =	ssyncset.done $0x0  }
0x20: {  	[sflag:s13] =	ssyncadd.s32 $0xFFFFD8F0  }
0x21: {  	[spmem:s3] =	stream.indirect.scatter.add.f32 [tilespmem:s12], [sflag:$0x2], $0x1, s4, s12, $0xb8;
	[tilespmem:$0x7B20] =	vst v63  }
0x22: {  	_ =	swait.ge [sflag:s11], $0x2710  }
0x23: {  	[sflag:s11] =	ssyncset.done $0x0  }
0x24: {  	[sflag:s11] =	ssyncadd.s32 $0xFFFFD8F0  }
0x25: {  	[bflag:$0x0] =	sbarrier.arrive $0xFFFF  }
0x26: {  	[tilespmem:s10], [sflag:$0x2] =	stream.linear.gather [spmem:s7], $0x280, $0x38;
	[tilespmem:$0x7B20] =	vst v63  }
0x27: {  	_ =	swait.ge [sflag:s11], $0x280  }
0x28: {  	[sflag:s11] =	ssyncset.done $0x0  }
0x29: {  	s16 =	simm.s32 $0x0;
	[sflag:s11] =	ssyncadd.s32 $0xFFFFFD80  }
0x2a: {  	v0 =	vld [tilespmem:s16+$0x4E20];
	_ =	sdelay $0x4  }
0x2b: {  	v1 =	vbroadcast v0, $0x0  }
0x2c: {  	s16 =	simm.s32 $0x5120;
	v2 =	vbroadcast v0, $0x1  }
0x2d: {  	v3 =	vbroadcast v0, $0x2;
	[tilespmem:s16+$0xFFFFFF80] =	vst v1  }
0x2e: {  	v52 =	vbroadcast v0, $0x3;
	[tilespmem:s16+$0xFFFFFF90] =	vst v2  }
0x2f: {  	v53 =	vbroadcast v0, $0x4;
	[tilespmem:s16+$0xFFFFFFA0] =	vst v3  }
0x30: {  	v54 =	vbroadcast v0, $0x5;
	[tilespmem:s16+$0xFFFFFFB0] =	vst v52  }
0x31: {  	v55 =	vbroadcast v0, $0x6;
	[tilespmem:s16+$0xFFFFFFC0] =	vst v53  }
0x32: {  	v56 =	vbroadcast v0, $0x7;
	[tilespmem:s16+$0xFFFFFFD0] =	vst v54  }
0x33: {  	v57 =	vbroadcast v0, $0x8;
	[tilespmem:s16+$0xFFFFFFE0] =	vst v55  }
0x34: {  	v58 =	vbroadcast v0, $0x9;
	[tilespmem:s16+$0xFFFFFFF0] =	vst v56  }
0x35: {  	v59 =	vbroadcast v0, $0xA;
	[tilespmem:s16+$0x0] =	vst v57  }
0x36: {  	v60 =	vbroadcast v0, $0xB;
	[tilespmem:s16+$0x10] =	vst v58  }
0x37: {  	v61 =	vbroadcast v0, $0xC;
	[tilespmem:s16+$0x20] =	vst v59  }
0x38: {  	v62 =	vbroadcast v0, $0xD;
	[tilespmem:s16+$0x30] =	vst v60  }
0x39: {  	v63 =	vbroadcast v0, $0xE;
	[tilespmem:s16+$0x40] =	vst v61  }
0x3a: {  	v0 =	vbroadcast v0, $0xF;
	[tilespmem:s16+$0x50] =	vst v62  }
0x3b: {  	[tilespmem:s16+$0x60] =	vst v63  }
0x3c: {  	s18 =	simm.s32 $0x10;
	s17 =	simm.s32 $0x80;
	[tilespmem:s16+$0x70] =	vst v0  }
.LBB2_2:
0x3d: {  	p0 =	sne.s32 s17, $0x9C0;
	v0 =	vld [tilespmem:s18+$0x4E20];
	_ =	sdelay $0x4  }
0x3e: {  	v1 =	vbroadcast v0, $0x0;
	v2 =	vbroadcast v0, $0x1  }
0x3f: {  	s16 =	sadd.s32 $0x100, s16;
	v3 =	vbroadcast v0, $0x2;
	v4 =	vbroadcast v0, $0x3  }
0x40: {  	v5 =	vbroadcast v0, $0x5;
	[tilespmem:s16+$0xFFFFFF80] =	vst v1;
	v1 =	vbroadcast v0, $0x4  }
0x41: {  	v6 =	vbroadcast v0, $0x7;
	[tilespmem:s16+$0xFFFFFF90] =	vst v2;
	v2 =	vbroadcast v0, $0x6  }
0x42: {  	v7 =	vbroadcast v0, $0x9;
	[tilespmem:s16+$0xFFFFFFA0] =	vst v3;
	v3 =	vbroadcast v0, $0x8  }
0x43: {  	v8 =	vbroadcast v0, $0xB;
	[tilespmem:s16+$0xFFFFFFB0] =	vst v4;
	v4 =	vbroadcast v0, $0xA  }
0x44: {  	v9 =	vbroadcast v0, $0xD;
	[tilespmem:s16+$0xFFFFFFC0] =	vst v1;
	v1 =	vbroadcast v0, $0xC  }
0x45: {  	[tilespmem:s16+$0xFFFFFFD0] =	vst v5;
	v5 =	vbroadcast v0, $0xE;
	v0 =	vbroadcast v0, $0xF  }
0x46: {  	[tilespmem:s16+$0xFFFFFFE0] =	vst v2  }
0x47: {  	[tilespmem:s16+$0xFFFFFFF0] =	vst v6  }
0x48: {  	[tilespmem:s16+$0x0] =	vst v3  }
0x49: {  	[tilespmem:s16+$0x10] =	vst v7  }
0x4a: {  	[tilespmem:s16+$0x20] =	vst v4  }
.Ltmp0:
0x4b: {  	[tilespmem:s16+$0x30] =	vst v8;
	(pc) =	sbr.rel @p0 .LBB2_2-.Ltmp0, $4  }
0x4c: {  	[tilespmem:s16+$0x40] =	vst v1  }
0x4d: {  	[tilespmem:s16+$0x50] =	vst v9  }
0x4e: {  	[tilespmem:s16+$0x60] =	vst v5  }
0x4f: {  	s18 =	sshra.s32 s17, $0x2;
	s17 =	sadd.s32 $0x40, s17;
	[tilespmem:s16+$0x70] =	vst v0  }
0x50: {  	v0 =	vld [tilespmem:s18+$0x4E20];
	_ =	sdelay $0x4  }
0x51: {  	v1 =	vbroadcast v0, $0x0  }
0x52: {  	s16 =	sadd.s32 $0x100, s16;
	v2 =	vbroadcast v0, $0x1  }
0x53: {  	v3 =	vbroadcast v0, $0x2;
	[tilespmem:s16+$0xFFFFFF80] =	vst v1  }
0x54: {  	v52 =	vbroadcast v0, $0x3;
	[tilespmem:s16+$0xFFFFFF90] =	vst v2  }
0x55: {  	v53 =	vbroadcast v0, $0x4;
	[tilespmem:s16+$0xFFFFFFA0] =	vst v3  }
0x56: {  	v54 =	vbroadcast v0, $0x5;
	[tilespmem:s16+$0xFFFFFFB0] =	vst v52  }
0x57: {  	v55 =	vbroadcast v0, $0x6;
	[tilespmem:s16+$0xFFFFFFC0] =	vst v53  }
0x58: {  	v56 =	vbroadcast v0, $0x7;
	[tilespmem:s16+$0xFFFFFFD0] =	vst v54  }
0x59: {  	v57 =	vbroadcast v0, $0x8;
	[tilespmem:s16+$0xFFFFFFE0] =	vst v55  }
0x5a: {  	v58 =	vbroadcast v0, $0x9;
	[tilespmem:s16+$0xFFFFFFF0] =	vst v56  }
0x5b: {  	v59 =	vbroadcast v0, $0xA;
	[tilespmem:s16+$0x0] =	vst v57  }
0x5c: {  	v60 =	vbroadcast v0, $0xB;
	[tilespmem:s16+$0x10] =	vst v58  }
0x5d: {  	v61 =	vbroadcast v0, $0xC;
	[tilespmem:s16+$0x20] =	vst v59  }
0x5e: {  	v62 =	vbroadcast v0, $0xD;
	[tilespmem:s16+$0x30] =	vst v60  }
0x5f: {  	v63 =	vbroadcast v0, $0xE;
	[tilespmem:s16+$0x40] =	vst v61  }
0x60: {  	s15 =	sadd.s32 $0x1, s15;
	v0 =	vbroadcast v0, $0xF;
	[tilespmem:s16+$0x50] =	vst v62  }
0x61: {  	p0 =	sne.s32 s15, s9;
	[tilespmem:s16+$0x60] =	vst v63  }
.Ltmp1:
0x62: {  	[tilespmem:s16+$0x70] =	vst v0;
	(pc) =	sbr.rel @p0 .LBB2_1-.Ltmp1, $4  }
0x63: {  	[hbm4b:s8+s4] =	stream.linear.scatter [tilespmem:s14], [sflag:$0x2], $0x2800, $0x38;
	[tilespmem:$0x7B20] =	vst v63  }
0x64: {  	_ =	swait.ge [sflag:s11], $0x2800  }
0x65: {  	[sflag:s11] =	ssyncset.done $0x0  }
0x66: {  	[sflag:s11] =	ssyncadd.s32 $0xFFFFD800  }
0x67: {  	_ =	sfence.sel $0x180000  }
0x68: {  	[bflag:$0x0] =	sbarrier.arrive $0xFFFF  }
0x69: {  	p0 =	sne.s32 s0, $0x0;
	_ =	strace $0x90000047  }
0x6a: {  	s0 =	sadd.s32 @!p0 $0x100000, s2;
	[bflag:$0x2] =	sbarrier.arrive $0xFFFF  }
0x6b: {  	[sflag:s0] =	ssyncadd.tile.s32 @!p0 $0x1;
	_ =	shalt  }
.Lfunc_end2:
_tile_overlayer_lowered:
.L_overlay_start_2:
0x6c: {  	(tag) =	ssettag $0x2  }
0x6d: {  	s0 =	rddreg [dreg:$0x0];
	s2 =	stileid.u32  }
0x6e: {  	s1 =	rddreg [dreg:$0x1];
	p0 =	sne.s32 s2, $0x0  }
0x6f: {  	s3 =	rddreg [dreg:$0x2];
	[bflag:$0x3] =	sbarrier.arrive $0xFFFF;
	s2 =	simm.s32 @!p0 $0x1C02  }
0x70: {  	[timem:s3], [sflag:s2] =	dma.local @!p0 [hbm:s0], s1  }
0x71: {  	s0 =	simm.s32 @!p0 $0x2  }
0x72: {  	_ =	swait.ge @!p0 [sflag:s0], s1  }
0x73: {  	s1 =	ssub.s32 @!p0 $0x0, s1;
	[sflag:s0] =	ssyncset.done @!p0 $0x0  }
0x74: {  	[sflag:s0] =	ssyncadd.s32 @!p0 s1  }
0x75: {  	[bflag:$0x3] =	sbarrier.arrive $0xFFFF  }
0x76: {  	_ =	shalt  }

</sc_bundles>
